<compile_context>
chip_gen: v7x
topology: tpu7x:2x2x1
jax: 0.10.2.dev20260603
libtpu: 0.0.44.dev20260713+nightly
codegen_flags: <defaults>
</compile_context>

<pallas_src>
import functools

import jax
import jax.numpy as jnp
from jax import lax
from jax.experimental import pallas as pl
from jax.experimental.pallas import tpu as pltpu
from jax.experimental.pallas import tpu_sc as plsc

H = 2048
W = 2048
NCH_IN = 10
NCH_OUT = 8
L = 16

NC = 2
NS = 16
NW = NC * NS
ROWS_W = H // NW
CR = 8
CC = 256
CPIX = CR * CC
STRIPES = ROWS_W // CR
COLCH = W // CC
N_CHUNKS = STRIPES * COLCH
GROUPS = CPIX // L
NBI = 4
NBO = 2


def _sc_histogram(x):
    mesh = plsc.VectorSubcoreMesh(core_axis_name="c", subcore_axis_name="s")

    @functools.partial(
        pl.kernel,
        out_type=jax.ShapeDtypeStruct((1, NCH_OUT, H, W), jnp.float32),
        mesh=mesh,
        scratch_types=[
            pltpu.VMEM((NBI, NCH_IN, CR, CC), jnp.float32),
            pltpu.VMEM((NBO, NCH_OUT, CR, CC), jnp.float32),
            pltpu.SemaphoreType.DMA,
            pltpu.SemaphoreType.DMA,
            pltpu.SemaphoreType.DMA,
            pltpu.SemaphoreType.DMA,
            pltpu.SemaphoreType.DMA,
            pltpu.SemaphoreType.DMA,
        ],
    )
    def k(x_hbm, out_hbm, in_v, out_v, si0, si1, si2, si3, so0, so1):
        cid = lax.axis_index("c")
        sid = lax.axis_index("s")
        wid = sid * NC + cid
        row_base = wid * ROWS_W
        s_in = (si0, si1, si2, si3)
        s_out = (so0, so1)

        def chunk_rc(j):
            r0 = row_base + (j >> 3) * CR
            c0 = (j & 7) * CC
            return r0, c0

        def in_copy(j, b):
            r0, c0 = chunk_rc(j)
            return pltpu.make_async_copy(
                x_hbm.at[0, :, pl.ds(r0, CR), pl.ds(c0, CC)],
                in_v.at[b], s_in[b])

        def out_copy(j, b):
            r0, c0 = chunk_rc(j)
            return pltpu.make_async_copy(
                out_v.at[b],
                out_hbm.at[0, :, pl.ds(r0, CR), pl.ds(c0, CC)],
                s_out[b])

        def compute(b, bo):
            @plsc.parallel_loop(0, GROUPS, unroll=4)
            def group_body(i):
                r = i >> 4
                sl = pl.ds((i & 15) * L, L)
                v = [in_v[b, ch, r, sl] for ch in range(NCH_OUT)]
                m = jnp.maximum(v[0], v[1])
                m2 = jnp.maximum(v[2], v[3])
                m3 = jnp.maximum(v[4], v[5])
                m4 = jnp.maximum(v[6], v[7])
                m = jnp.maximum(jnp.maximum(m, m2), jnp.maximum(m3, m4))
                dx = in_v[b, 8, r, sl]
                dy = in_v[b, 9, r, sl]
                s2 = dx * dx + dy * dy
                bits = lax.bitcast_convert_type(s2, jnp.int32)
                y = lax.bitcast_convert_type(
                    jnp.int32(0x5F3759DF) - (bits >> 1), jnp.float32)
                h = 0.5 * s2
                y = y * (1.5 - h * y * y)
                mag = s2 * y
                for ch in range(NCH_OUT):
                    out_v[bo, ch, r, sl] = jnp.where(v[ch] == m, mag, 0.0)

        for b in range(NBI):
            in_copy(b, b).start()

        def loop_body(t, carry):
            for b in range(NBI):
                jj = t * NBI + b
                bo = b % NBO
                in_copy(jj, b).wait()

                @pl.when(jj >= NBO)
                def _():
                    out_copy(jj - NBO, bo).wait()

                compute(b, bo)
                out_copy(jj, bo).start()

                @pl.when(jj + NBI < N_CHUNKS)
                def _():
                    in_copy(jj + NBI, b).start()
            return carry

        lax.fori_loop(0, N_CHUNKS // NBI, loop_body, 0)
        for j in range(N_CHUNKS - NBO, N_CHUNKS):
            out_copy(j, j % NBO).wait()

    return k(x)


def kernel(x):
    return _sc_histogram(x)

# --- scband reference (transcript-rebuilt; emitter-appended) ---
"""Pipeline reference for scband-histogram-layer-51986284150877 (READ-ONLY COPY).

The authoritative reference and input builder live on the scoring server;
editing this copy changes nothing except your own understanding.
"""

import jax, jax.numpy as jnp
import numpy as np


def setup_inputs(seed: int = 0) -> dict:
    key = jax.random.key(seed)
    x = jax.random.normal(key, (1, 10, 2048, 2048), dtype=jnp.float32)
    return {"x": x}


def reference(x):
    # Split channels: first 8 are cosines, last 2 are (dx, dy) image gradients.
    cosines = x[:, :8, :, :]          # (1, 8, M, N)
    im_grads = x[:, 8:, :, :]         # (1, 2, M, N)

    # Per-pixel gradient magnitude: L2 norm over the (dx, dy) channel fibre.
    magnitudes = jnp.linalg.norm(im_grads, axis=1, keepdims=True)  # (1, 1, M, N)

    # Binary occupancy tensor: 1 at the argmax channel within each fibre of 8 cosines.
    max_idx = jnp.argmax(cosines, axis=1)                # (1, M, N) int
    occupancy = jax.nn.one_hot(max_idx, 8, axis=1, dtype=x.dtype)  # (1, 8, M, N)

    # Weighted histogram: elementwise product of magnitude and occupancy.
    per_px_histogram = occupancy * magnitudes            # (1, 8, M, N)
    return per_px_histogram

if __name__ == "__main__":
    import jax
    _d = setup_inputs()
    print(jax.jit(kernel)(*tuple(_d.values())))

</pallas_src>

<mosaic_0001>
#map = affine_map<(d0, d1) -> (0, 0, 0, 0)>
module attributes {stable_mosaic.version = 14 : i64} {
  func.func @k(%arg0: i32, %arg1: i32, %arg2: memref<1x10x2048x2048xf32, #tpu.memory_space<hbm>>, %arg3: memref<1x8x2048x2048xf32, #tpu.memory_space<hbm>>, %arg4: memref<4x10x8x256xf32, #tpu.memory_space<vmem>>, %arg5: memref<2x8x8x256xf32, #tpu.memory_space<vmem>>, %arg6: memref<!tpu.dma_semaphore, #tpu.memory_space<semaphore_mem>>, %arg7: memref<!tpu.dma_semaphore, #tpu.memory_space<semaphore_mem>>, %arg8: memref<!tpu.dma_semaphore, #tpu.memory_space<semaphore_mem>>, %arg9: memref<!tpu.dma_semaphore, #tpu.memory_space<semaphore_mem>>, %arg10: memref<!tpu.dma_semaphore, #tpu.memory_space<semaphore_mem>>, %arg11: memref<!tpu.dma_semaphore, #tpu.memory_space<semaphore_mem>>) attributes {dimension_semantics = [#tpu.dimension_semantics<core_parallel>, #tpu.dimension_semantics<subcore_parallel>], iteration_bounds = array<i64: 2, 16>, scalar_prefetch = 0 : i64, scratch_operands = 8 : i64, tpu.core_type = #tpu.core_type<sc_vector_subcore>, window_params = [{transform_indices = #map}, {transform_indices = #map}]} {
    %mul3A = arith.constant 2 : i32
    %mul3A_0 = arith.muli %arg1, %mul3A : i32
    %add3A = arith.addi %mul3A_0, %arg0 : i32
    %mul3A_1 = arith.constant 64 : i32
    %mul3A_2 = arith.muli %add3A, %mul3A_1 : i32
    %add3A_3 = arith.constant 0 : i32
    %add3A_4 = arith.addi %mul3A_2, %add3A_3 : i32
    %dma_start3A = arith.constant 0 : i32
    %dma_start3A_5 = arith.constant 0 : i32
    %dma_start3A_6 = arith.constant 0 : i32
    %dma_start3A_7 = arith.constant 0 : i32
    %dma_start3A_8 = arith.constant 0 : i32
    %dma_start3A_9 = tpu.memref_slice %arg4[%dma_start3A_5, %dma_start3A_6, %dma_start3A_7, %dma_start3A_8] : memref<4x10x8x256xf32, #tpu.memory_space<vmem>> -> memref<1x10x8x256xf32, #tpu.memory_space<vmem>>
    %dma_start3A_10 = tpu.memref_squeeze %dma_start3A_9 : memref<1x10x8x256xf32, #tpu.memory_space<vmem>> -> memref<10x8x256xf32, #tpu.memory_space<vmem>>
    %dma_start3A_11 = arith.constant 0 : i32
    %dma_start3A_12 = arith.constant 0 : i32
    %dma_start3A_13 = tpu.memref_slice %arg2[%dma_start3A, %dma_start3A_11, %add3A_4, %dma_start3A_12] : memref<1x10x2048x2048xf32, #tpu.memory_space<hbm>> -> memref<1x10x8x256xf32, #tpu.memory_space<hbm>>
    %dma_start3A_14 = tpu.memref_squeeze %dma_start3A_13 : memref<1x10x8x256xf32, #tpu.memory_space<hbm>> -> memref<10x8x256xf32, #tpu.memory_space<hbm>>
    %dma_start3A_15 = arith.constant 0 : i32
    %dma_start3A_16 = arith.constant 0 : i32
    %dma_start3A_17 = arith.constant 0 : i32
    %dma_start3A_18 = tpu.memref_slice %arg4[%dma_start3A_5, %dma_start3A_15, %dma_start3A_16, %dma_start3A_17] : memref<4x10x8x256xf32, #tpu.memory_space<vmem>> -> memref<1x10x8x256xf32, #tpu.memory_space<vmem>>
    %dma_start3A_19 = tpu.memref_squeeze %dma_start3A_18 : memref<1x10x8x256xf32, #tpu.memory_space<vmem>> -> memref<10x8x256xf32, #tpu.memory_space<vmem>>
    %dma_start3A_20 = arith.constant 0 : i32
    %dma_start3A_21 = arith.constant 0 : i32
    %dma_start3A_22 = tpu.memref_slice %arg2[%dma_start3A, %dma_start3A_20, %add3A_4, %dma_start3A_21] : memref<1x10x2048x2048xf32, #tpu.memory_space<hbm>> -> memref<1x10x8x256xf32, #tpu.memory_space<hbm>>
    %dma_start3A_23 = tpu.memref_squeeze %dma_start3A_22 : memref<1x10x8x256xf32, #tpu.memory_space<hbm>> -> memref<10x8x256xf32, #tpu.memory_space<hbm>>
    tpu.enqueue_dma source(%dma_start3A_23 : memref<10x8x256xf32, #tpu.memory_space<hbm>>) target(%dma_start3A_19 : memref<10x8x256xf32, #tpu.memory_space<vmem>>) target_semaphore(%arg6 : memref<!tpu.dma_semaphore, #tpu.memory_space<semaphore_mem>>)
    %add3A_24 = arith.constant 0 : i32
    %add3A_25 = arith.addi %mul3A_2, %add3A_24 : i32
    %dma_start3A_26 = arith.constant 0 : i32
    %dma_start3A_27 = arith.constant 1 : i32
    %dma_start3A_28 = arith.constant 0 : i32
    %dma_start3A_29 = arith.constant 0 : i32
    %dma_start3A_30 = arith.constant 0 : i32
    %dma_start3A_31 = tpu.memref_slice %arg4[%dma_start3A_27, %dma_start3A_28, %dma_start3A_29, %dma_start3A_30] : memref<4x10x8x256xf32, #tpu.memory_space<vmem>> -> memref<1x10x8x256xf32, #tpu.memory_space<vmem>>
    %dma_start3A_32 = tpu.memref_squeeze %dma_start3A_31 : memref<1x10x8x256xf32, #tpu.memory_space<vmem>> -> memref<10x8x256xf32, #tpu.memory_space<vmem>>
    %dma_start3A_33 = arith.constant 0 : i32
    %dma_start3A_34 = arith.constant 256 : i32
    %dma_start3A_35 = tpu.memref_slice %arg2[%dma_start3A_26, %dma_start3A_33, %add3A_25, %dma_start3A_34] : memref<1x10x2048x2048xf32, #tpu.memory_space<hbm>> -> memref<1x10x8x256xf32, #tpu.memory_space<hbm>>
    %dma_start3A_36 = tpu.memref_squeeze %dma_start3A_35 : memref<1x10x8x256xf32, #tpu.memory_space<hbm>> -> memref<10x8x256xf32, #tpu.memory_space<hbm>>
    %dma_start3A_37 = arith.constant 0 : i32
    %dma_start3A_38 = arith.constant 0 : i32
    %dma_start3A_39 = arith.constant 0 : i32
    %dma_start3A_40 = tpu.memref_slice %arg4[%dma_start3A_27, %dma_start3A_37, %dma_start3A_38, %dma_start3A_39] : memref<4x10x8x256xf32, #tpu.memory_space<vmem>> -> memref<1x10x8x256xf32, #tpu.memory_space<vmem>>
    %dma_start3A_41 = tpu.memref_squeeze %dma_start3A_40 : memref<1x10x8x256xf32, #tpu.memory_space<vmem>> -> memref<10x8x256xf32, #tpu.memory_space<vmem>>
    %dma_start3A_42 = arith.constant 0 : i32
    %dma_start3A_43 = arith.constant 256 : i32
    %dma_start3A_44 = tpu.memref_slice %arg2[%dma_start3A_26, %dma_start3A_42, %add3A_25, %dma_start3A_43] : memref<1x10x2048x2048xf32, #tpu.memory_space<hbm>> -> memref<1x10x8x256xf32, #tpu.memory_space<hbm>>
    %dma_start3A_45 = tpu.memref_squeeze %dma_start3A_44 : memref<1x10x8x256xf32, #tpu.memory_space<hbm>> -> memref<10x8x256xf32, #tpu.memory_space<hbm>>
    tpu.enqueue_dma source(%dma_start3A_45 : memref<10x8x256xf32, #tpu.memory_space<hbm>>) target(%dma_start3A_41 : memref<10x8x256xf32, #tpu.memory_space<vmem>>) target_semaphore(%arg7 : memref<!tpu.dma_semaphore, #tpu.memory_space<semaphore_mem>>)
    %add3A_46 = arith.constant 0 : i32
    %add3A_47 = arith.addi %mul3A_2, %add3A_46 : i32
    %dma_start3A_48 = arith.constant 0 : i32
    %dma_start3A_49 = arith.constant 2 : i32
    %dma_start3A_50 = arith.constant 0 : i32
    %dma_start3A_51 = arith.constant 0 : i32
    %dma_start3A_52 = arith.constant 0 : i32
    %dma_start3A_53 = tpu.memref_slice %arg4[%dma_start3A_49, %dma_start3A_50, %dma_start3A_51, %dma_start3A_52] : memref<4x10x8x256xf32, #tpu.memory_space<vmem>> -> memref<1x10x8x256xf32, #tpu.memory_space<vmem>>
    %dma_start3A_54 = tpu.memref_squeeze %dma_start3A_53 : memref<1x10x8x256xf32, #tpu.memory_space<vmem>> -> memref<10x8x256xf32, #tpu.memory_space<vmem>>
    %dma_start3A_55 = arith.constant 0 : i32
    %dma_start3A_56 = arith.constant 512 : i32
    %dma_start3A_57 = tpu.memref_slice %arg2[%dma_start3A_48, %dma_start3A_55, %add3A_47, %dma_start3A_56] : memref<1x10x2048x2048xf32, #tpu.memory_space<hbm>> -> memref<1x10x8x256xf32, #tpu.memory_space<hbm>>
    %dma_start3A_58 = tpu.memref_squeeze %dma_start3A_57 : memref<1x10x8x256xf32, #tpu.memory_space<hbm>> -> memref<10x8x256xf32, #tpu.memory_space<hbm>>
    %dma_start3A_59 = arith.constant 0 : i32
    %dma_start3A_60 = arith.constant 0 : i32
    %dma_start3A_61 = arith.constant 0 : i32
    %dma_start3A_62 = tpu.memref_slice %arg4[%dma_start3A_49, %dma_start3A_59, %dma_start3A_60, %dma_start3A_61] : memref<4x10x8x256xf32, #tpu.memory_space<vmem>> -> memref<1x10x8x256xf32, #tpu.memory_space<vmem>>
    %dma_start3A_63 = tpu.memref_squeeze %dma_start3A_62 : memref<1x10x8x256xf32, #tpu.memory_space<vmem>> -> memref<10x8x256xf32, #tpu.memory_space<vmem>>
    %dma_start3A_64 = arith.constant 0 : i32
    %dma_start3A_65 = arith.constant 512 : i32
    %dma_start3A_66 = tpu.memref_slice %arg2[%dma_start3A_48, %dma_start3A_64, %add3A_47, %dma_start3A_65] : memref<1x10x2048x2048xf32, #tpu.memory_space<hbm>> -> memref<1x10x8x256xf32, #tpu.memory_space<hbm>>
    %dma_start3A_67 = tpu.memref_squeeze %dma_start3A_66 : memref<1x10x8x256xf32, #tpu.memory_space<hbm>> -> memref<10x8x256xf32, #tpu.memory_space<hbm>>
    tpu.enqueue_dma source(%dma_start3A_67 : memref<10x8x256xf32, #tpu.memory_space<hbm>>) target(%dma_start3A_63 : memref<10x8x256xf32, #tpu.memory_space<vmem>>) target_semaphore(%arg8 : memref<!tpu.dma_semaphore, #tpu.memory_space<semaphore_mem>>)
    %add3A_68 = arith.constant 0 : i32
    %add3A_69 = arith.addi %mul3A_2, %add3A_68 : i32
    %dma_start3A_70 = arith.constant 0 : i32
    %dma_start3A_71 = arith.constant 3 : i32
    %dma_start3A_72 = arith.constant 0 : i32
    %dma_start3A_73 = arith.constant 0 : i32
    %dma_start3A_74 = arith.constant 0 : i32
    %dma_start3A_75 = tpu.memref_slice %arg4[%dma_start3A_71, %dma_start3A_72, %dma_start3A_73, %dma_start3A_74] : memref<4x10x8x256xf32, #tpu.memory_space<vmem>> -> memref<1x10x8x256xf32, #tpu.memory_space<vmem>>
    %dma_start3A_76 = tpu.memref_squeeze %dma_start3A_75 : memref<1x10x8x256xf32, #tpu.memory_space<vmem>> -> memref<10x8x256xf32, #tpu.memory_space<vmem>>
    %dma_start3A_77 = arith.constant 0 : i32
    %dma_start3A_78 = arith.constant 768 : i32
    %dma_start3A_79 = tpu.memref_slice %arg2[%dma_start3A_70, %dma_start3A_77, %add3A_69, %dma_start3A_78] : memref<1x10x2048x2048xf32, #tpu.memory_space<hbm>> -> memref<1x10x8x256xf32, #tpu.memory_space<hbm>>
    %dma_start3A_80 = tpu.memref_squeeze %dma_start3A_79 : memref<1x10x8x256xf32, #tpu.memory_space<hbm>> -> memref<10x8x256xf32, #tpu.memory_space<hbm>>
    %dma_start3A_81 = arith.constant 0 : i32
    %dma_start3A_82 = arith.constant 0 : i32
    %dma_start3A_83 = arith.constant 0 : i32
    %dma_start3A_84 = tpu.memref_slice %arg4[%dma_start3A_71, %dma_start3A_81, %dma_start3A_82, %dma_start3A_83] : memref<4x10x8x256xf32, #tpu.memory_space<vmem>> -> memref<1x10x8x256xf32, #tpu.memory_space<vmem>>
    %dma_start3A_85 = tpu.memref_squeeze %dma_start3A_84 : memref<1x10x8x256xf32, #tpu.memory_space<vmem>> -> memref<10x8x256xf32, #tpu.memory_space<vmem>>
    %dma_start3A_86 = arith.constant 0 : i32
    %dma_start3A_87 = arith.constant 768 : i32
    %dma_start3A_88 = tpu.memref_slice %arg2[%dma_start3A_70, %dma_start3A_86, %add3A_69, %dma_start3A_87] : memref<1x10x2048x2048xf32, #tpu.memory_space<hbm>> -> memref<1x10x8x256xf32, #tpu.memory_space<hbm>>
    %dma_start3A_89 = tpu.memref_squeeze %dma_start3A_88 : memref<1x10x8x256xf32, #tpu.memory_space<hbm>> -> memref<10x8x256xf32, #tpu.memory_space<hbm>>
    tpu.enqueue_dma source(%dma_start3A_89 : memref<10x8x256xf32, #tpu.memory_space<hbm>>) target(%dma_start3A_85 : memref<10x8x256xf32, #tpu.memory_space<vmem>>) target_semaphore(%arg9 : memref<!tpu.dma_semaphore, #tpu.memory_space<semaphore_mem>>)
    %scan3A = arith.constant 0 : i32
    %scan3A_90 = arith.constant 0 : i32
    %scan3A_91 = arith.constant 16 : i32
    %scan3A_92 = arith.addi %scan3A_90, %scan3A_91 : i32
    %scan3A_93 = arith.constant 1 : i32
    scf.for %scan3A_138 = %scan3A_90 to %scan3A_92 step %scan3A_93  : i32 {
      %mul3A_139 = arith.constant 4 : i32
      %mul3A_140 = arith.muli %scan3A_138, %mul3A_139 : i32
      %add3A_141 = arith.constant 0 : i32
      %add3A_142 = arith.addi %mul3A_140, %add3A_141 : i32
      %shift_right_arithmetic3A = arith.constant 3 : i32
      %shift_right_arithmetic3A_143 = arith.shrsi %add3A_142, %shift_right_arithmetic3A : i32
      %mul3A_144 = arith.constant 8 : i32
      %mul3A_145 = arith.muli %shift_right_arithmetic3A_143, %mul3A_144 : i32
      %add3A_146 = arith.addi %mul3A_2, %mul3A_145 : i32
      %and3A = arith.constant 7 : i32
      %and3A_147 = arith.andi %add3A_142, %and3A : i32
      %mul3A_148 = arith.constant 256 : i32
      %mul3A_149 = arith.muli %and3A_147, %mul3A_148 : i32
      %dma_wait3A_150 = arith.constant 0 : i32
      %dma_wait3A_151 = arith.constant 0 : i32
      %dma_wait3A_152 = arith.constant 0 : i32
      %dma_wait3A_153 = arith.constant 0 : i32
      %dma_wait3A_154 = arith.constant 0 : i32
      %dma_wait3A_155 = tpu.memref_slice %arg4[%dma_wait3A_151, %dma_wait3A_152, %dma_wait3A_153, %dma_wait3A_154] : memref<4x10x8x256xf32, #tpu.memory_space<vmem>> -> memref<1x10x8x256xf32, #tpu.memory_space<vmem>>
      %dma_wait3A_156 = tpu.memref_squeeze %dma_wait3A_155 : memref<1x10x8x256xf32, #tpu.memory_space<vmem>> -> memref<10x8x256xf32, #tpu.memory_space<vmem>>
      %dma_wait3A_157 = arith.constant 0 : i32
      %dma_wait3A_158 = tpu.memref_slice %arg2[%dma_wait3A_150, %dma_wait3A_157, %add3A_146, %mul3A_149] : memref<1x10x2048x2048xf32, #tpu.memory_space<hbm>> -> memref<1x10x8x256xf32, #tpu.memory_space<hbm>>
      %dma_wait3A_159 = tpu.memref_squeeze %dma_wait3A_158 : memref<1x10x8x256xf32, #tpu.memory_space<hbm>> -> memref<10x8x256xf32, #tpu.memory_space<hbm>>
      %dma_wait3A_160 = arith.constant 0 : i32
      %dma_wait3A_161 = arith.constant 0 : i32
      %dma_wait3A_162 = arith.constant 0 : i32
      %dma_wait3A_163 = tpu.memref_slice %arg4[%dma_wait3A_151, %dma_wait3A_160, %dma_wait3A_161, %dma_wait3A_162] : memref<4x10x8x256xf32, #tpu.memory_space<vmem>> -> memref<1x10x8x256xf32, #tpu.memory_space<vmem>>
      %dma_wait3A_164 = tpu.memref_squeeze %dma_wait3A_163 : memref<1x10x8x256xf32, #tpu.memory_space<vmem>> -> memref<10x8x256xf32, #tpu.memory_space<vmem>>
      %dma_wait3A_165 = arith.constant 0 : i32
      %dma_wait3A_166 = tpu.memref_slice %arg2[%dma_wait3A_150, %dma_wait3A_165, %add3A_146, %mul3A_149] : memref<1x10x2048x2048xf32, #tpu.memory_space<hbm>> -> memref<1x10x8x256xf32, #tpu.memory_space<hbm>>
      %dma_wait3A_167 = tpu.memref_squeeze %dma_wait3A_166 : memref<1x10x8x256xf32, #tpu.memory_space<hbm>> -> memref<10x8x256xf32, #tpu.memory_space<hbm>>
      tpu.wait_dma2 semaphore(%arg6 : memref<!tpu.dma_semaphore, #tpu.memory_space<semaphore_mem>>) src(%dma_wait3A_167 : memref<10x8x256xf32, #tpu.memory_space<hbm>>) dst(%dma_wait3A_164 : memref<10x8x256xf32, #tpu.memory_space<vmem>>)
      %ge3A = arith.constant 2 : i32
      %ge3A_168 = arith.cmpi sge, %add3A_142, %ge3A : i32
      %convert_element_type3A = arith.extui %ge3A_168 : i1 to i32
      %cond3A = arith.constant 0 : i32
      %cond3A_169 = arith.cmpi ne, %convert_element_type3A, %cond3A : i32
      scf.if %cond3A_169 {
        %sub3A = arith.constant 2 : i32
        %sub3A_424 = arith.subi %add3A_142, %sub3A : i32
        %shift_right_arithmetic3A_425 = arith.constant 3 : i32
        %shift_right_arithmetic3A_426 = arith.shrsi %sub3A_424, %shift_right_arithmetic3A_425 : i32
        %mul3A_427 = arith.constant 8 : i32
        %mul3A_428 = arith.muli %shift_right_arithmetic3A_426, %mul3A_427 : i32
        %add3A_429 = arith.addi %mul3A_2, %mul3A_428 : i32
        %and3A_430 = arith.constant 7 : i32
        %and3A_431 = arith.andi %sub3A_424, %and3A_430 : i32
        %mul3A_432 = arith.constant 256 : i32
        %mul3A_433 = arith.muli %and3A_431, %mul3A_432 : i32
        %dma_wait3A_434 = arith.constant 0 : i32
        %dma_wait3A_435 = arith.constant 0 : i32
        %dma_wait3A_436 = arith.constant 0 : i32
        %dma_wait3A_437 = arith.constant 0 : i32
        %dma_wait3A_438 = arith.constant 0 : i32
        %dma_wait3A_439 = tpu.memref_slice %arg5[%dma_wait3A_434, %dma_wait3A_436, %dma_wait3A_437, %dma_wait3A_438] : memref<2x8x8x256xf32, #tpu.memory_space<vmem>> -> memref<1x8x8x256xf32, #tpu.memory_space<vmem>>
        %dma_wait3A_440 = tpu.memref_squeeze %dma_wait3A_439 : memref<1x8x8x256xf32, #tpu.memory_space<vmem>> -> memref<8x8x256xf32, #tpu.memory_space<vmem>>
        %dma_wait3A_441 = arith.constant 0 : i32
        %dma_wait3A_442 = tpu.memref_slice %arg3[%dma_wait3A_435, %dma_wait3A_441, %add3A_429, %mul3A_433] : memref<1x8x2048x2048xf32, #tpu.memory_space<hbm>> -> memref<1x8x8x256xf32, #tpu.memory_space<hbm>>
        %dma_wait3A_443 = tpu.memref_squeeze %dma_wait3A_442 : memref<1x8x8x256xf32, #tpu.memory_space<hbm>> -> memref<8x8x256xf32, #tpu.memory_space<hbm>>
        %dma_wait3A_444 = arith.constant 0 : i32
        %dma_wait3A_445 = tpu.memref_slice %arg3[%dma_wait3A_435, %dma_wait3A_444, %add3A_429, %mul3A_433] : memref<1x8x2048x2048xf32, #tpu.memory_space<hbm>> -> memref<1x8x8x256xf32, #tpu.memory_space<hbm>>
        %dma_wait3A_446 = tpu.memref_squeeze %dma_wait3A_445 : memref<1x8x8x256xf32, #tpu.memory_space<hbm>> -> memref<8x8x256xf32, #tpu.memory_space<hbm>>
        %dma_wait3A_447 = arith.constant 0 : i32
        %dma_wait3A_448 = arith.constant 0 : i32
        %dma_wait3A_449 = arith.constant 0 : i32
        %dma_wait3A_450 = tpu.memref_slice %arg5[%dma_wait3A_434, %dma_wait3A_447, %dma_wait3A_448, %dma_wait3A_449] : memref<2x8x8x256xf32, #tpu.memory_space<vmem>> -> memref<1x8x8x256xf32, #tpu.memory_space<vmem>>
        %dma_wait3A_451 = tpu.memref_squeeze %dma_wait3A_450 : memref<1x8x8x256xf32, #tpu.memory_space<vmem>> -> memref<8x8x256xf32, #tpu.memory_space<vmem>>
        tpu.wait_dma2 semaphore(%arg10 : memref<!tpu.dma_semaphore, #tpu.memory_space<semaphore_mem>>) src(%dma_wait3A_451 : memref<8x8x256xf32, #tpu.memory_space<vmem>>) dst(%dma_wait3A_446 : memref<8x8x256xf32, #tpu.memory_space<hbm>>)
      } else {
      }
      %parallel_loop3A = arith.constant 0 : i32
      %parallel_loop3A_170 = arith.constant 128 : i32
      %parallel_loop3A_171 = arith.constant 1 : i32
      scf.for %parallel_loop3A_424 = %parallel_loop3A to %parallel_loop3A_170 step %parallel_loop3A_171  : i32 {
        %parallel_loop3A_425 = arith.constant 4 : i32
        %parallel_loop3A_426 = arith.shrsi %parallel_loop3A_424, %parallel_loop3A_425 : i32
        %parallel_loop3A_427 = arith.constant 15 : i32
        %parallel_loop3A_428 = arith.andi %parallel_loop3A_424, %parallel_loop3A_427 : i32
        %parallel_loop3A_429 = arith.constant 16 : i32
        %parallel_loop3A_430 = arith.muli %parallel_loop3A_428, %parallel_loop3A_429 : i32
        %parallel_loop3A_431 = arith.constant 0 : i32
        %parallel_loop3A_432 = arith.constant 0 : i32
        %parallel_loop3A_433 = arith.index_cast %parallel_loop3A_431 : i32 to index
        %parallel_loop3A_434 = arith.index_cast %parallel_loop3A_432 : i32 to index
        %parallel_loop3A_435 = arith.index_cast %parallel_loop3A_426 : i32 to index
        %parallel_loop3A_436 = arith.index_cast %parallel_loop3A_430 : i32 to index
        %parallel_loop3A_437 = tpu.vector_load %arg4[%parallel_loop3A_433, %parallel_loop3A_434, %parallel_loop3A_435, %parallel_loop3A_436] {strides = array<i32>} : memref<4x10x8x256xf32, #tpu.memory_space<vmem>>, vector<1x1x1x16xf32>,
        %parallel_loop3A_438 = vector.shape_cast %parallel_loop3A_437 : vector<1x1x1x16xf32> to vector<16xf32>
        %parallel_loop3A_439 = arith.constant 0 : i32
        %parallel_loop3A_440 = arith.constant 1 : i32
        %parallel_loop3A_441 = arith.index_cast %parallel_loop3A_439 : i32 to index
        %parallel_loop3A_442 = arith.index_cast %parallel_loop3A_440 : i32 to index
        %parallel_loop3A_443 = arith.index_cast %parallel_loop3A_426 : i32 to index
        %parallel_loop3A_444 = arith.index_cast %parallel_loop3A_430 : i32 to index
        %parallel_loop3A_445 = tpu.vector_load %arg4[%parallel_loop3A_441, %parallel_loop3A_442, %parallel_loop3A_443, %parallel_loop3A_444] {strides = array<i32>} : memref<4x10x8x256xf32, #tpu.memory_space<vmem>>, vector<1x1x1x16xf32>,
        %parallel_loop3A_446 = vector.shape_cast %parallel_loop3A_445 : vector<1x1x1x16xf32> to vector<16xf32>
        %parallel_loop3A_447 = arith.constant 0 : i32
        %parallel_loop3A_448 = arith.constant 2 : i32
        %parallel_loop3A_449 = arith.index_cast %parallel_loop3A_447 : i32 to index
        %parallel_loop3A_450 = arith.index_cast %parallel_loop3A_448 : i32 to index
        %parallel_loop3A_451 = arith.index_cast %parallel_loop3A_426 : i32 to index
        %parallel_loop3A_452 = arith.index_cast %parallel_loop3A_430 : i32 to index
        %parallel_loop3A_453 = tpu.vector_load %arg4[%parallel_loop3A_449, %parallel_loop3A_450, %parallel_loop3A_451, %parallel_loop3A_452] {strides = array<i32>} : memref<4x10x8x256xf32, #tpu.memory_space<vmem>>, vector<1x1x1x16xf32>,
        %parallel_loop3A_454 = vector.shape_cast %parallel_loop3A_453 : vector<1x1x1x16xf32> to vector<16xf32>
        %parallel_loop3A_455 = arith.constant 0 : i32
        %parallel_loop3A_456 = arith.constant 3 : i32
        %parallel_loop3A_457 = arith.index_cast %parallel_loop3A_455 : i32 to index
        %parallel_loop3A_458 = arith.index_cast %parallel_loop3A_456 : i32 to index
        %parallel_loop3A_459 = arith.index_cast %parallel_loop3A_426 : i32 to index
        %parallel_loop3A_460 = arith.index_cast %parallel_loop3A_430 : i32 to index
        %parallel_loop3A_461 = tpu.vector_load %arg4[%parallel_loop3A_457, %parallel_loop3A_458, %parallel_loop3A_459, %parallel_loop3A_460] {strides = array<i32>} : memref<4x10x8x256xf32, #tpu.memory_space<vmem>>, vector<1x1x1x16xf32>,
        %parallel_loop3A_462 = vector.shape_cast %parallel_loop3A_461 : vector<1x1x1x16xf32> to vector<16xf32>
        %parallel_loop3A_463 = arith.constant 0 : i32
        %parallel_loop3A_464 = arith.constant 4 : i32
        %parallel_loop3A_465 = arith.index_cast %parallel_loop3A_463 : i32 to index
        %parallel_loop3A_466 = arith.index_cast %parallel_loop3A_464 : i32 to index
        %parallel_loop3A_467 = arith.index_cast %parallel_loop3A_426 : i32 to index
        %parallel_loop3A_468 = arith.index_cast %parallel_loop3A_430 : i32 to index
        %parallel_loop3A_469 = tpu.vector_load %arg4[%parallel_loop3A_465, %parallel_loop3A_466, %parallel_loop3A_467, %parallel_loop3A_468] {strides = array<i32>} : memref<4x10x8x256xf32, #tpu.memory_space<vmem>>, vector<1x1x1x16xf32>,
        %parallel_loop3A_470 = vector.shape_cast %parallel_loop3A_469 : vector<1x1x1x16xf32> to vector<16xf32>
        %parallel_loop3A_471 = arith.constant 0 : i32
        %parallel_loop3A_472 = arith.constant 5 : i32
        %parallel_loop3A_473 = arith.index_cast %parallel_loop3A_471 : i32 to index
        %parallel_loop3A_474 = arith.index_cast %parallel_loop3A_472 : i32 to index
        %parallel_loop3A_475 = arith.index_cast %parallel_loop3A_426 : i32 to index
        %parallel_loop3A_476 = arith.index_cast %parallel_loop3A_430 : i32 to index
        %parallel_loop3A_477 = tpu.vector_load %arg4[%parallel_loop3A_473, %parallel_loop3A_474, %parallel_loop3A_475, %parallel_loop3A_476] {strides = array<i32>} : memref<4x10x8x256xf32, #tpu.memory_space<vmem>>, vector<1x1x1x16xf32>,
        %parallel_loop3A_478 = vector.shape_cast %parallel_loop3A_477 : vector<1x1x1x16xf32> to vector<16xf32>
        %parallel_loop3A_479 = arith.constant 0 : i32
        %parallel_loop3A_480 = arith.constant 6 : i32
        %parallel_loop3A_481 = arith.index_cast %parallel_loop3A_479 : i32 to index
        %parallel_loop3A_482 = arith.index_cast %parallel_loop3A_480 : i32 to index
        %parallel_loop3A_483 = arith.index_cast %parallel_loop3A_426 : i32 to index
        %parallel_loop3A_484 = arith.index_cast %parallel_loop3A_430 : i32 to index
        %parallel_loop3A_485 = tpu.vector_load %arg4[%parallel_loop3A_481, %parallel_loop3A_482, %parallel_loop3A_483, %parallel_loop3A_484] {strides = array<i32>} : memref<4x10x8x256xf32, #tpu.memory_space<vmem>>, vector<1x1x1x16xf32>,
        %parallel_loop3A_486 = vector.shape_cast %parallel_loop3A_485 : vector<1x1x1x16xf32> to vector<16xf32>
        %parallel_loop3A_487 = arith.constant 0 : i32
        %parallel_loop3A_488 = arith.constant 7 : i32
        %parallel_loop3A_489 = arith.index_cast %parallel_loop3A_487 : i32 to index
        %parallel_loop3A_490 = arith.index_cast %parallel_loop3A_488 : i32 to index
        %parallel_loop3A_491 = arith.index_cast %parallel_loop3A_426 : i32 to index
        %parallel_loop3A_492 = arith.index_cast %parallel_loop3A_430 : i32 to index
        %parallel_loop3A_493 = tpu.vector_load %arg4[%parallel_loop3A_489, %parallel_loop3A_490, %parallel_loop3A_491, %parallel_loop3A_492] {strides = array<i32>} : memref<4x10x8x256xf32, #tpu.memory_space<vmem>>, vector<1x1x1x16xf32>,
        %parallel_loop3A_494 = vector.shape_cast %parallel_loop3A_493 : vector<1x1x1x16xf32> to vector<16xf32>
        %parallel_loop3A_495 = arith.maximumf %parallel_loop3A_438, %parallel_loop3A_446 : vector<16xf32>
        %parallel_loop3A_496 = arith.maximumf %parallel_loop3A_454, %parallel_loop3A_462 : vector<16xf32>
        %parallel_loop3A_497 = arith.maximumf %parallel_loop3A_470, %parallel_loop3A_478 : vector<16xf32>
        %parallel_loop3A_498 = arith.maximumf %parallel_loop3A_486, %parallel_loop3A_494 : vector<16xf32>
        %parallel_loop3A_499 = arith.maximumf %parallel_loop3A_495, %parallel_loop3A_496 : vector<16xf32>
        %parallel_loop3A_500 = arith.maximumf %parallel_loop3A_497, %parallel_loop3A_498 : vector<16xf32>
        %parallel_loop3A_501 = arith.maximumf %parallel_loop3A_499, %parallel_loop3A_500 : vector<16xf32>
        %parallel_loop3A_502 = arith.constant 0 : i32
        %parallel_loop3A_503 = arith.constant 8 : i32
        %parallel_loop3A_504 = arith.index_cast %parallel_loop3A_502 : i32 to index
        %parallel_loop3A_505 = arith.index_cast %parallel_loop3A_503 : i32 to index
        %parallel_loop3A_506 = arith.index_cast %parallel_loop3A_426 : i32 to index
        %parallel_loop3A_507 = arith.index_cast %parallel_loop3A_430 : i32 to index
        %parallel_loop3A_508 = tpu.vector_load %arg4[%parallel_loop3A_504, %parallel_loop3A_505, %parallel_loop3A_506, %parallel_loop3A_507] {strides = array<i32>} : memref<4x10x8x256xf32, #tpu.memory_space<vmem>>, vector<1x1x1x16xf32>,
        %parallel_loop3A_509 = vector.shape_cast %parallel_loop3A_508 : vector<1x1x1x16xf32> to vector<16xf32>
        %parallel_loop3A_510 = arith.constant 0 : i32
        %parallel_loop3A_511 = arith.constant 9 : i32
        %parallel_loop3A_512 = arith.index_cast %parallel_loop3A_510 : i32 to index
        %parallel_loop3A_513 = arith.index_cast %parallel_loop3A_511 : i32 to index
        %parallel_loop3A_514 = arith.index_cast %parallel_loop3A_426 : i32 to index
        %parallel_loop3A_515 = arith.index_cast %parallel_loop3A_430 : i32 to index
        %parallel_loop3A_516 = tpu.vector_load %arg4[%parallel_loop3A_512, %parallel_loop3A_513, %parallel_loop3A_514, %parallel_loop3A_515] {strides = array<i32>} : memref<4x10x8x256xf32, #tpu.memory_space<vmem>>, vector<1x1x1x16xf32>,
        %parallel_loop3A_517 = vector.shape_cast %parallel_loop3A_516 : vector<1x1x1x16xf32> to vector<16xf32>
        %parallel_loop3A_518 = arith.mulf %parallel_loop3A_509, %parallel_loop3A_509 : vector<16xf32>
        %parallel_loop3A_519 = arith.mulf %parallel_loop3A_517, %parallel_loop3A_517 : vector<16xf32>
        %parallel_loop3A_520 = arith.addf %parallel_loop3A_518, %parallel_loop3A_519 : vector<16xf32>
        %parallel_loop3A_521 = tpu.bitcast %parallel_loop3A_520 : vector<16xf32> -> vector<16xi32>
        %parallel_loop3A_522 = arith.constant 1 : i32
        %parallel_loop3A_523 = vector.broadcast %parallel_loop3A_522 : i32 to vector<16xi32>
        %parallel_loop3A_524 = arith.shrsi %parallel_loop3A_521, %parallel_loop3A_523 : vector<16xi32>
        %parallel_loop3A_525 = arith.constant 1597463007 : i32
        %parallel_loop3A_526 = vector.broadcast %parallel_loop3A_525 : i32 to vector<16xi32>
        %parallel_loop3A_527 = arith.subi %parallel_loop3A_526, %parallel_loop3A_524 : vector<16xi32>
        %parallel_loop3A_528 = tpu.bitcast %parallel_loop3A_527 : vector<16xi32> -> vector<16xf32>
        %parallel_loop3A_529 = arith.constant 5.000000e-01 : f32
        %parallel_loop3A_530 = vector.broadcast %parallel_loop3A_529 : f32 to vector<16xf32>
        %parallel_loop3A_531 = arith.mulf %parallel_loop3A_530, %parallel_loop3A_520 : vector<16xf32>
        %parallel_loop3A_532 = arith.mulf %parallel_loop3A_531, %parallel_loop3A_528 : vector<16xf32>
        %parallel_loop3A_533 = arith.mulf %parallel_loop3A_532, %parallel_loop3A_528 : vector<16xf32>
        %parallel_loop3A_534 = arith.constant 1.500000e+00 : f32
        %parallel_loop3A_535 = vector.broadcast %parallel_loop3A_534 : f32 to vector<16xf32>
        %parallel_loop3A_536 = arith.subf %parallel_loop3A_535, %parallel_loop3A_533 : vector<16xf32>
        %parallel_loop3A_537 = arith.mulf %parallel_loop3A_528, %parallel_loop3A_536 : vector<16xf32>
        %parallel_loop3A_538 = arith.mulf %parallel_loop3A_520, %parallel_loop3A_537 : vector<16xf32>
        %parallel_loop3A_539 = arith.cmpf oeq, %parallel_loop3A_438, %parallel_loop3A_501 : vector<16xf32>
        %parallel_loop3A_540 = arith.constant 0.000000e+00 : f32
        %parallel_loop3A_541 = vector.broadcast %parallel_loop3A_540 : f32 to vector<16xf32>
        %parallel_loop3A_542 = arith.select %parallel_loop3A_539, %parallel_loop3A_538, %parallel_loop3A_541 : vector<16xi1>, vector<16xf32>
        %parallel_loop3A_543 = arith.constant 0 : i32
        %parallel_loop3A_544 = arith.constant 0 : i32
        %parallel_loop3A_545 = arith.index_cast %parallel_loop3A_543 : i32 to index
        %parallel_loop3A_546 = arith.index_cast %parallel_loop3A_544 : i32 to index
        %parallel_loop3A_547 = arith.index_cast %parallel_loop3A_426 : i32 to index
        %parallel_loop3A_548 = arith.index_cast %parallel_loop3A_430 : i32 to index
        %parallel_loop3A_549 = tpu.vector_load %arg5[%parallel_loop3A_545, %parallel_loop3A_546, %parallel_loop3A_547, %parallel_loop3A_548] {strides = array<i32>} : memref<2x8x8x256xf32, #tpu.memory_space<vmem>>, vector<1x1x1x16xf32>,
        %parallel_loop3A_550 = vector.shape_cast %parallel_loop3A_549 : vector<1x1x1x16xf32> to vector<16xf32>
        %parallel_loop3A_551 = vector.shape_cast %parallel_loop3A_542 : vector<16xf32> to vector<1x1x1x16xf32>
        tpu.vector_store %arg5[%parallel_loop3A_545, %parallel_loop3A_546, %parallel_loop3A_547, %parallel_loop3A_548], %parallel_loop3A_551 {strides = array<i32>} : memref<2x8x8x256xf32, #tpu.memory_space<vmem>>, vector<1x1x1x16xf32>,
        %parallel_loop3A_552 = arith.cmpf oeq, %parallel_loop3A_446, %parallel_loop3A_501 : vector<16xf32>
        %parallel_loop3A_553 = arith.constant 0.000000e+00 : f32
        %parallel_loop3A_554 = vector.broadcast %parallel_loop3A_553 : f32 to vector<16xf32>
        %parallel_loop3A_555 = arith.select %parallel_loop3A_552, %parallel_loop3A_538, %parallel_loop3A_554 : vector<16xi1>, vector<16xf32>
        %parallel_loop3A_556 = arith.constant 0 : i32
        %parallel_loop3A_557 = arith.constant 1 : i32
        %parallel_loop3A_558 = arith.index_cast %parallel_loop3A_556 : i32 to index
        %parallel_loop3A_559 = arith.index_cast %parallel_loop3A_557 : i32 to index
        %parallel_loop3A_560 = arith.index_cast %parallel_loop3A_426 : i32 to index
        %parallel_loop3A_561 = arith.index_cast %parallel_loop3A_430 : i32 to index
        %parallel_loop3A_562 = tpu.vector_load %arg5[%parallel_loop3A_558, %parallel_loop3A_559, %parallel_loop3A_560, %parallel_loop3A_561] {strides = array<i32>} : memref<2x8x8x256xf32, #tpu.memory_space<vmem>>, vector<1x1x1x16xf32>,
        %parallel_loop3A_563 = vector.shape_cast %parallel_loop3A_562 : vector<1x1x1x16xf32> to vector<16xf32>
        %parallel_loop3A_564 = vector.shape_cast %parallel_loop3A_555 : vector<16xf32> to vector<1x1x1x16xf32>
        tpu.vector_store %arg5[%parallel_loop3A_558, %parallel_loop3A_559, %parallel_loop3A_560, %parallel_loop3A_561], %parallel_loop3A_564 {strides = array<i32>} : memref<2x8x8x256xf32, #tpu.memory_space<vmem>>, vector<1x1x1x16xf32>,
        %parallel_loop3A_565 = arith.cmpf oeq, %parallel_loop3A_454, %parallel_loop3A_501 : vector<16xf32>
        %parallel_loop3A_566 = arith.constant 0.000000e+00 : f32
        %parallel_loop3A_567 = vector.broadcast %parallel_loop3A_566 : f32 to vector<16xf32>
        %parallel_loop3A_568 = arith.select %parallel_loop3A_565, %parallel_loop3A_538, %parallel_loop3A_567 : vector<16xi1>, vector<16xf32>
        %parallel_loop3A_569 = arith.constant 0 : i32
        %parallel_loop3A_570 = arith.constant 2 : i32
        %parallel_loop3A_571 = arith.index_cast %parallel_loop3A_569 : i32 to index
        %parallel_loop3A_572 = arith.index_cast %parallel_loop3A_570 : i32 to index
        %parallel_loop3A_573 = arith.index_cast %parallel_loop3A_426 : i32 to index
        %parallel_loop3A_574 = arith.index_cast %parallel_loop3A_430 : i32 to index
        %parallel_loop3A_575 = tpu.vector_load %arg5[%parallel_loop3A_571, %parallel_loop3A_572, %parallel_loop3A_573, %parallel_loop3A_574] {strides = array<i32>} : memref<2x8x8x256xf32, #tpu.memory_space<vmem>>, vector<1x1x1x16xf32>,
        %parallel_loop3A_576 = vector.shape_cast %parallel_loop3A_575 : vector<1x1x1x16xf32> to vector<16xf32>
        %parallel_loop3A_577 = vector.shape_cast %parallel_loop3A_568 : vector<16xf32> to vector<1x1x1x16xf32>
        tpu.vector_store %arg5[%parallel_loop3A_571, %parallel_loop3A_572, %parallel_loop3A_573, %parallel_loop3A_574], %parallel_loop3A_577 {strides = array<i32>} : memref<2x8x8x256xf32, #tpu.memory_space<vmem>>, vector<1x1x1x16xf32>,
        %parallel_loop3A_578 = arith.cmpf oeq, %parallel_loop3A_462, %parallel_loop3A_501 : vector<16xf32>
        %parallel_loop3A_579 = arith.constant 0.000000e+00 : f32
        %parallel_loop3A_580 = vector.broadcast %parallel_loop3A_579 : f32 to vector<16xf32>
        %parallel_loop3A_581 = arith.select %parallel_loop3A_578, %parallel_loop3A_538, %parallel_loop3A_580 : vector<16xi1>, vector<16xf32>
        %parallel_loop3A_582 = arith.constant 0 : i32
        %parallel_loop3A_583 = arith.constant 3 : i32
        %parallel_loop3A_584 = arith.index_cast %parallel_loop3A_582 : i32 to index
        %parallel_loop3A_585 = arith.index_cast %parallel_loop3A_583 : i32 to index
        %parallel_loop3A_586 = arith.index_cast %parallel_loop3A_426 : i32 to index
        %parallel_loop3A_587 = arith.index_cast %parallel_loop3A_430 : i32 to index
        %parallel_loop3A_588 = tpu.vector_load %arg5[%parallel_loop3A_584, %parallel_loop3A_585, %parallel_loop3A_586, %parallel_loop3A_587] {strides = array<i32>} : memref<2x8x8x256xf32, #tpu.memory_space<vmem>>, vector<1x1x1x16xf32>,
        %parallel_loop3A_589 = vector.shape_cast %parallel_loop3A_588 : vector<1x1x1x16xf32> to vector<16xf32>
        %parallel_loop3A_590 = vector.shape_cast %parallel_loop3A_581 : vector<16xf32> to vector<1x1x1x16xf32>
        tpu.vector_store %arg5[%parallel_loop3A_584, %parallel_loop3A_585, %parallel_loop3A_586, %parallel_loop3A_587], %parallel_loop3A_590 {strides = array<i32>} : memref<2x8x8x256xf32, #tpu.memory_space<vmem>>, vector<1x1x1x16xf32>,
        %parallel_loop3A_591 = arith.cmpf oeq, %parallel_loop3A_470, %parallel_loop3A_501 : vector<16xf32>
        %parallel_loop3A_592 = arith.constant 0.000000e+00 : f32
        %parallel_loop3A_593 = vector.broadcast %parallel_loop3A_592 : f32 to vector<16xf32>
        %parallel_loop3A_594 = arith.select %parallel_loop3A_591, %parallel_loop3A_538, %parallel_loop3A_593 : vector<16xi1>, vector<16xf32>
        %parallel_loop3A_595 = arith.constant 0 : i32
        %parallel_loop3A_596 = arith.constant 4 : i32
        %parallel_loop3A_597 = arith.index_cast %parallel_loop3A_595 : i32 to index
        %parallel_loop3A_598 = arith.index_cast %parallel_loop3A_596 : i32 to index
        %parallel_loop3A_599 = arith.index_cast %parallel_loop3A_426 : i32 to index
        %parallel_loop3A_600 = arith.index_cast %parallel_loop3A_430 : i32 to index
        %parallel_loop3A_601 = tpu.vector_load %arg5[%parallel_loop3A_597, %parallel_loop3A_598, %parallel_loop3A_599, %parallel_loop3A_600] {strides = array<i32>} : memref<2x8x8x256xf32, #tpu.memory_space<vmem>>, vector<1x1x1x16xf32>,
        %parallel_loop3A_602 = vector.shape_cast %parallel_loop3A_601 : vector<1x1x1x16xf32> to vector<16xf32>
        %parallel_loop3A_603 = vector.shape_cast %parallel_loop3A_594 : vector<16xf32> to vector<1x1x1x16xf32>
        tpu.vector_store %arg5[%parallel_loop3A_597, %parallel_loop3A_598, %parallel_loop3A_599, %parallel_loop3A_600], %parallel_loop3A_603 {strides = array<i32>} : memref<2x8x8x256xf32, #tpu.memory_space<vmem>>, vector<1x1x1x16xf32>,
        %parallel_loop3A_604 = arith.cmpf oeq, %parallel_loop3A_478, %parallel_loop3A_501 : vector<16xf32>
        %parallel_loop3A_605 = arith.constant 0.000000e+00 : f32
        %parallel_loop3A_606 = vector.broadcast %parallel_loop3A_605 : f32 to vector<16xf32>
        %parallel_loop3A_607 = arith.select %parallel_loop3A_604, %parallel_loop3A_538, %parallel_loop3A_606 : vector<16xi1>, vector<16xf32>
        %parallel_loop3A_608 = arith.constant 0 : i32
        %parallel_loop3A_609 = arith.constant 5 : i32
        %parallel_loop3A_610 = arith.index_cast %parallel_loop3A_608 : i32 to index
        %parallel_loop3A_611 = arith.index_cast %parallel_loop3A_609 : i32 to index
        %parallel_loop3A_612 = arith.index_cast %parallel_loop3A_426 : i32 to index
        %parallel_loop3A_613 = arith.index_cast %parallel_loop3A_430 : i32 to index
        %parallel_loop3A_614 = tpu.vector_load %arg5[%parallel_loop3A_610, %parallel_loop3A_611, %parallel_loop3A_612, %parallel_loop3A_613] {strides = array<i32>} : memref<2x8x8x256xf32, #tpu.memory_space<vmem>>, vector<1x1x1x16xf32>,
        %parallel_loop3A_615 = vector.shape_cast %parallel_loop3A_614 : vector<1x1x1x16xf32> to vector<16xf32>
        %parallel_loop3A_616 = vector.shape_cast %parallel_loop3A_607 : vector<16xf32> to vector<1x1x1x16xf32>
        tpu.vector_store %arg5[%parallel_loop3A_610, %parallel_loop3A_611, %parallel_loop3A_612, %parallel_loop3A_613], %parallel_loop3A_616 {strides = array<i32>} : memref<2x8x8x256xf32, #tpu.memory_space<vmem>>, vector<1x1x1x16xf32>,
        %parallel_loop3A_617 = arith.cmpf oeq, %parallel_loop3A_486, %parallel_loop3A_501 : vector<16xf32>
        %parallel_loop3A_618 = arith.constant 0.000000e+00 : f32
        %parallel_loop3A_619 = vector.broadcast %parallel_loop3A_618 : f32 to vector<16xf32>
        %parallel_loop3A_620 = arith.select %parallel_loop3A_617, %parallel_loop3A_538, %parallel_loop3A_619 : vector<16xi1>, vector<16xf32>
        %parallel_loop3A_621 = arith.constant 0 : i32
        %parallel_loop3A_622 = arith.constant 6 : i32
        %parallel_loop3A_623 = arith.index_cast %parallel_loop3A_621 : i32 to index
        %parallel_loop3A_624 = arith.index_cast %parallel_loop3A_622 : i32 to index
        %parallel_loop3A_625 = arith.index_cast %parallel_loop3A_426 : i32 to index
        %parallel_loop3A_626 = arith.index_cast %parallel_loop3A_430 : i32 to index
        %parallel_loop3A_627 = tpu.vector_load %arg5[%parallel_loop3A_623, %parallel_loop3A_624, %parallel_loop3A_625, %parallel_loop3A_626] {strides = array<i32>} : memref<2x8x8x256xf32, #tpu.memory_space<vmem>>, vector<1x1x1x16xf32>,
        %parallel_loop3A_628 = vector.shape_cast %parallel_loop3A_627 : vector<1x1x1x16xf32> to vector<16xf32>
        %parallel_loop3A_629 = vector.shape_cast %parallel_loop3A_620 : vector<16xf32> to vector<1x1x1x16xf32>
        tpu.vector_store %arg5[%parallel_loop3A_623, %parallel_loop3A_624, %parallel_loop3A_625, %parallel_loop3A_626], %parallel_loop3A_629 {strides = array<i32>} : memref<2x8x8x256xf32, #tpu.memory_space<vmem>>, vector<1x1x1x16xf32>,
        %parallel_loop3A_630 = arith.cmpf oeq, %parallel_loop3A_494, %parallel_loop3A_501 : vector<16xf32>
        %parallel_loop3A_631 = arith.constant 0.000000e+00 : f32
        %parallel_loop3A_632 = vector.broadcast %parallel_loop3A_631 : f32 to vector<16xf32>
        %parallel_loop3A_633 = arith.select %parallel_loop3A_630, %parallel_loop3A_538, %parallel_loop3A_632 : vector<16xi1>, vector<16xf32>
        %parallel_loop3A_634 = arith.constant 0 : i32
        %parallel_loop3A_635 = arith.constant 7 : i32
        %parallel_loop3A_636 = arith.index_cast %parallel_loop3A_634 : i32 to index
        %parallel_loop3A_637 = arith.index_cast %parallel_loop3A_635 : i32 to index
        %parallel_loop3A_638 = arith.index_cast %parallel_loop3A_426 : i32 to index
        %parallel_loop3A_639 = arith.index_cast %parallel_loop3A_430 : i32 to index
        %parallel_loop3A_640 = tpu.vector_load %arg5[%parallel_loop3A_636, %parallel_loop3A_637, %parallel_loop3A_638, %parallel_loop3A_639] {strides = array<i32>} : memref<2x8x8x256xf32, #tpu.memory_space<vmem>>, vector<1x1x1x16xf32>,
        %parallel_loop3A_641 = vector.shape_cast %parallel_loop3A_640 : vector<1x1x1x16xf32> to vector<16xf32>
        %parallel_loop3A_642 = vector.shape_cast %parallel_loop3A_633 : vector<16xf32> to vector<1x1x1x16xf32>
        tpu.vector_store %arg5[%parallel_loop3A_636, %parallel_loop3A_637, %parallel_loop3A_638, %parallel_loop3A_639], %parallel_loop3A_642 {strides = array<i32>} : memref<2x8x8x256xf32, #tpu.memory_space<vmem>>, vector<1x1x1x16xf32>,
      } {sc.loop_unroll_factor = 4 : i64, sc.parallel_access}
      %shift_right_arithmetic3A_172 = arith.constant 3 : i32
      %shift_right_arithmetic3A_173 = arith.shrsi %add3A_142, %shift_right_arithmetic3A_172 : i32
      %mul3A_174 = arith.constant 8 : i32
      %mul3A_175 = arith.muli %shift_right_arithmetic3A_173, %mul3A_174 : i32
      %add3A_176 = arith.addi %mul3A_2, %mul3A_175 : i32
      %and3A_177 = arith.constant 7 : i32
      %and3A_178 = arith.andi %add3A_142, %and3A_177 : i32
      %mul3A_179 = arith.constant 256 : i32
      %mul3A_180 = arith.muli %and3A_178, %mul3A_179 : i32
      %dma_start3A_181 = arith.constant 0 : i32
      %dma_start3A_182 = arith.constant 0 : i32
      %dma_start3A_183 = arith.constant 0 : i32
      %dma_start3A_184 = arith.constant 0 : i32
      %dma_start3A_185 = arith.constant 0 : i32
      %dma_start3A_186 = tpu.memref_slice %arg5[%dma_start3A_181, %dma_start3A_183, %dma_start3A_184, %dma_start3A_185] : memref<2x8x8x256xf32, #tpu.memory_space<vmem>> -> memref<1x8x8x256xf32, #tpu.memory_space<vmem>>
      %dma_start3A_187 = tpu.memref_squeeze %dma_start3A_186 : memref<1x8x8x256xf32, #tpu.memory_space<vmem>> -> memref<8x8x256xf32, #tpu.memory_space<vmem>>
      %dma_start3A_188 = arith.constant 0 : i32
      %dma_start3A_189 = tpu.memref_slice %arg3[%dma_start3A_182, %dma_start3A_188, %add3A_176, %mul3A_180] : memref<1x8x2048x2048xf32, #tpu.memory_space<hbm>> -> memref<1x8x8x256xf32, #tpu.memory_space<hbm>>
      %dma_start3A_190 = tpu.memref_squeeze %dma_start3A_189 : memref<1x8x8x256xf32, #tpu.memory_space<hbm>> -> memref<8x8x256xf32, #tpu.memory_space<hbm>>
      %dma_start3A_191 = arith.constant 0 : i32
      %dma_start3A_192 = tpu.memref_slice %arg3[%dma_start3A_182, %dma_start3A_191, %add3A_176, %mul3A_180] : memref<1x8x2048x2048xf32, #tpu.memory_space<hbm>> -> memref<1x8x8x256xf32, #tpu.memory_space<hbm>>
      %dma_start3A_193 = tpu.memref_squeeze %dma_start3A_192 : memref<1x8x8x256xf32, #tpu.memory_space<hbm>> -> memref<8x8x256xf32, #tpu.memory_space<hbm>>
      %dma_start3A_194 = arith.constant 0 : i32
      %dma_start3A_195 = arith.constant 0 : i32
      %dma_start3A_196 = arith.constant 0 : i32
      %dma_start3A_197 = tpu.memref_slice %arg5[%dma_start3A_181, %dma_start3A_194, %dma_start3A_195, %dma_start3A_196] : memref<2x8x8x256xf32, #tpu.memory_space<vmem>> -> memref<1x8x8x256xf32, #tpu.memory_space<vmem>>
      %dma_start3A_198 = tpu.memref_squeeze %dma_start3A_197 : memref<1x8x8x256xf32, #tpu.memory_space<vmem>> -> memref<8x8x256xf32, #tpu.memory_space<vmem>>
      tpu.enqueue_dma source(%dma_start3A_198 : memref<8x8x256xf32, #tpu.memory_space<vmem>>) target(%dma_start3A_193 : memref<8x8x256xf32, #tpu.memory_space<hbm>>) target_semaphore(%arg10 : memref<!tpu.dma_semaphore, #tpu.memory_space<semaphore_mem>>)
      %add3A_199 = arith.constant 4 : i32
      %add3A_200 = arith.addi %add3A_142, %add3A_199 : i32
      %lt3A = arith.constant 64 : i32
      %lt3A_201 = arith.cmpi slt, %add3A_200, %lt3A : i32
      %convert_element_type3A_202 = arith.extui %lt3A_201 : i1 to i32
      %cond3A_203 = arith.constant 0 : i32
      %cond3A_204 = arith.cmpi ne, %convert_element_type3A_202, %cond3A_203 : i32
      scf.if %cond3A_204 {
        %add3A_424 = arith.constant 4 : i32
        %add3A_425 = arith.addi %add3A_142, %add3A_424 : i32
        %shift_right_arithmetic3A_426 = arith.constant 3 : i32
        %shift_right_arithmetic3A_427 = arith.shrsi %add3A_425, %shift_right_arithmetic3A_426 : i32
        %mul3A_428 = arith.constant 8 : i32
        %mul3A_429 = arith.muli %shift_right_arithmetic3A_427, %mul3A_428 : i32
        %add3A_430 = arith.addi %mul3A_2, %mul3A_429 : i32
        %and3A_431 = arith.constant 7 : i32
        %and3A_432 = arith.andi %add3A_425, %and3A_431 : i32
        %mul3A_433 = arith.constant 256 : i32
        %mul3A_434 = arith.muli %and3A_432, %mul3A_433 : i32
        %dma_start3A_435 = arith.constant 0 : i32
        %dma_start3A_436 = arith.constant 0 : i32
        %dma_start3A_437 = arith.constant 0 : i32
        %dma_start3A_438 = arith.constant 0 : i32
        %dma_start3A_439 = arith.constant 0 : i32
        %dma_start3A_440 = tpu.memref_slice %arg4[%dma_start3A_436, %dma_start3A_437, %dma_start3A_438, %dma_start3A_439] : memref<4x10x8x256xf32, #tpu.memory_space<vmem>> -> memref<1x10x8x256xf32, #tpu.memory_space<vmem>>
        %dma_start3A_441 = tpu.memref_squeeze %dma_start3A_440 : memref<1x10x8x256xf32, #tpu.memory_space<vmem>> -> memref<10x8x256xf32, #tpu.memory_space<vmem>>
        %dma_start3A_442 = arith.constant 0 : i32
        %dma_start3A_443 = tpu.memref_slice %arg2[%dma_start3A_435, %dma_start3A_442, %add3A_430, %mul3A_434] : memref<1x10x2048x2048xf32, #tpu.memory_space<hbm>> -> memref<1x10x8x256xf32, #tpu.memory_space<hbm>>
        %dma_start3A_444 = tpu.memref_squeeze %dma_start3A_443 : memref<1x10x8x256xf32, #tpu.memory_space<hbm>> -> memref<10x8x256xf32, #tpu.memory_space<hbm>>
        %dma_start3A_445 = arith.constant 0 : i32
        %dma_start3A_446 = arith.constant 0 : i32
        %dma_start3A_447 = arith.constant 0 : i32
        %dma_start3A_448 = tpu.memref_slice %arg4[%dma_start3A_436, %dma_start3A_445, %dma_start3A_446, %dma_start3A_447] : memref<4x10x8x256xf32, #tpu.memory_space<vmem>> -> memref<1x10x8x256xf32, #tpu.memory_space<vmem>>
        %dma_start3A_449 = tpu.memref_squeeze %dma_start3A_448 : memref<1x10x8x256xf32, #tpu.memory_space<vmem>> -> memref<10x8x256xf32, #tpu.memory_space<vmem>>
        %dma_start3A_450 = arith.constant 0 : i32
        %dma_start3A_451 = tpu.memref_slice %arg2[%dma_start3A_435, %dma_start3A_450, %add3A_430, %mul3A_434] : memref<1x10x2048x2048xf32, #tpu.memory_space<hbm>> -> memref<1x10x8x256xf32, #tpu.memory_space<hbm>>
        %dma_start3A_452 = tpu.memref_squeeze %dma_start3A_451 : memref<1x10x8x256xf32, #tpu.memory_space<hbm>> -> memref<10x8x256xf32, #tpu.memory_space<hbm>>
        tpu.enqueue_dma source(%dma_start3A_452 : memref<10x8x256xf32, #tpu.memory_space<hbm>>) target(%dma_start3A_449 : memref<10x8x256xf32, #tpu.memory_space<vmem>>) target_semaphore(%arg6 : memref<!tpu.dma_semaphore, #tpu.memory_space<semaphore_mem>>)
      } else {
      }
      %mul3A_205 = arith.constant 4 : i32
      %mul3A_206 = arith.muli %scan3A_138, %mul3A_205 : i32
      %add3A_207 = arith.constant 1 : i32
      %add3A_208 = arith.addi %mul3A_206, %add3A_207 : i32
      %shift_right_arithmetic3A_209 = arith.constant 3 : i32
      %shift_right_arithmetic3A_210 = arith.shrsi %add3A_208, %shift_right_arithmetic3A_209 : i32
      %mul3A_211 = arith.constant 8 : i32
      %mul3A_212 = arith.muli %shift_right_arithmetic3A_210, %mul3A_211 : i32
      %add3A_213 = arith.addi %mul3A_2, %mul3A_212 : i32
      %and3A_214 = arith.constant 7 : i32
      %and3A_215 = arith.andi %add3A_208, %and3A_214 : i32
      %mul3A_216 = arith.constant 256 : i32
      %mul3A_217 = arith.muli %and3A_215, %mul3A_216 : i32
      %dma_wait3A_218 = arith.constant 0 : i32
      %dma_wait3A_219 = arith.constant 1 : i32
      %dma_wait3A_220 = arith.constant 0 : i32
      %dma_wait3A_221 = arith.constant 0 : i32
      %dma_wait3A_222 = arith.constant 0 : i32
      %dma_wait3A_223 = tpu.memref_slice %arg4[%dma_wait3A_219, %dma_wait3A_220, %dma_wait3A_221, %dma_wait3A_222] : memref<4x10x8x256xf32, #tpu.memory_space<vmem>> -> memref<1x10x8x256xf32, #tpu.memory_space<vmem>>
      %dma_wait3A_224 = tpu.memref_squeeze %dma_wait3A_223 : memref<1x10x8x256xf32, #tpu.memory_space<vmem>> -> memref<10x8x256xf32, #tpu.memory_space<vmem>>
      %dma_wait3A_225 = arith.constant 0 : i32
      %dma_wait3A_226 = tpu.memref_slice %arg2[%dma_wait3A_218, %dma_wait3A_225, %add3A_213, %mul3A_217] : memref<1x10x2048x2048xf32, #tpu.memory_space<hbm>> -> memref<1x10x8x256xf32, #tpu.memory_space<hbm>>
      %dma_wait3A_227 = tpu.memref_squeeze %dma_wait3A_226 : memref<1x10x8x256xf32, #tpu.memory_space<hbm>> -> memref<10x8x256xf32, #tpu.memory_space<hbm>>
      %dma_wait3A_228 = arith.constant 0 : i32
      %dma_wait3A_229 = arith.constant 0 : i32
      %dma_wait3A_230 = arith.constant 0 : i32
      %dma_wait3A_231 = tpu.memref_slice %arg4[%dma_wait3A_219, %dma_wait3A_228, %dma_wait3A_229, %dma_wait3A_230] : memref<4x10x8x256xf32, #tpu.memory_space<vmem>> -> memref<1x10x8x256xf32, #tpu.memory_space<vmem>>
      %dma_wait3A_232 = tpu.memref_squeeze %dma_wait3A_231 : memref<1x10x8x256xf32, #tpu.memory_space<vmem>> -> memref<10x8x256xf32, #tpu.memory_space<vmem>>
      %dma_wait3A_233 = arith.constant 0 : i32
      %dma_wait3A_234 = tpu.memref_slice %arg2[%dma_wait3A_218, %dma_wait3A_233, %add3A_213, %mul3A_217] : memref<1x10x2048x2048xf32, #tpu.memory_space<hbm>> -> memref<1x10x8x256xf32, #tpu.memory_space<hbm>>
      %dma_wait3A_235 = tpu.memref_squeeze %dma_wait3A_234 : memref<1x10x8x256xf32, #tpu.memory_space<hbm>> -> memref<10x8x256xf32, #tpu.memory_space<hbm>>
      tpu.wait_dma2 semaphore(%arg7 : memref<!tpu.dma_semaphore, #tpu.memory_space<semaphore_mem>>) src(%dma_wait3A_235 : memref<10x8x256xf32, #tpu.memory_space<hbm>>) dst(%dma_wait3A_232 : memref<10x8x256xf32, #tpu.memory_space<vmem>>)
      %ge3A_236 = arith.constant 2 : i32
      %ge3A_237 = arith.cmpi sge, %add3A_208, %ge3A_236 : i32
      %convert_element_type3A_238 = arith.extui %ge3A_237 : i1 to i32
      %cond3A_239 = arith.constant 0 : i32
      %cond3A_240 = arith.cmpi ne, %convert_element_type3A_238, %cond3A_239 : i32
      scf.if %cond3A_240 {
        %sub3A = arith.constant 2 : i32
        %sub3A_424 = arith.subi %add3A_208, %sub3A : i32
        %shift_right_arithmetic3A_425 = arith.constant 3 : i32
        %shift_right_arithmetic3A_426 = arith.shrsi %sub3A_424, %shift_right_arithmetic3A_425 : i32
        %mul3A_427 = arith.constant 8 : i32
        %mul3A_428 = arith.muli %shift_right_arithmetic3A_426, %mul3A_427 : i32
        %add3A_429 = arith.addi %mul3A_2, %mul3A_428 : i32
        %and3A_430 = arith.constant 7 : i32
        %and3A_431 = arith.andi %sub3A_424, %and3A_430 : i32
        %mul3A_432 = arith.constant 256 : i32
        %mul3A_433 = arith.muli %and3A_431, %mul3A_432 : i32
        %dma_wait3A_434 = arith.constant 1 : i32
        %dma_wait3A_435 = arith.constant 0 : i32
        %dma_wait3A_436 = arith.constant 0 : i32
        %dma_wait3A_437 = arith.constant 0 : i32
        %dma_wait3A_438 = arith.constant 0 : i32
        %dma_wait3A_439 = tpu.memref_slice %arg5[%dma_wait3A_434, %dma_wait3A_436, %dma_wait3A_437, %dma_wait3A_438] : memref<2x8x8x256xf32, #tpu.memory_space<vmem>> -> memref<1x8x8x256xf32, #tpu.memory_space<vmem>>
        %dma_wait3A_440 = tpu.memref_squeeze %dma_wait3A_439 : memref<1x8x8x256xf32, #tpu.memory_space<vmem>> -> memref<8x8x256xf32, #tpu.memory_space<vmem>>
        %dma_wait3A_441 = arith.constant 0 : i32
        %dma_wait3A_442 = tpu.memref_slice %arg3[%dma_wait3A_435, %dma_wait3A_441, %add3A_429, %mul3A_433] : memref<1x8x2048x2048xf32, #tpu.memory_space<hbm>> -> memref<1x8x8x256xf32, #tpu.memory_space<hbm>>
        %dma_wait3A_443 = tpu.memref_squeeze %dma_wait3A_442 : memref<1x8x8x256xf32, #tpu.memory_space<hbm>> -> memref<8x8x256xf32, #tpu.memory_space<hbm>>
        %dma_wait3A_444 = arith.constant 0 : i32
        %dma_wait3A_445 = tpu.memref_slice %arg3[%dma_wait3A_435, %dma_wait3A_444, %add3A_429, %mul3A_433] : memref<1x8x2048x2048xf32, #tpu.memory_space<hbm>> -> memref<1x8x8x256xf32, #tpu.memory_space<hbm>>
        %dma_wait3A_446 = tpu.memref_squeeze %dma_wait3A_445 : memref<1x8x8x256xf32, #tpu.memory_space<hbm>> -> memref<8x8x256xf32, #tpu.memory_space<hbm>>
        %dma_wait3A_447 = arith.constant 0 : i32
        %dma_wait3A_448 = arith.constant 0 : i32
        %dma_wait3A_449 = arith.constant 0 : i32
        %dma_wait3A_450 = tpu.memref_slice %arg5[%dma_wait3A_434, %dma_wait3A_447, %dma_wait3A_448, %dma_wait3A_449] : memref<2x8x8x256xf32, #tpu.memory_space<vmem>> -> memref<1x8x8x256xf32, #tpu.memory_space<vmem>>
        %dma_wait3A_451 = tpu.memref_squeeze %dma_wait3A_450 : memref<1x8x8x256xf32, #tpu.memory_space<vmem>> -> memref<8x8x256xf32, #tpu.memory_space<vmem>>
        tpu.wait_dma2 semaphore(%arg11 : memref<!tpu.dma_semaphore, #tpu.memory_space<semaphore_mem>>) src(%dma_wait3A_451 : memref<8x8x256xf32, #tpu.memory_space<vmem>>) dst(%dma_wait3A_446 : memref<8x8x256xf32, #tpu.memory_space<hbm>>)
      } else {
      }
      %parallel_loop3A_241 = arith.constant 0 : i32
      %parallel_loop3A_242 = arith.constant 128 : i32
      %parallel_loop3A_243 = arith.constant 1 : i32
      scf.for %parallel_loop3A_424 = %parallel_loop3A_241 to %parallel_loop3A_242 step %parallel_loop3A_243  : i32 {
        %parallel_loop3A_425 = arith.constant 4 : i32
        %parallel_loop3A_426 = arith.shrsi %parallel_loop3A_424, %parallel_loop3A_425 : i32
        %parallel_loop3A_427 = arith.constant 15 : i32
        %parallel_loop3A_428 = arith.andi %parallel_loop3A_424, %parallel_loop3A_427 : i32
        %parallel_loop3A_429 = arith.constant 16 : i32
        %parallel_loop3A_430 = arith.muli %parallel_loop3A_428, %parallel_loop3A_429 : i32
        %parallel_loop3A_431 = arith.constant 1 : i32
        %parallel_loop3A_432 = arith.constant 0 : i32
        %parallel_loop3A_433 = arith.index_cast %parallel_loop3A_431 : i32 to index
        %parallel_loop3A_434 = arith.index_cast %parallel_loop3A_432 : i32 to index
        %parallel_loop3A_435 = arith.index_cast %parallel_loop3A_426 : i32 to index
        %parallel_loop3A_436 = arith.index_cast %parallel_loop3A_430 : i32 to index
        %parallel_loop3A_437 = tpu.vector_load %arg4[%parallel_loop3A_433, %parallel_loop3A_434, %parallel_loop3A_435, %parallel_loop3A_436] {strides = array<i32>} : memref<4x10x8x256xf32, #tpu.memory_space<vmem>>, vector<1x1x1x16xf32>,
        %parallel_loop3A_438 = vector.shape_cast %parallel_loop3A_437 : vector<1x1x1x16xf32> to vector<16xf32>
        %parallel_loop3A_439 = arith.constant 1 : i32
        %parallel_loop3A_440 = arith.constant 1 : i32
        %parallel_loop3A_441 = arith.index_cast %parallel_loop3A_439 : i32 to index
        %parallel_loop3A_442 = arith.index_cast %parallel_loop3A_440 : i32 to index
        %parallel_loop3A_443 = arith.index_cast %parallel_loop3A_426 : i32 to index
        %parallel_loop3A_444 = arith.index_cast %parallel_loop3A_430 : i32 to index
        %parallel_loop3A_445 = tpu.vector_load %arg4[%parallel_loop3A_441, %parallel_loop3A_442, %parallel_loop3A_443, %parallel_loop3A_444] {strides = array<i32>} : memref<4x10x8x256xf32, #tpu.memory_space<vmem>>, vector<1x1x1x16xf32>,
        %parallel_loop3A_446 = vector.shape_cast %parallel_loop3A_445 : vector<1x1x1x16xf32> to vector<16xf32>
        %parallel_loop3A_447 = arith.constant 1 : i32
        %parallel_loop3A_448 = arith.constant 2 : i32
        %parallel_loop3A_449 = arith.index_cast %parallel_loop3A_447 : i32 to index
        %parallel_loop3A_450 = arith.index_cast %parallel_loop3A_448 : i32 to index
        %parallel_loop3A_451 = arith.index_cast %parallel_loop3A_426 : i32 to index
        %parallel_loop3A_452 = arith.index_cast %parallel_loop3A_430 : i32 to index
        %parallel_loop3A_453 = tpu.vector_load %arg4[%parallel_loop3A_449, %parallel_loop3A_450, %parallel_loop3A_451, %parallel_loop3A_452] {strides = array<i32>} : memref<4x10x8x256xf32, #tpu.memory_space<vmem>>, vector<1x1x1x16xf32>,
        %parallel_loop3A_454 = vector.shape_cast %parallel_loop3A_453 : vector<1x1x1x16xf32> to vector<16xf32>
        %parallel_loop3A_455 = arith.constant 1 : i32
        %parallel_loop3A_456 = arith.constant 3 : i32
        %parallel_loop3A_457 = arith.index_cast %parallel_loop3A_455 : i32 to index
        %parallel_loop3A_458 = arith.index_cast %parallel_loop3A_456 : i32 to index
        %parallel_loop3A_459 = arith.index_cast %parallel_loop3A_426 : i32 to index
        %parallel_loop3A_460 = arith.index_cast %parallel_loop3A_430 : i32 to index
        %parallel_loop3A_461 = tpu.vector_load %arg4[%parallel_loop3A_457, %parallel_loop3A_458, %parallel_loop3A_459, %parallel_loop3A_460] {strides = array<i32>} : memref<4x10x8x256xf32, #tpu.memory_space<vmem>>, vector<1x1x1x16xf32>,
        %parallel_loop3A_462 = vector.shape_cast %parallel_loop3A_461 : vector<1x1x1x16xf32> to vector<16xf32>
        %parallel_loop3A_463 = arith.constant 1 : i32
        %parallel_loop3A_464 = arith.constant 4 : i32
        %parallel_loop3A_465 = arith.index_cast %parallel_loop3A_463 : i32 to index
        %parallel_loop3A_466 = arith.index_cast %parallel_loop3A_464 : i32 to index
        %parallel_loop3A_467 = arith.index_cast %parallel_loop3A_426 : i32 to index
        %parallel_loop3A_468 = arith.index_cast %parallel_loop3A_430 : i32 to index
        %parallel_loop3A_469 = tpu.vector_load %arg4[%parallel_loop3A_465, %parallel_loop3A_466, %parallel_loop3A_467, %parallel_loop3A_468] {strides = array<i32>} : memref<4x10x8x256xf32, #tpu.memory_space<vmem>>, vector<1x1x1x16xf32>,
        %parallel_loop3A_470 = vector.shape_cast %parallel_loop3A_469 : vector<1x1x1x16xf32> to vector<16xf32>
        %parallel_loop3A_471 = arith.constant 1 : i32
        %parallel_loop3A_472 = arith.constant 5 : i32
        %parallel_loop3A_473 = arith.index_cast %parallel_loop3A_471 : i32 to index
        %parallel_loop3A_474 = arith.index_cast %parallel_loop3A_472 : i32 to index
        %parallel_loop3A_475 = arith.index_cast %parallel_loop3A_426 : i32 to index
        %parallel_loop3A_476 = arith.index_cast %parallel_loop3A_430 : i32 to index
        %parallel_loop3A_477 = tpu.vector_load %arg4[%parallel_loop3A_473, %parallel_loop3A_474, %parallel_loop3A_475, %parallel_loop3A_476] {strides = array<i32>} : memref<4x10x8x256xf32, #tpu.memory_space<vmem>>, vector<1x1x1x16xf32>,
        %parallel_loop3A_478 = vector.shape_cast %parallel_loop3A_477 : vector<1x1x1x16xf32> to vector<16xf32>
        %parallel_loop3A_479 = arith.constant 1 : i32
        %parallel_loop3A_480 = arith.constant 6 : i32
        %parallel_loop3A_481 = arith.index_cast %parallel_loop3A_479 : i32 to index
        %parallel_loop3A_482 = arith.index_cast %parallel_loop3A_480 : i32 to index
        %parallel_loop3A_483 = arith.index_cast %parallel_loop3A_426 : i32 to index
        %parallel_loop3A_484 = arith.index_cast %parallel_loop3A_430 : i32 to index
        %parallel_loop3A_485 = tpu.vector_load %arg4[%parallel_loop3A_481, %parallel_loop3A_482, %parallel_loop3A_483, %parallel_loop3A_484] {strides = array<i32>} : memref<4x10x8x256xf32, #tpu.memory_space<vmem>>, vector<1x1x1x16xf32>,
        %parallel_loop3A_486 = vector.shape_cast %parallel_loop3A_485 : vector<1x1x1x16xf32> to vector<16xf32>
        %parallel_loop3A_487 = arith.constant 1 : i32
        %parallel_loop3A_488 = arith.constant 7 : i32
        %parallel_loop3A_489 = arith.index_cast %parallel_loop3A_487 : i32 to index
        %parallel_loop3A_490 = arith.index_cast %parallel_loop3A_488 : i32 to index
        %parallel_loop3A_491 = arith.index_cast %parallel_loop3A_426 : i32 to index
        %parallel_loop3A_492 = arith.index_cast %parallel_loop3A_430 : i32 to index
        %parallel_loop3A_493 = tpu.vector_load %arg4[%parallel_loop3A_489, %parallel_loop3A_490, %parallel_loop3A_491, %parallel_loop3A_492] {strides = array<i32>} : memref<4x10x8x256xf32, #tpu.memory_space<vmem>>, vector<1x1x1x16xf32>,
        %parallel_loop3A_494 = vector.shape_cast %parallel_loop3A_493 : vector<1x1x1x16xf32> to vector<16xf32>
        %parallel_loop3A_495 = arith.maximumf %parallel_loop3A_438, %parallel_loop3A_446 : vector<16xf32>
        %parallel_loop3A_496 = arith.maximumf %parallel_loop3A_454, %parallel_loop3A_462 : vector<16xf32>
        %parallel_loop3A_497 = arith.maximumf %parallel_loop3A_470, %parallel_loop3A_478 : vector<16xf32>
        %parallel_loop3A_498 = arith.maximumf %parallel_loop3A_486, %parallel_loop3A_494 : vector<16xf32>
        %parallel_loop3A_499 = arith.maximumf %parallel_loop3A_495, %parallel_loop3A_496 : vector<16xf32>
        %parallel_loop3A_500 = arith.maximumf %parallel_loop3A_497, %parallel_loop3A_498 : vector<16xf32>
        %parallel_loop3A_501 = arith.maximumf %parallel_loop3A_499, %parallel_loop3A_500 : vector<16xf32>
        %parallel_loop3A_502 = arith.constant 1 : i32
        %parallel_loop3A_503 = arith.constant 8 : i32
        %parallel_loop3A_504 = arith.index_cast %parallel_loop3A_502 : i32 to index
        %parallel_loop3A_505 = arith.index_cast %parallel_loop3A_503 : i32 to index
        %parallel_loop3A_506 = arith.index_cast %parallel_loop3A_426 : i32 to index
        %parallel_loop3A_507 = arith.index_cast %parallel_loop3A_430 : i32 to index
        %parallel_loop3A_508 = tpu.vector_load %arg4[%parallel_loop3A_504, %parallel_loop3A_505, %parallel_loop3A_506, %parallel_loop3A_507] {strides = array<i32>} : memref<4x10x8x256xf32, #tpu.memory_space<vmem>>, vector<1x1x1x16xf32>,
        %parallel_loop3A_509 = vector.shape_cast %parallel_loop3A_508 : vector<1x1x1x16xf32> to vector<16xf32>
        %parallel_loop3A_510 = arith.constant 1 : i32
        %parallel_loop3A_511 = arith.constant 9 : i32
        %parallel_loop3A_512 = arith.index_cast %parallel_loop3A_510 : i32 to index
        %parallel_loop3A_513 = arith.index_cast %parallel_loop3A_511 : i32 to index
        %parallel_loop3A_514 = arith.index_cast %parallel_loop3A_426 : i32 to index
        %parallel_loop3A_515 = arith.index_cast %parallel_loop3A_430 : i32 to index
        %parallel_loop3A_516 = tpu.vector_load %arg4[%parallel_loop3A_512, %parallel_loop3A_513, %parallel_loop3A_514, %parallel_loop3A_515] {strides = array<i32>} : memref<4x10x8x256xf32, #tpu.memory_space<vmem>>, vector<1x1x1x16xf32>,
        %parallel_loop3A_517 = vector.shape_cast %parallel_loop3A_516 : vector<1x1x1x16xf32> to vector<16xf32>
        %parallel_loop3A_518 = arith.mulf %parallel_loop3A_509, %parallel_loop3A_509 : vector<16xf32>
        %parallel_loop3A_519 = arith.mulf %parallel_loop3A_517, %parallel_loop3A_517 : vector<16xf32>
        %parallel_loop3A_520 = arith.addf %parallel_loop3A_518, %parallel_loop3A_519 : vector<16xf32>
        %parallel_loop3A_521 = tpu.bitcast %parallel_loop3A_520 : vector<16xf32> -> vector<16xi32>
        %parallel_loop3A_522 = arith.constant 1 : i32
        %parallel_loop3A_523 = vector.broadcast %parallel_loop3A_522 : i32 to vector<16xi32>
        %parallel_loop3A_524 = arith.shrsi %parallel_loop3A_521, %parallel_loop3A_523 : vector<16xi32>
        %parallel_loop3A_525 = arith.constant 1597463007 : i32
        %parallel_loop3A_526 = vector.broadcast %parallel_loop3A_525 : i32 to vector<16xi32>
        %parallel_loop3A_527 = arith.subi %parallel_loop3A_526, %parallel_loop3A_524 : vector<16xi32>
        %parallel_loop3A_528 = tpu.bitcast %parallel_loop3A_527 : vector<16xi32> -> vector<16xf32>
        %parallel_loop3A_529 = arith.constant 5.000000e-01 : f32
        %parallel_loop3A_530 = vector.broadcast %parallel_loop3A_529 : f32 to vector<16xf32>
        %parallel_loop3A_531 = arith.mulf %parallel_loop3A_530, %parallel_loop3A_520 : vector<16xf32>
        %parallel_loop3A_532 = arith.mulf %parallel_loop3A_531, %parallel_loop3A_528 : vector<16xf32>
        %parallel_loop3A_533 = arith.mulf %parallel_loop3A_532, %parallel_loop3A_528 : vector<16xf32>
        %parallel_loop3A_534 = arith.constant 1.500000e+00 : f32
        %parallel_loop3A_535 = vector.broadcast %parallel_loop3A_534 : f32 to vector<16xf32>
        %parallel_loop3A_536 = arith.subf %parallel_loop3A_535, %parallel_loop3A_533 : vector<16xf32>
        %parallel_loop3A_537 = arith.mulf %parallel_loop3A_528, %parallel_loop3A_536 : vector<16xf32>
        %parallel_loop3A_538 = arith.mulf %parallel_loop3A_520, %parallel_loop3A_537 : vector<16xf32>
        %parallel_loop3A_539 = arith.cmpf oeq, %parallel_loop3A_438, %parallel_loop3A_501 : vector<16xf32>
        %parallel_loop3A_540 = arith.constant 0.000000e+00 : f32
        %parallel_loop3A_541 = vector.broadcast %parallel_loop3A_540 : f32 to vector<16xf32>
        %parallel_loop3A_542 = arith.select %parallel_loop3A_539, %parallel_loop3A_538, %parallel_loop3A_541 : vector<16xi1>, vector<16xf32>
        %parallel_loop3A_543 = arith.constant 1 : i32
        %parallel_loop3A_544 = arith.constant 0 : i32
        %parallel_loop3A_545 = arith.index_cast %parallel_loop3A_543 : i32 to index
        %parallel_loop3A_546 = arith.index_cast %parallel_loop3A_544 : i32 to index
        %parallel_loop3A_547 = arith.index_cast %parallel_loop3A_426 : i32 to index
        %parallel_loop3A_548 = arith.index_cast %parallel_loop3A_430 : i32 to index
        %parallel_loop3A_549 = tpu.vector_load %arg5[%parallel_loop3A_545, %parallel_loop3A_546, %parallel_loop3A_547, %parallel_loop3A_548] {strides = array<i32>} : memref<2x8x8x256xf32, #tpu.memory_space<vmem>>, vector<1x1x1x16xf32>,
        %parallel_loop3A_550 = vector.shape_cast %parallel_loop3A_549 : vector<1x1x1x16xf32> to vector<16xf32>
        %parallel_loop3A_551 = vector.shape_cast %parallel_loop3A_542 : vector<16xf32> to vector<1x1x1x16xf32>
        tpu.vector_store %arg5[%parallel_loop3A_545, %parallel_loop3A_546, %parallel_loop3A_547, %parallel_loop3A_548], %parallel_loop3A_551 {strides = array<i32>} : memref<2x8x8x256xf32, #tpu.memory_space<vmem>>, vector<1x1x1x16xf32>,
        %parallel_loop3A_552 = arith.cmpf oeq, %parallel_loop3A_446, %parallel_loop3A_501 : vector<16xf32>
        %parallel_loop3A_553 = arith.constant 0.000000e+00 : f32
        %parallel_loop3A_554 = vector.broadcast %parallel_loop3A_553 : f32 to vector<16xf32>
        %parallel_loop3A_555 = arith.select %parallel_loop3A_552, %parallel_loop3A_538, %parallel_loop3A_554 : vector<16xi1>, vector<16xf32>
        %parallel_loop3A_556 = arith.constant 1 : i32
        %parallel_loop3A_557 = arith.constant 1 : i32
        %parallel_loop3A_558 = arith.index_cast %parallel_loop3A_556 : i32 to index
        %parallel_loop3A_559 = arith.index_cast %parallel_loop3A_557 : i32 to index
        %parallel_loop3A_560 = arith.index_cast %parallel_loop3A_426 : i32 to index
        %parallel_loop3A_561 = arith.index_cast %parallel_loop3A_430 : i32 to index
        %parallel_loop3A_562 = tpu.vector_load %arg5[%parallel_loop3A_558, %parallel_loop3A_559, %parallel_loop3A_560, %parallel_loop3A_561] {strides = array<i32>} : memref<2x8x8x256xf32, #tpu.memory_space<vmem>>, vector<1x1x1x16xf32>,
        %parallel_loop3A_563 = vector.shape_cast %parallel_loop3A_562 : vector<1x1x1x16xf32> to vector<16xf32>
        %parallel_loop3A_564 = vector.shape_cast %parallel_loop3A_555 : vector<16xf32> to vector<1x1x1x16xf32>
        tpu.vector_store %arg5[%parallel_loop3A_558, %parallel_loop3A_559, %parallel_loop3A_560, %parallel_loop3A_561], %parallel_loop3A_564 {strides = array<i32>} : memref<2x8x8x256xf32, #tpu.memory_space<vmem>>, vector<1x1x1x16xf32>,
        %parallel_loop3A_565 = arith.cmpf oeq, %parallel_loop3A_454, %parallel_loop3A_501 : vector<16xf32>
        %parallel_loop3A_566 = arith.constant 0.000000e+00 : f32
        %parallel_loop3A_567 = vector.broadcast %parallel_loop3A_566 : f32 to vector<16xf32>
        %parallel_loop3A_568 = arith.select %parallel_loop3A_565, %parallel_loop3A_538, %parallel_loop3A_567 : vector<16xi1>, vector<16xf32>
        %parallel_loop3A_569 = arith.constant 1 : i32
        %parallel_loop3A_570 = arith.constant 2 : i32
        %parallel_loop3A_571 = arith.index_cast %parallel_loop3A_569 : i32 to index
        %parallel_loop3A_572 = arith.index_cast %parallel_loop3A_570 : i32 to index
        %parallel_loop3A_573 = arith.index_cast %parallel_loop3A_426 : i32 to index
        %parallel_loop3A_574 = arith.index_cast %parallel_loop3A_430 : i32 to index
        %parallel_loop3A_575 = tpu.vector_load %arg5[%parallel_loop3A_571, %parallel_loop3A_572, %parallel_loop3A_573, %parallel_loop3A_574] {strides = array<i32>} : memref<2x8x8x256xf32, #tpu.memory_space<vmem>>, vector<1x1x1x16xf32>,
        %parallel_loop3A_576 = vector.shape_cast %parallel_loop3A_575 : vector<1x1x1x16xf32> to vector<16xf32>
        %parallel_loop3A_577 = vector.shape_cast %parallel_loop3A_568 : vector<16xf32> to vector<1x1x1x16xf32>
        tpu.vector_store %arg5[%parallel_loop3A_571, %parallel_loop3A_572, %parallel_loop3A_573, %parallel_loop3A_574], %parallel_loop3A_577 {strides = array<i32>} : memref<2x8x8x256xf32, #tpu.memory_space<vmem>>, vector<1x1x1x16xf32>,
        %parallel_loop3A_578 = arith.cmpf oeq, %parallel_loop3A_462, %parallel_loop3A_501 : vector<16xf32>
        %parallel_loop3A_579 = arith.constant 0.000000e+00 : f32
        %parallel_loop3A_580 = vector.broadcast %parallel_loop3A_579 : f32 to vector<16xf32>
        %parallel_loop3A_581 = arith.select %parallel_loop3A_578, %parallel_loop3A_538, %parallel_loop3A_580 : vector<16xi1>, vector<16xf32>
        %parallel_loop3A_582 = arith.constant 1 : i32
        %parallel_loop3A_583 = arith.constant 3 : i32
        %parallel_loop3A_584 = arith.index_cast %parallel_loop3A_582 : i32 to index
        %parallel_loop3A_585 = arith.index_cast %parallel_loop3A_583 : i32 to index
        %parallel_loop3A_586 = arith.index_cast %parallel_loop3A_426 : i32 to index
        %parallel_loop3A_587 = arith.index_cast %parallel_loop3A_430 : i32 to index
        %parallel_loop3A_588 = tpu.vector_load %arg5[%parallel_loop3A_584, %parallel_loop3A_585, %parallel_loop3A_586, %parallel_loop3A_587] {strides = array<i32>} : memref<2x8x8x256xf32, #tpu.memory_space<vmem>>, vector<1x1x1x16xf32>,
        %parallel_loop3A_589 = vector.shape_cast %parallel_loop3A_588 : vector<1x1x1x16xf32> to vector<16xf32>
        %parallel_loop3A_590 = vector.shape_cast %parallel_loop3A_581 : vector<16xf32> to vector<1x1x1x16xf32>
        tpu.vector_store %arg5[%parallel_loop3A_584, %parallel_loop3A_585, %parallel_loop3A_586, %parallel_loop3A_587], %parallel_loop3A_590 {strides = array<i32>} : memref<2x8x8x256xf32, #tpu.memory_space<vmem>>, vector<1x1x1x16xf32>,
        %parallel_loop3A_591 = arith.cmpf oeq, %parallel_loop3A_470, %parallel_loop3A_501 : vector<16xf32>
        %parallel_loop3A_592 = arith.constant 0.000000e+00 : f32
        %parallel_loop3A_593 = vector.broadcast %parallel_loop3A_592 : f32 to vector<16xf32>
        %parallel_loop3A_594 = arith.select %parallel_loop3A_591, %parallel_loop3A_538, %parallel_loop3A_593 : vector<16xi1>, vector<16xf32>
        %parallel_loop3A_595 = arith.constant 1 : i32
        %parallel_loop3A_596 = arith.constant 4 : i32
        %parallel_loop3A_597 = arith.index_cast %parallel_loop3A_595 : i32 to index
        %parallel_loop3A_598 = arith.index_cast %parallel_loop3A_596 : i32 to index
        %parallel_loop3A_599 = arith.index_cast %parallel_loop3A_426 : i32 to index
        %parallel_loop3A_600 = arith.index_cast %parallel_loop3A_430 : i32 to index
        %parallel_loop3A_601 = tpu.vector_load %arg5[%parallel_loop3A_597, %parallel_loop3A_598, %parallel_loop3A_599, %parallel_loop3A_600] {strides = array<i32>} : memref<2x8x8x256xf32, #tpu.memory_space<vmem>>, vector<1x1x1x16xf32>,
        %parallel_loop3A_602 = vector.shape_cast %parallel_loop3A_601 : vector<1x1x1x16xf32> to vector<16xf32>
        %parallel_loop3A_603 = vector.shape_cast %parallel_loop3A_594 : vector<16xf32> to vector<1x1x1x16xf32>
        tpu.vector_store %arg5[%parallel_loop3A_597, %parallel_loop3A_598, %parallel_loop3A_599, %parallel_loop3A_600], %parallel_loop3A_603 {strides = array<i32>} : memref<2x8x8x256xf32, #tpu.memory_space<vmem>>, vector<1x1x1x16xf32>,
        %parallel_loop3A_604 = arith.cmpf oeq, %parallel_loop3A_478, %parallel_loop3A_501 : vector<16xf32>
        %parallel_loop3A_605 = arith.constant 0.000000e+00 : f32
        %parallel_loop3A_606 = vector.broadcast %parallel_loop3A_605 : f32 to vector<16xf32>
        %parallel_loop3A_607 = arith.select %parallel_loop3A_604, %parallel_loop3A_538, %parallel_loop3A_606 : vector<16xi1>, vector<16xf32>
        %parallel_loop3A_608 = arith.constant 1 : i32
        %parallel_loop3A_609 = arith.constant 5 : i32
        %parallel_loop3A_610 = arith.index_cast %parallel_loop3A_608 : i32 to index
        %parallel_loop3A_611 = arith.index_cast %parallel_loop3A_609 : i32 to index
        %parallel_loop3A_612 = arith.index_cast %parallel_loop3A_426 : i32 to index
        %parallel_loop3A_613 = arith.index_cast %parallel_loop3A_430 : i32 to index
        %parallel_loop3A_614 = tpu.vector_load %arg5[%parallel_loop3A_610, %parallel_loop3A_611, %parallel_loop3A_612, %parallel_loop3A_613] {strides = array<i32>} : memref<2x8x8x256xf32, #tpu.memory_space<vmem>>, vector<1x1x1x16xf32>,
        %parallel_loop3A_615 = vector.shape_cast %parallel_loop3A_614 : vector<1x1x1x16xf32> to vector<16xf32>
        %parallel_loop3A_616 = vector.shape_cast %parallel_loop3A_607 : vector<16xf32> to vector<1x1x1x16xf32>
        tpu.vector_store %arg5[%parallel_loop3A_610, %parallel_loop3A_611, %parallel_loop3A_612, %parallel_loop3A_613], %parallel_loop3A_616 {strides = array<i32>} : memref<2x8x8x256xf32, #tpu.memory_space<vmem>>, vector<1x1x1x16xf32>,
        %parallel_loop3A_617 = arith.cmpf oeq, %parallel_loop3A_486, %parallel_loop3A_501 : vector<16xf32>
        %parallel_loop3A_618 = arith.constant 0.000000e+00 : f32
        %parallel_loop3A_619 = vector.broadcast %parallel_loop3A_618 : f32 to vector<16xf32>
        %parallel_loop3A_620 = arith.select %parallel_loop3A_617, %parallel_loop3A_538, %parallel_loop3A_619 : vector<16xi1>, vector<16xf32>
        %parallel_loop3A_621 = arith.constant 1 : i32
        %parallel_loop3A_622 = arith.constant 6 : i32
        %parallel_loop3A_623 = arith.index_cast %parallel_loop3A_621 : i32 to index
        %parallel_loop3A_624 = arith.index_cast %parallel_loop3A_622 : i32 to index
        %parallel_loop3A_625 = arith.index_cast %parallel_loop3A_426 : i32 to index
        %parallel_loop3A_626 = arith.index_cast %parallel_loop3A_430 : i32 to index
        %parallel_loop3A_627 = tpu.vector_load %arg5[%parallel_loop3A_623, %parallel_loop3A_624, %parallel_loop3A_625, %parallel_loop3A_626] {strides = array<i32>} : memref<2x8x8x256xf32, #tpu.memory_space<vmem>>, vector<1x1x1x16xf32>,
        %parallel_loop3A_628 = vector.shape_cast %parallel_loop3A_627 : vector<1x1x1x16xf32> to vector<16xf32>
        %parallel_loop3A_629 = vector.shape_cast %parallel_loop3A_620 : vector<16xf32> to vector<1x1x1x16xf32>
        tpu.vector_store %arg5[%parallel_loop3A_623, %parallel_loop3A_624, %parallel_loop3A_625, %parallel_loop3A_626], %parallel_loop3A_629 {strides = array<i32>} : memref<2x8x8x256xf32, #tpu.memory_space<vmem>>, vector<1x1x1x16xf32>,
        %parallel_loop3A_630 = arith.cmpf oeq, %parallel_loop3A_494, %parallel_loop3A_501 : vector<16xf32>
        %parallel_loop3A_631 = arith.constant 0.000000e+00 : f32
        %parallel_loop3A_632 = vector.broadcast %parallel_loop3A_631 : f32 to vector<16xf32>
        %parallel_loop3A_633 = arith.select %parallel_loop3A_630, %parallel_loop3A_538, %parallel_loop3A_632 : vector<16xi1>, vector<16xf32>
        %parallel_loop3A_634 = arith.constant 1 : i32
        %parallel_loop3A_635 = arith.constant 7 : i32
        %parallel_loop3A_636 = arith.index_cast %parallel_loop3A_634 : i32 to index
        %parallel_loop3A_637 = arith.index_cast %parallel_loop3A_635 : i32 to index
        %parallel_loop3A_638 = arith.index_cast %parallel_loop3A_426 : i32 to index
        %parallel_loop3A_639 = arith.index_cast %parallel_loop3A_430 : i32 to index
        %parallel_loop3A_640 = tpu.vector_load %arg5[%parallel_loop3A_636, %parallel_loop3A_637, %parallel_loop3A_638, %parallel_loop3A_639] {strides = array<i32>} : memref<2x8x8x256xf32, #tpu.memory_space<vmem>>, vector<1x1x1x16xf32>,
        %parallel_loop3A_641 = vector.shape_cast %parallel_loop3A_640 : vector<1x1x1x16xf32> to vector<16xf32>
        %parallel_loop3A_642 = vector.shape_cast %parallel_loop3A_633 : vector<16xf32> to vector<1x1x1x16xf32>
        tpu.vector_store %arg5[%parallel_loop3A_636, %parallel_loop3A_637, %parallel_loop3A_638, %parallel_loop3A_639], %parallel_loop3A_642 {strides = array<i32>} : memref<2x8x8x256xf32, #tpu.memory_space<vmem>>, vector<1x1x1x16xf32>,
      } {sc.loop_unroll_factor = 4 : i64, sc.parallel_access}
      %shift_right_arithmetic3A_244 = arith.constant 3 : i32
      %shift_right_arithmetic3A_245 = arith.shrsi %add3A_208, %shift_right_arithmetic3A_244 : i32
      %mul3A_246 = arith.constant 8 : i32
      %mul3A_247 = arith.muli %shift_right_arithmetic3A_245, %mul3A_246 : i32
      %add3A_248 = arith.addi %mul3A_2, %mul3A_247 : i32
      %and3A_249 = arith.constant 7 : i32
      %and3A_250 = arith.andi %add3A_208, %and3A_249 : i32
      %mul3A_251 = arith.constant 256 : i32
      %mul3A_252 = arith.muli %and3A_250, %mul3A_251 : i32
      %dma_start3A_253 = arith.constant 1 : i32
      %dma_start3A_254 = arith.constant 0 : i32
      %dma_start3A_255 = arith.constant 0 : i32
      %dma_start3A_256 = arith.constant 0 : i32
      %dma_start3A_257 = arith.constant 0 : i32
      %dma_start3A_258 = tpu.memref_slice %arg5[%dma_start3A_253, %dma_start3A_255, %dma_start3A_256, %dma_start3A_257] : memref<2x8x8x256xf32, #tpu.memory_space<vmem>> -> memref<1x8x8x256xf32, #tpu.memory_space<vmem>>
      %dma_start3A_259 = tpu.memref_squeeze %dma_start3A_258 : memref<1x8x8x256xf32, #tpu.memory_space<vmem>> -> memref<8x8x256xf32, #tpu.memory_space<vmem>>
      %dma_start3A_260 = arith.constant 0 : i32
      %dma_start3A_261 = tpu.memref_slice %arg3[%dma_start3A_254, %dma_start3A_260, %add3A_248, %mul3A_252] : memref<1x8x2048x2048xf32, #tpu.memory_space<hbm>> -> memref<1x8x8x256xf32, #tpu.memory_space<hbm>>
      %dma_start3A_262 = tpu.memref_squeeze %dma_start3A_261 : memref<1x8x8x256xf32, #tpu.memory_space<hbm>> -> memref<8x8x256xf32, #tpu.memory_space<hbm>>
      %dma_start3A_263 = arith.constant 0 : i32
      %dma_start3A_264 = tpu.memref_slice %arg3[%dma_start3A_254, %dma_start3A_263, %add3A_248, %mul3A_252] : memref<1x8x2048x2048xf32, #tpu.memory_space<hbm>> -> memref<1x8x8x256xf32, #tpu.memory_space<hbm>>
      %dma_start3A_265 = tpu.memref_squeeze %dma_start3A_264 : memref<1x8x8x256xf32, #tpu.memory_space<hbm>> -> memref<8x8x256xf32, #tpu.memory_space<hbm>>
      %dma_start3A_266 = arith.constant 0 : i32
      %dma_start3A_267 = arith.constant 0 : i32
      %dma_start3A_268 = arith.constant 0 : i32
      %dma_start3A_269 = tpu.memref_slice %arg5[%dma_start3A_253, %dma_start3A_266, %dma_start3A_267, %dma_start3A_268] : memref<2x8x8x256xf32, #tpu.memory_space<vmem>> -> memref<1x8x8x256xf32, #tpu.memory_space<vmem>>
      %dma_start3A_270 = tpu.memref_squeeze %dma_start3A_269 : memref<1x8x8x256xf32, #tpu.memory_space<vmem>> -> memref<8x8x256xf32, #tpu.memory_space<vmem>>
      tpu.enqueue_dma source(%dma_start3A_270 : memref<8x8x256xf32, #tpu.memory_space<vmem>>) target(%dma_start3A_265 : memref<8x8x256xf32, #tpu.memory_space<hbm>>) target_semaphore(%arg11 : memref<!tpu.dma_semaphore, #tpu.memory_space<semaphore_mem>>)
      %add3A_271 = arith.constant 4 : i32
      %add3A_272 = arith.addi %add3A_208, %add3A_271 : i32
      %lt3A_273 = arith.constant 64 : i32
      %lt3A_274 = arith.cmpi slt, %add3A_272, %lt3A_273 : i32
      %convert_element_type3A_275 = arith.extui %lt3A_274 : i1 to i32
      %cond3A_276 = arith.constant 0 : i32
      %cond3A_277 = arith.cmpi ne, %convert_element_type3A_275, %cond3A_276 : i32
      scf.if %cond3A_277 {
        %add3A_424 = arith.constant 4 : i32
        %add3A_425 = arith.addi %add3A_208, %add3A_424 : i32
        %shift_right_arithmetic3A_426 = arith.constant 3 : i32
        %shift_right_arithmetic3A_427 = arith.shrsi %add3A_425, %shift_right_arithmetic3A_426 : i32
        %mul3A_428 = arith.constant 8 : i32
        %mul3A_429 = arith.muli %shift_right_arithmetic3A_427, %mul3A_428 : i32
        %add3A_430 = arith.addi %mul3A_2, %mul3A_429 : i32
        %and3A_431 = arith.constant 7 : i32
        %and3A_432 = arith.andi %add3A_425, %and3A_431 : i32
        %mul3A_433 = arith.constant 256 : i32
        %mul3A_434 = arith.muli %and3A_432, %mul3A_433 : i32
        %dma_start3A_435 = arith.constant 0 : i32
        %dma_start3A_436 = arith.constant 1 : i32
        %dma_start3A_437 = arith.constant 0 : i32
        %dma_start3A_438 = arith.constant 0 : i32
        %dma_start3A_439 = arith.constant 0 : i32
        %dma_start3A_440 = tpu.memref_slice %arg4[%dma_start3A_436, %dma_start3A_437, %dma_start3A_438, %dma_start3A_439] : memref<4x10x8x256xf32, #tpu.memory_space<vmem>> -> memref<1x10x8x256xf32, #tpu.memory_space<vmem>>
        %dma_start3A_441 = tpu.memref_squeeze %dma_start3A_440 : memref<1x10x8x256xf32, #tpu.memory_space<vmem>> -> memref<10x8x256xf32, #tpu.memory_space<vmem>>
        %dma_start3A_442 = arith.constant 0 : i32
        %dma_start3A_443 = tpu.memref_slice %arg2[%dma_start3A_435, %dma_start3A_442, %add3A_430, %mul3A_434] : memref<1x10x2048x2048xf32, #tpu.memory_space<hbm>> -> memref<1x10x8x256xf32, #tpu.memory_space<hbm>>
        %dma_start3A_444 = tpu.memref_squeeze %dma_start3A_443 : memref<1x10x8x256xf32, #tpu.memory_space<hbm>> -> memref<10x8x256xf32, #tpu.memory_space<hbm>>
        %dma_start3A_445 = arith.constant 0 : i32
        %dma_start3A_446 = arith.constant 0 : i32
        %dma_start3A_447 = arith.constant 0 : i32
        %dma_start3A_448 = tpu.memref_slice %arg4[%dma_start3A_436, %dma_start3A_445, %dma_start3A_446, %dma_start3A_447] : memref<4x10x8x256xf32, #tpu.memory_space<vmem>> -> memref<1x10x8x256xf32, #tpu.memory_space<vmem>>
        %dma_start3A_449 = tpu.memref_squeeze %dma_start3A_448 : memref<1x10x8x256xf32, #tpu.memory_space<vmem>> -> memref<10x8x256xf32, #tpu.memory_space<vmem>>
        %dma_start3A_450 = arith.constant 0 : i32
        %dma_start3A_451 = tpu.memref_slice %arg2[%dma_start3A_435, %dma_start3A_450, %add3A_430, %mul3A_434] : memref<1x10x2048x2048xf32, #tpu.memory_space<hbm>> -> memref<1x10x8x256xf32, #tpu.memory_space<hbm>>
        %dma_start3A_452 = tpu.memref_squeeze %dma_start3A_451 : memref<1x10x8x256xf32, #tpu.memory_space<hbm>> -> memref<10x8x256xf32, #tpu.memory_space<hbm>>
        tpu.enqueue_dma source(%dma_start3A_452 : memref<10x8x256xf32, #tpu.memory_space<hbm>>) target(%dma_start3A_449 : memref<10x8x256xf32, #tpu.memory_space<vmem>>) target_semaphore(%arg7 : memref<!tpu.dma_semaphore, #tpu.memory_space<semaphore_mem>>)
      } else {
      }
      %mul3A_278 = arith.constant 4 : i32
      %mul3A_279 = arith.muli %scan3A_138, %mul3A_278 : i32
      %add3A_280 = arith.constant 2 : i32
      %add3A_281 = arith.addi %mul3A_279, %add3A_280 : i32
      %shift_right_arithmetic3A_282 = arith.constant 3 : i32
      %shift_right_arithmetic3A_283 = arith.shrsi %add3A_281, %shift_right_arithmetic3A_282 : i32
      %mul3A_284 = arith.constant 8 : i32
      %mul3A_285 = arith.muli %shift_right_arithmetic3A_283, %mul3A_284 : i32
      %add3A_286 = arith.addi %mul3A_2, %mul3A_285 : i32
      %and3A_287 = arith.constant 7 : i32
      %and3A_288 = arith.andi %add3A_281, %and3A_287 : i32
      %mul3A_289 = arith.constant 256 : i32
      %mul3A_290 = arith.muli %and3A_288, %mul3A_289 : i32
      %dma_wait3A_291 = arith.constant 0 : i32
      %dma_wait3A_292 = arith.constant 2 : i32
      %dma_wait3A_293 = arith.constant 0 : i32
      %dma_wait3A_294 = arith.constant 0 : i32
      %dma_wait3A_295 = arith.constant 0 : i32
      %dma_wait3A_296 = tpu.memref_slice %arg4[%dma_wait3A_292, %dma_wait3A_293, %dma_wait3A_294, %dma_wait3A_295] : memref<4x10x8x256xf32, #tpu.memory_space<vmem>> -> memref<1x10x8x256xf32, #tpu.memory_space<vmem>>
      %dma_wait3A_297 = tpu.memref_squeeze %dma_wait3A_296 : memref<1x10x8x256xf32, #tpu.memory_space<vmem>> -> memref<10x8x256xf32, #tpu.memory_space<vmem>>
      %dma_wait3A_298 = arith.constant 0 : i32
      %dma_wait3A_299 = tpu.memref_slice %arg2[%dma_wait3A_291, %dma_wait3A_298, %add3A_286, %mul3A_290] : memref<1x10x2048x2048xf32, #tpu.memory_space<hbm>> -> memref<1x10x8x256xf32, #tpu.memory_space<hbm>>
      %dma_wait3A_300 = tpu.memref_squeeze %dma_wait3A_299 : memref<1x10x8x256xf32, #tpu.memory_space<hbm>> -> memref<10x8x256xf32, #tpu.memory_space<hbm>>
      %dma_wait3A_301 = arith.constant 0 : i32
      %dma_wait3A_302 = arith.constant 0 : i32
      %dma_wait3A_303 = arith.constant 0 : i32
      %dma_wait3A_304 = tpu.memref_slice %arg4[%dma_wait3A_292, %dma_wait3A_301, %dma_wait3A_302, %dma_wait3A_303] : memref<4x10x8x256xf32, #tpu.memory_space<vmem>> -> memref<1x10x8x256xf32, #tpu.memory_space<vmem>>
      %dma_wait3A_305 = tpu.memref_squeeze %dma_wait3A_304 : memref<1x10x8x256xf32, #tpu.memory_space<vmem>> -> memref<10x8x256xf32, #tpu.memory_space<vmem>>
      %dma_wait3A_306 = arith.constant 0 : i32
      %dma_wait3A_307 = tpu.memref_slice %arg2[%dma_wait3A_291, %dma_wait3A_306, %add3A_286, %mul3A_290] : memref<1x10x2048x2048xf32, #tpu.memory_space<hbm>> -> memref<1x10x8x256xf32, #tpu.memory_space<hbm>>
      %dma_wait3A_308 = tpu.memref_squeeze %dma_wait3A_307 : memref<1x10x8x256xf32, #tpu.memory_space<hbm>> -> memref<10x8x256xf32, #tpu.memory_space<hbm>>
      tpu.wait_dma2 semaphore(%arg8 : memref<!tpu.dma_semaphore, #tpu.memory_space<semaphore_mem>>) src(%dma_wait3A_308 : memref<10x8x256xf32, #tpu.memory_space<hbm>>) dst(%dma_wait3A_305 : memref<10x8x256xf32, #tpu.memory_space<vmem>>)
      %ge3A_309 = arith.constant 2 : i32
      %ge3A_310 = arith.cmpi sge, %add3A_281, %ge3A_309 : i32
      %convert_element_type3A_311 = arith.extui %ge3A_310 : i1 to i32
      %cond3A_312 = arith.constant 0 : i32
      %cond3A_313 = arith.cmpi ne, %convert_element_type3A_311, %cond3A_312 : i32
      scf.if %cond3A_313 {
        %sub3A = arith.constant 2 : i32
        %sub3A_424 = arith.subi %add3A_281, %sub3A : i32
        %shift_right_arithmetic3A_425 = arith.constant 3 : i32
        %shift_right_arithmetic3A_426 = arith.shrsi %sub3A_424, %shift_right_arithmetic3A_425 : i32
        %mul3A_427 = arith.constant 8 : i32
        %mul3A_428 = arith.muli %shift_right_arithmetic3A_426, %mul3A_427 : i32
        %add3A_429 = arith.addi %mul3A_2, %mul3A_428 : i32
        %and3A_430 = arith.constant 7 : i32
        %and3A_431 = arith.andi %sub3A_424, %and3A_430 : i32
        %mul3A_432 = arith.constant 256 : i32
        %mul3A_433 = arith.muli %and3A_431, %mul3A_432 : i32
        %dma_wait3A_434 = arith.constant 0 : i32
        %dma_wait3A_435 = arith.constant 0 : i32
        %dma_wait3A_436 = arith.constant 0 : i32
        %dma_wait3A_437 = arith.constant 0 : i32
        %dma_wait3A_438 = arith.constant 0 : i32
        %dma_wait3A_439 = tpu.memref_slice %arg5[%dma_wait3A_434, %dma_wait3A_436, %dma_wait3A_437, %dma_wait3A_438] : memref<2x8x8x256xf32, #tpu.memory_space<vmem>> -> memref<1x8x8x256xf32, #tpu.memory_space<vmem>>
        %dma_wait3A_440 = tpu.memref_squeeze %dma_wait3A_439 : memref<1x8x8x256xf32, #tpu.memory_space<vmem>> -> memref<8x8x256xf32, #tpu.memory_space<vmem>>
        %dma_wait3A_441 = arith.constant 0 : i32
        %dma_wait3A_442 = tpu.memref_slice %arg3[%dma_wait3A_435, %dma_wait3A_441, %add3A_429, %mul3A_433] : memref<1x8x2048x2048xf32, #tpu.memory_space<hbm>> -> memref<1x8x8x256xf32, #tpu.memory_space<hbm>>
        %dma_wait3A_443 = tpu.memref_squeeze %dma_wait3A_442 : memref<1x8x8x256xf32, #tpu.memory_space<hbm>> -> memref<8x8x256xf32, #tpu.memory_space<hbm>>
        %dma_wait3A_444 = arith.constant 0 : i32
        %dma_wait3A_445 = tpu.memref_slice %arg3[%dma_wait3A_435, %dma_wait3A_444, %add3A_429, %mul3A_433] : memref<1x8x2048x2048xf32, #tpu.memory_space<hbm>> -> memref<1x8x8x256xf32, #tpu.memory_space<hbm>>
        %dma_wait3A_446 = tpu.memref_squeeze %dma_wait3A_445 : memref<1x8x8x256xf32, #tpu.memory_space<hbm>> -> memref<8x8x256xf32, #tpu.memory_space<hbm>>
        %dma_wait3A_447 = arith.constant 0 : i32
        %dma_wait3A_448 = arith.constant 0 : i32
        %dma_wait3A_449 = arith.constant 0 : i32
        %dma_wait3A_450 = tpu.memref_slice %arg5[%dma_wait3A_434, %dma_wait3A_447, %dma_wait3A_448, %dma_wait3A_449] : memref<2x8x8x256xf32, #tpu.memory_space<vmem>> -> memref<1x8x8x256xf32, #tpu.memory_space<vmem>>
        %dma_wait3A_451 = tpu.memref_squeeze %dma_wait3A_450 : memref<1x8x8x256xf32, #tpu.memory_space<vmem>> -> memref<8x8x256xf32, #tpu.memory_space<vmem>>
        tpu.wait_dma2 semaphore(%arg10 : memref<!tpu.dma_semaphore, #tpu.memory_space<semaphore_mem>>) src(%dma_wait3A_451 : memref<8x8x256xf32, #tpu.memory_space<vmem>>) dst(%dma_wait3A_446 : memref<8x8x256xf32, #tpu.memory_space<hbm>>)
      } else {
      }
      %parallel_loop3A_314 = arith.constant 0 : i32
      %parallel_loop3A_315 = arith.constant 128 : i32
      %parallel_loop3A_316 = arith.constant 1 : i32
      scf.for %parallel_loop3A_424 = %parallel_loop3A_314 to %parallel_loop3A_315 step %parallel_loop3A_316  : i32 {
        %parallel_loop3A_425 = arith.constant 4 : i32
        %parallel_loop3A_426 = arith.shrsi %parallel_loop3A_424, %parallel_loop3A_425 : i32
        %parallel_loop3A_427 = arith.constant 15 : i32
        %parallel_loop3A_428 = arith.andi %parallel_loop3A_424, %parallel_loop3A_427 : i32
        %parallel_loop3A_429 = arith.constant 16 : i32
        %parallel_loop3A_430 = arith.muli %parallel_loop3A_428, %parallel_loop3A_429 : i32
        %parallel_loop3A_431 = arith.constant 2 : i32
        %parallel_loop3A_432 = arith.constant 0 : i32
        %parallel_loop3A_433 = arith.index_cast %parallel_loop3A_431 : i32 to index
        %parallel_loop3A_434 = arith.index_cast %parallel_loop3A_432 : i32 to index
        %parallel_loop3A_435 = arith.index_cast %parallel_loop3A_426 : i32 to index
        %parallel_loop3A_436 = arith.index_cast %parallel_loop3A_430 : i32 to index
        %parallel_loop3A_437 = tpu.vector_load %arg4[%parallel_loop3A_433, %parallel_loop3A_434, %parallel_loop3A_435, %parallel_loop3A_436] {strides = array<i32>} : memref<4x10x8x256xf32, #tpu.memory_space<vmem>>, vector<1x1x1x16xf32>,
        %parallel_loop3A_438 = vector.shape_cast %parallel_loop3A_437 : vector<1x1x1x16xf32> to vector<16xf32>
        %parallel_loop3A_439 = arith.constant 2 : i32
        %parallel_loop3A_440 = arith.constant 1 : i32
        %parallel_loop3A_441 = arith.index_cast %parallel_loop3A_439 : i32 to index
        %parallel_loop3A_442 = arith.index_cast %parallel_loop3A_440 : i32 to index
        %parallel_loop3A_443 = arith.index_cast %parallel_loop3A_426 : i32 to index
        %parallel_loop3A_444 = arith.index_cast %parallel_loop3A_430 : i32 to index
        %parallel_loop3A_445 = tpu.vector_load %arg4[%parallel_loop3A_441, %parallel_loop3A_442, %parallel_loop3A_443, %parallel_loop3A_444] {strides = array<i32>} : memref<4x10x8x256xf32, #tpu.memory_space<vmem>>, vector<1x1x1x16xf32>,
        %parallel_loop3A_446 = vector.shape_cast %parallel_loop3A_445 : vector<1x1x1x16xf32> to vector<16xf32>
        %parallel_loop3A_447 = arith.constant 2 : i32
        %parallel_loop3A_448 = arith.constant 2 : i32
        %parallel_loop3A_449 = arith.index_cast %parallel_loop3A_447 : i32 to index
        %parallel_loop3A_450 = arith.index_cast %parallel_loop3A_448 : i32 to index
        %parallel_loop3A_451 = arith.index_cast %parallel_loop3A_426 : i32 to index
        %parallel_loop3A_452 = arith.index_cast %parallel_loop3A_430 : i32 to index
        %parallel_loop3A_453 = tpu.vector_load %arg4[%parallel_loop3A_449, %parallel_loop3A_450, %parallel_loop3A_451, %parallel_loop3A_452] {strides = array<i32>} : memref<4x10x8x256xf32, #tpu.memory_space<vmem>>, vector<1x1x1x16xf32>,
        %parallel_loop3A_454 = vector.shape_cast %parallel_loop3A_453 : vector<1x1x1x16xf32> to vector<16xf32>
        %parallel_loop3A_455 = arith.constant 2 : i32
        %parallel_loop3A_456 = arith.constant 3 : i32
        %parallel_loop3A_457 = arith.index_cast %parallel_loop3A_455 : i32 to index
        %parallel_loop3A_458 = arith.index_cast %parallel_loop3A_456 : i32 to index
        %parallel_loop3A_459 = arith.index_cast %parallel_loop3A_426 : i32 to index
        %parallel_loop3A_460 = arith.index_cast %parallel_loop3A_430 : i32 to index
        %parallel_loop3A_461 = tpu.vector_load %arg4[%parallel_loop3A_457, %parallel_loop3A_458, %parallel_loop3A_459, %parallel_loop3A_460] {strides = array<i32>} : memref<4x10x8x256xf32, #tpu.memory_space<vmem>>, vector<1x1x1x16xf32>,
        %parallel_loop3A_462 = vector.shape_cast %parallel_loop3A_461 : vector<1x1x1x16xf32> to vector<16xf32>
        %parallel_loop3A_463 = arith.constant 2 : i32
        %parallel_loop3A_464 = arith.constant 4 : i32
        %parallel_loop3A_465 = arith.index_cast %parallel_loop3A_463 : i32 to index
        %parallel_loop3A_466 = arith.index_cast %parallel_loop3A_464 : i32 to index
        %parallel_loop3A_467 = arith.index_cast %parallel_loop3A_426 : i32 to index
        %parallel_loop3A_468 = arith.index_cast %parallel_loop3A_430 : i32 to index
        %parallel_loop3A_469 = tpu.vector_load %arg4[%parallel_loop3A_465, %parallel_loop3A_466, %parallel_loop3A_467, %parallel_loop3A_468] {strides = array<i32>} : memref<4x10x8x256xf32, #tpu.memory_space<vmem>>, vector<1x1x1x16xf32>,
        %parallel_loop3A_470 = vector.shape_cast %parallel_loop3A_469 : vector<1x1x1x16xf32> to vector<16xf32>
        %parallel_loop3A_471 = arith.constant 2 : i32
        %parallel_loop3A_472 = arith.constant 5 : i32
        %parallel_loop3A_473 = arith.index_cast %parallel_loop3A_471 : i32 to index
        %parallel_loop3A_474 = arith.index_cast %parallel_loop3A_472 : i32 to index
        %parallel_loop3A_475 = arith.index_cast %parallel_loop3A_426 : i32 to index
        %parallel_loop3A_476 = arith.index_cast %parallel_loop3A_430 : i32 to index
        %parallel_loop3A_477 = tpu.vector_load %arg4[%parallel_loop3A_473, %parallel_loop3A_474, %parallel_loop3A_475, %parallel_loop3A_476] {strides = array<i32>} : memref<4x10x8x256xf32, #tpu.memory_space<vmem>>, vector<1x1x1x16xf32>,
        %parallel_loop3A_478 = vector.shape_cast %parallel_loop3A_477 : vector<1x1x1x16xf32> to vector<16xf32>
        %parallel_loop3A_479 = arith.constant 2 : i32
        %parallel_loop3A_480 = arith.constant 6 : i32
        %parallel_loop3A_481 = arith.index_cast %parallel_loop3A_479 : i32 to index
        %parallel_loop3A_482 = arith.index_cast %parallel_loop3A_480 : i32 to index
        %parallel_loop3A_483 = arith.index_cast %parallel_loop3A_426 : i32 to index
        %parallel_loop3A_484 = arith.index_cast %parallel_loop3A_430 : i32 to index
        %parallel_loop3A_485 = tpu.vector_load %arg4[%parallel_loop3A_481, %parallel_loop3A_482, %parallel_loop3A_483, %parallel_loop3A_484] {strides = array<i32>} : memref<4x10x8x256xf32, #tpu.memory_space<vmem>>, vector<1x1x1x16xf32>,
        %parallel_loop3A_486 = vector.shape_cast %parallel_loop3A_485 : vector<1x1x1x16xf32> to vector<16xf32>
        %parallel_loop3A_487 = arith.constant 2 : i32
        %parallel_loop3A_488 = arith.constant 7 : i32
        %parallel_loop3A_489 = arith.index_cast %parallel_loop3A_487 : i32 to index
        %parallel_loop3A_490 = arith.index_cast %parallel_loop3A_488 : i32 to index
        %parallel_loop3A_491 = arith.index_cast %parallel_loop3A_426 : i32 to index
        %parallel_loop3A_492 = arith.index_cast %parallel_loop3A_430 : i32 to index
        %parallel_loop3A_493 = tpu.vector_load %arg4[%parallel_loop3A_489, %parallel_loop3A_490, %parallel_loop3A_491, %parallel_loop3A_492] {strides = array<i32>} : memref<4x10x8x256xf32, #tpu.memory_space<vmem>>, vector<1x1x1x16xf32>,
        %parallel_loop3A_494 = vector.shape_cast %parallel_loop3A_493 : vector<1x1x1x16xf32> to vector<16xf32>
        %parallel_loop3A_495 = arith.maximumf %parallel_loop3A_438, %parallel_loop3A_446 : vector<16xf32>
        %parallel_loop3A_496 = arith.maximumf %parallel_loop3A_454, %parallel_loop3A_462 : vector<16xf32>
        %parallel_loop3A_497 = arith.maximumf %parallel_loop3A_470, %parallel_loop3A_478 : vector<16xf32>
        %parallel_loop3A_498 = arith.maximumf %parallel_loop3A_486, %parallel_loop3A_494 : vector<16xf32>
        %parallel_loop3A_499 = arith.maximumf %parallel_loop3A_495, %parallel_loop3A_496 : vector<16xf32>
        %parallel_loop3A_500 = arith.maximumf %parallel_loop3A_497, %parallel_loop3A_498 : vector<16xf32>
        %parallel_loop3A_501 = arith.maximumf %parallel_loop3A_499, %parallel_loop3A_500 : vector<16xf32>
        %parallel_loop3A_502 = arith.constant 2 : i32
        %parallel_loop3A_503 = arith.constant 8 : i32
        %parallel_loop3A_504 = arith.index_cast %parallel_loop3A_502 : i32 to index
        %parallel_loop3A_505 = arith.index_cast %parallel_loop3A_503 : i32 to index
        %parallel_loop3A_506 = arith.index_cast %parallel_loop3A_426 : i32 to index
        %parallel_loop3A_507 = arith.index_cast %parallel_loop3A_430 : i32 to index
        %parallel_loop3A_508 = tpu.vector_load %arg4[%parallel_loop3A_504, %parallel_loop3A_505, %parallel_loop3A_506, %parallel_loop3A_507] {strides = array<i32>} : memref<4x10x8x256xf32, #tpu.memory_space<vmem>>, vector<1x1x1x16xf32>,
        %parallel_loop3A_509 = vector.shape_cast %parallel_loop3A_508 : vector<1x1x1x16xf32> to vector<16xf32>
        %parallel_loop3A_510 = arith.constant 2 : i32
        %parallel_loop3A_511 = arith.constant 9 : i32
        %parallel_loop3A_512 = arith.index_cast %parallel_loop3A_510 : i32 to index
        %parallel_loop3A_513 = arith.index_cast %parallel_loop3A_511 : i32 to index
        %parallel_loop3A_514 = arith.index_cast %parallel_loop3A_426 : i32 to index
        %parallel_loop3A_515 = arith.index_cast %parallel_loop3A_430 : i32 to index
        %parallel_loop3A_516 = tpu.vector_load %arg4[%parallel_loop3A_512, %parallel_loop3A_513, %parallel_loop3A_514, %parallel_loop3A_515] {strides = array<i32>} : memref<4x10x8x256xf32, #tpu.memory_space<vmem>>, vector<1x1x1x16xf32>,
        %parallel_loop3A_517 = vector.shape_cast %parallel_loop3A_516 : vector<1x1x1x16xf32> to vector<16xf32>
        %parallel_loop3A_518 = arith.mulf %parallel_loop3A_509, %parallel_loop3A_509 : vector<16xf32>
        %parallel_loop3A_519 = arith.mulf %parallel_loop3A_517, %parallel_loop3A_517 : vector<16xf32>
        %parallel_loop3A_520 = arith.addf %parallel_loop3A_518, %parallel_loop3A_519 : vector<16xf32>
        %parallel_loop3A_521 = tpu.bitcast %parallel_loop3A_520 : vector<16xf32> -> vector<16xi32>
        %parallel_loop3A_522 = arith.constant 1 : i32
        %parallel_loop3A_523 = vector.broadcast %parallel_loop3A_522 : i32 to vector<16xi32>
        %parallel_loop3A_524 = arith.shrsi %parallel_loop3A_521, %parallel_loop3A_523 : vector<16xi32>
        %parallel_loop3A_525 = arith.constant 1597463007 : i32
        %parallel_loop3A_526 = vector.broadcast %parallel_loop3A_525 : i32 to vector<16xi32>
        %parallel_loop3A_527 = arith.subi %parallel_loop3A_526, %parallel_loop3A_524 : vector<16xi32>
        %parallel_loop3A_528 = tpu.bitcast %parallel_loop3A_527 : vector<16xi32> -> vector<16xf32>
        %parallel_loop3A_529 = arith.constant 5.000000e-01 : f32
        %parallel_loop3A_530 = vector.broadcast %parallel_loop3A_529 : f32 to vector<16xf32>
        %parallel_loop3A_531 = arith.mulf %parallel_loop3A_530, %parallel_loop3A_520 : vector<16xf32>
        %parallel_loop3A_532 = arith.mulf %parallel_loop3A_531, %parallel_loop3A_528 : vector<16xf32>
        %parallel_loop3A_533 = arith.mulf %parallel_loop3A_532, %parallel_loop3A_528 : vector<16xf32>
        %parallel_loop3A_534 = arith.constant 1.500000e+00 : f32
        %parallel_loop3A_535 = vector.broadcast %parallel_loop3A_534 : f32 to vector<16xf32>
        %parallel_loop3A_536 = arith.subf %parallel_loop3A_535, %parallel_loop3A_533 : vector<16xf32>
        %parallel_loop3A_537 = arith.mulf %parallel_loop3A_528, %parallel_loop3A_536 : vector<16xf32>
        %parallel_loop3A_538 = arith.mulf %parallel_loop3A_520, %parallel_loop3A_537 : vector<16xf32>
        %parallel_loop3A_539 = arith.cmpf oeq, %parallel_loop3A_438, %parallel_loop3A_501 : vector<16xf32>
        %parallel_loop3A_540 = arith.constant 0.000000e+00 : f32
        %parallel_loop3A_541 = vector.broadcast %parallel_loop3A_540 : f32 to vector<16xf32>
        %parallel_loop3A_542 = arith.select %parallel_loop3A_539, %parallel_loop3A_538, %parallel_loop3A_541 : vector<16xi1>, vector<16xf32>
        %parallel_loop3A_543 = arith.constant 0 : i32
        %parallel_loop3A_544 = arith.constant 0 : i32
        %parallel_loop3A_545 = arith.index_cast %parallel_loop3A_543 : i32 to index
        %parallel_loop3A_546 = arith.index_cast %parallel_loop3A_544 : i32 to index
        %parallel_loop3A_547 = arith.index_cast %parallel_loop3A_426 : i32 to index
        %parallel_loop3A_548 = arith.index_cast %parallel_loop3A_430 : i32 to index
        %parallel_loop3A_549 = tpu.vector_load %arg5[%parallel_loop3A_545, %parallel_loop3A_546, %parallel_loop3A_547, %parallel_loop3A_548] {strides = array<i32>} : memref<2x8x8x256xf32, #tpu.memory_space<vmem>>, vector<1x1x1x16xf32>,
        %parallel_loop3A_550 = vector.shape_cast %parallel_loop3A_549 : vector<1x1x1x16xf32> to vector<16xf32>
        %parallel_loop3A_551 = vector.shape_cast %parallel_loop3A_542 : vector<16xf32> to vector<1x1x1x16xf32>
        tpu.vector_store %arg5[%parallel_loop3A_545, %parallel_loop3A_546, %parallel_loop3A_547, %parallel_loop3A_548], %parallel_loop3A_551 {strides = array<i32>} : memref<2x8x8x256xf32, #tpu.memory_space<vmem>>, vector<1x1x1x16xf32>,
        %parallel_loop3A_552 = arith.cmpf oeq, %parallel_loop3A_446, %parallel_loop3A_501 : vector<16xf32>
        %parallel_loop3A_553 = arith.constant 0.000000e+00 : f32
        %parallel_loop3A_554 = vector.broadcast %parallel_loop3A_553 : f32 to vector<16xf32>
        %parallel_loop3A_555 = arith.select %parallel_loop3A_552, %parallel_loop3A_538, %parallel_loop3A_554 : vector<16xi1>, vector<16xf32>
        %parallel_loop3A_556 = arith.constant 0 : i32
        %parallel_loop3A_557 = arith.constant 1 : i32
        %parallel_loop3A_558 = arith.index_cast %parallel_loop3A_556 : i32 to index
        %parallel_loop3A_559 = arith.index_cast %parallel_loop3A_557 : i32 to index
        %parallel_loop3A_560 = arith.index_cast %parallel_loop3A_426 : i32 to index
        %parallel_loop3A_561 = arith.index_cast %parallel_loop3A_430 : i32 to index
        %parallel_loop3A_562 = tpu.vector_load %arg5[%parallel_loop3A_558, %parallel_loop3A_559, %parallel_loop3A_560, %parallel_loop3A_561] {strides = array<i32>} : memref<2x8x8x256xf32, #tpu.memory_space<vmem>>, vector<1x1x1x16xf32>,
        %parallel_loop3A_563 = vector.shape_cast %parallel_loop3A_562 : vector<1x1x1x16xf32> to vector<16xf32>
        %parallel_loop3A_564 = vector.shape_cast %parallel_loop3A_555 : vector<16xf32> to vector<1x1x1x16xf32>
        tpu.vector_store %arg5[%parallel_loop3A_558, %parallel_loop3A_559, %parallel_loop3A_560, %parallel_loop3A_561], %parallel_loop3A_564 {strides = array<i32>} : memref<2x8x8x256xf32, #tpu.memory_space<vmem>>, vector<1x1x1x16xf32>,
        %parallel_loop3A_565 = arith.cmpf oeq, %parallel_loop3A_454, %parallel_loop3A_501 : vector<16xf32>
        %parallel_loop3A_566 = arith.constant 0.000000e+00 : f32
        %parallel_loop3A_567 = vector.broadcast %parallel_loop3A_566 : f32 to vector<16xf32>
        %parallel_loop3A_568 = arith.select %parallel_loop3A_565, %parallel_loop3A_538, %parallel_loop3A_567 : vector<16xi1>, vector<16xf32>
        %parallel_loop3A_569 = arith.constant 0 : i32
        %parallel_loop3A_570 = arith.constant 2 : i32
        %parallel_loop3A_571 = arith.index_cast %parallel_loop3A_569 : i32 to index
        %parallel_loop3A_572 = arith.index_cast %parallel_loop3A_570 : i32 to index
        %parallel_loop3A_573 = arith.index_cast %parallel_loop3A_426 : i32 to index
        %parallel_loop3A_574 = arith.index_cast %parallel_loop3A_430 : i32 to index
        %parallel_loop3A_575 = tpu.vector_load %arg5[%parallel_loop3A_571, %parallel_loop3A_572, %parallel_loop3A_573, %parallel_loop3A_574] {strides = array<i32>} : memref<2x8x8x256xf32, #tpu.memory_space<vmem>>, vector<1x1x1x16xf32>,
        %parallel_loop3A_576 = vector.shape_cast %parallel_loop3A_575 : vector<1x1x1x16xf32> to vector<16xf32>
        %parallel_loop3A_577 = vector.shape_cast %parallel_loop3A_568 : vector<16xf32> to vector<1x1x1x16xf32>
        tpu.vector_store %arg5[%parallel_loop3A_571, %parallel_loop3A_572, %parallel_loop3A_573, %parallel_loop3A_574], %parallel_loop3A_577 {strides = array<i32>} : memref<2x8x8x256xf32, #tpu.memory_space<vmem>>, vector<1x1x1x16xf32>,
        %parallel_loop3A_578 = arith.cmpf oeq, %parallel_loop3A_462, %parallel_loop3A_501 : vector<16xf32>
        %parallel_loop3A_579 = arith.constant 0.000000e+00 : f32
        %parallel_loop3A_580 = vector.broadcast %parallel_loop3A_579 : f32 to vector<16xf32>
        %parallel_loop3A_581 = arith.select %parallel_loop3A_578, %parallel_loop3A_538, %parallel_loop3A_580 : vector<16xi1>, vector<16xf32>
        %parallel_loop3A_582 = arith.constant 0 : i32
        %parallel_loop3A_583 = arith.constant 3 : i32
        %parallel_loop3A_584 = arith.index_cast %parallel_loop3A_582 : i32 to index
        %parallel_loop3A_585 = arith.index_cast %parallel_loop3A_583 : i32 to index
        %parallel_loop3A_586 = arith.index_cast %parallel_loop3A_426 : i32 to index
        %parallel_loop3A_587 = arith.index_cast %parallel_loop3A_430 : i32 to index
        %parallel_loop3A_588 = tpu.vector_load %arg5[%parallel_loop3A_584, %parallel_loop3A_585, %parallel_loop3A_586, %parallel_loop3A_587] {strides = array<i32>} : memref<2x8x8x256xf32, #tpu.memory_space<vmem>>, vector<1x1x1x16xf32>,
        %parallel_loop3A_589 = vector.shape_cast %parallel_loop3A_588 : vector<1x1x1x16xf32> to vector<16xf32>
        %parallel_loop3A_590 = vector.shape_cast %parallel_loop3A_581 : vector<16xf32> to vector<1x1x1x16xf32>
        tpu.vector_store %arg5[%parallel_loop3A_584, %parallel_loop3A_585, %parallel_loop3A_586, %parallel_loop3A_587], %parallel_loop3A_590 {strides = array<i32>} : memref<2x8x8x256xf32, #tpu.memory_space<vmem>>, vector<1x1x1x16xf32>,
        %parallel_loop3A_591 = arith.cmpf oeq, %parallel_loop3A_470, %parallel_loop3A_501 : vector<16xf32>
        %parallel_loop3A_592 = arith.constant 0.000000e+00 : f32
        %parallel_loop3A_593 = vector.broadcast %parallel_loop3A_592 : f32 to vector<16xf32>
        %parallel_loop3A_594 = arith.select %parallel_loop3A_591, %parallel_loop3A_538, %parallel_loop3A_593 : vector<16xi1>, vector<16xf32>
        %parallel_loop3A_595 = arith.constant 0 : i32
        %parallel_loop3A_596 = arith.constant 4 : i32
        %parallel_loop3A_597 = arith.index_cast %parallel_loop3A_595 : i32 to index
        %parallel_loop3A_598 = arith.index_cast %parallel_loop3A_596 : i32 to index
        %parallel_loop3A_599 = arith.index_cast %parallel_loop3A_426 : i32 to index
        %parallel_loop3A_600 = arith.index_cast %parallel_loop3A_430 : i32 to index
        %parallel_loop3A_601 = tpu.vector_load %arg5[%parallel_loop3A_597, %parallel_loop3A_598, %parallel_loop3A_599, %parallel_loop3A_600] {strides = array<i32>} : memref<2x8x8x256xf32, #tpu.memory_space<vmem>>, vector<1x1x1x16xf32>,
        %parallel_loop3A_602 = vector.shape_cast %parallel_loop3A_601 : vector<1x1x1x16xf32> to vector<16xf32>
        %parallel_loop3A_603 = vector.shape_cast %parallel_loop3A_594 : vector<16xf32> to vector<1x1x1x16xf32>
        tpu.vector_store %arg5[%parallel_loop3A_597, %parallel_loop3A_598, %parallel_loop3A_599, %parallel_loop3A_600], %parallel_loop3A_603 {strides = array<i32>} : memref<2x8x8x256xf32, #tpu.memory_space<vmem>>, vector<1x1x1x16xf32>,
        %parallel_loop3A_604 = arith.cmpf oeq, %parallel_loop3A_478, %parallel_loop3A_501 : vector<16xf32>
        %parallel_loop3A_605 = arith.constant 0.000000e+00 : f32
        %parallel_loop3A_606 = vector.broadcast %parallel_loop3A_605 : f32 to vector<16xf32>
        %parallel_loop3A_607 = arith.select %parallel_loop3A_604, %parallel_loop3A_538, %parallel_loop3A_606 : vector<16xi1>, vector<16xf32>
        %parallel_loop3A_608 = arith.constant 0 : i32
        %parallel_loop3A_609 = arith.constant 5 : i32
        %parallel_loop3A_610 = arith.index_cast %parallel_loop3A_608 : i32 to index
        %parallel_loop3A_611 = arith.index_cast %parallel_loop3A_609 : i32 to index
        %parallel_loop3A_612 = arith.index_cast %parallel_loop3A_426 : i32 to index
        %parallel_loop3A_613 = arith.index_cast %parallel_loop3A_430 : i32 to index
        %parallel_loop3A_614 = tpu.vector_load %arg5[%parallel_loop3A_610, %parallel_loop3A_611, %parallel_loop3A_612, %parallel_loop3A_613] {strides = array<i32>} : memref<2x8x8x256xf32, #tpu.memory_space<vmem>>, vector<1x1x1x16xf32>,
        %parallel_loop3A_615 = vector.shape_cast %parallel_loop3A_614 : vector<1x1x1x16xf32> to vector<16xf32>
        %parallel_loop3A_616 = vector.shape_cast %parallel_loop3A_607 : vector<16xf32> to vector<1x1x1x16xf32>
        tpu.vector_store %arg5[%parallel_loop3A_610, %parallel_loop3A_611, %parallel_loop3A_612, %parallel_loop3A_613], %parallel_loop3A_616 {strides = array<i32>} : memref<2x8x8x256xf32, #tpu.memory_space<vmem>>, vector<1x1x1x16xf32>,
        %parallel_loop3A_617 = arith.cmpf oeq, %parallel_loop3A_486, %parallel_loop3A_501 : vector<16xf32>
        %parallel_loop3A_618 = arith.constant 0.000000e+00 : f32
        %parallel_loop3A_619 = vector.broadcast %parallel_loop3A_618 : f32 to vector<16xf32>
        %parallel_loop3A_620 = arith.select %parallel_loop3A_617, %parallel_loop3A_538, %parallel_loop3A_619 : vector<16xi1>, vector<16xf32>
        %parallel_loop3A_621 = arith.constant 0 : i32
        %parallel_loop3A_622 = arith.constant 6 : i32
        %parallel_loop3A_623 = arith.index_cast %parallel_loop3A_621 : i32 to index
        %parallel_loop3A_624 = arith.index_cast %parallel_loop3A_622 : i32 to index
        %parallel_loop3A_625 = arith.index_cast %parallel_loop3A_426 : i32 to index
        %parallel_loop3A_626 = arith.index_cast %parallel_loop3A_430 : i32 to index
        %parallel_loop3A_627 = tpu.vector_load %arg5[%parallel_loop3A_623, %parallel_loop3A_624, %parallel_loop3A_625, %parallel_loop3A_626] {strides = array<i32>} : memref<2x8x8x256xf32, #tpu.memory_space<vmem>>, vector<1x1x1x16xf32>,
        %parallel_loop3A_628 = vector.shape_cast %parallel_loop3A_627 : vector<1x1x1x16xf32> to vector<16xf32>
        %parallel_loop3A_629 = vector.shape_cast %parallel_loop3A_620 : vector<16xf32> to vector<1x1x1x16xf32>
        tpu.vector_store %arg5[%parallel_loop3A_623, %parallel_loop3A_624, %parallel_loop3A_625, %parallel_loop3A_626], %parallel_loop3A_629 {strides = array<i32>} : memref<2x8x8x256xf32, #tpu.memory_space<vmem>>, vector<1x1x1x16xf32>,
        %parallel_loop3A_630 = arith.cmpf oeq, %parallel_loop3A_494, %parallel_loop3A_501 : vector<16xf32>
        %parallel_loop3A_631 = arith.constant 0.000000e+00 : f32
        %parallel_loop3A_632 = vector.broadcast %parallel_loop3A_631 : f32 to vector<16xf32>
        %parallel_loop3A_633 = arith.select %parallel_loop3A_630, %parallel_loop3A_538, %parallel_loop3A_632 : vector<16xi1>, vector<16xf32>
        %parallel_loop3A_634 = arith.constant 0 : i32
        %parallel_loop3A_635 = arith.constant 7 : i32
        %parallel_loop3A_636 = arith.index_cast %parallel_loop3A_634 : i32 to index
        %parallel_loop3A_637 = arith.index_cast %parallel_loop3A_635 : i32 to index
        %parallel_loop3A_638 = arith.index_cast %parallel_loop3A_426 : i32 to index
        %parallel_loop3A_639 = arith.index_cast %parallel_loop3A_430 : i32 to index
        %parallel_loop3A_640 = tpu.vector_load %arg5[%parallel_loop3A_636, %parallel_loop3A_637, %parallel_loop3A_638, %parallel_loop3A_639] {strides = array<i32>} : memref<2x8x8x256xf32, #tpu.memory_space<vmem>>, vector<1x1x1x16xf32>,
        %parallel_loop3A_641 = vector.shape_cast %parallel_loop3A_640 : vector<1x1x1x16xf32> to vector<16xf32>
        %parallel_loop3A_642 = vector.shape_cast %parallel_loop3A_633 : vector<16xf32> to vector<1x1x1x16xf32>
        tpu.vector_store %arg5[%parallel_loop3A_636, %parallel_loop3A_637, %parallel_loop3A_638, %parallel_loop3A_639], %parallel_loop3A_642 {strides = array<i32>} : memref<2x8x8x256xf32, #tpu.memory_space<vmem>>, vector<1x1x1x16xf32>,
      } {sc.loop_unroll_factor = 4 : i64, sc.parallel_access}
      %shift_right_arithmetic3A_317 = arith.constant 3 : i32
      %shift_right_arithmetic3A_318 = arith.shrsi %add3A_281, %shift_right_arithmetic3A_317 : i32
      %mul3A_319 = arith.constant 8 : i32
      %mul3A_320 = arith.muli %shift_right_arithmetic3A_318, %mul3A_319 : i32
      %add3A_321 = arith.addi %mul3A_2, %mul3A_320 : i32
      %and3A_322 = arith.constant 7 : i32
      %and3A_323 = arith.andi %add3A_281, %and3A_322 : i32
      %mul3A_324 = arith.constant 256 : i32
      %mul3A_325 = arith.muli %and3A_323, %mul3A_324 : i32
      %dma_start3A_326 = arith.constant 0 : i32
      %dma_start3A_327 = arith.constant 0 : i32
      %dma_start3A_328 = arith.constant 0 : i32
      %dma_start3A_329 = arith.constant 0 : i32
      %dma_start3A_330 = arith.constant 0 : i32
      %dma_start3A_331 = tpu.memref_slice %arg5[%dma_start3A_326, %dma_start3A_328, %dma_start3A_329, %dma_start3A_330] : memref<2x8x8x256xf32, #tpu.memory_space<vmem>> -> memref<1x8x8x256xf32, #tpu.memory_space<vmem>>
      %dma_start3A_332 = tpu.memref_squeeze %dma_start3A_331 : memref<1x8x8x256xf32, #tpu.memory_space<vmem>> -> memref<8x8x256xf32, #tpu.memory_space<vmem>>
      %dma_start3A_333 = arith.constant 0 : i32
      %dma_start3A_334 = tpu.memref_slice %arg3[%dma_start3A_327, %dma_start3A_333, %add3A_321, %mul3A_325] : memref<1x8x2048x2048xf32, #tpu.memory_space<hbm>> -> memref<1x8x8x256xf32, #tpu.memory_space<hbm>>
      %dma_start3A_335 = tpu.memref_squeeze %dma_start3A_334 : memref<1x8x8x256xf32, #tpu.memory_space<hbm>> -> memref<8x8x256xf32, #tpu.memory_space<hbm>>
      %dma_start3A_336 = arith.constant 0 : i32
      %dma_start3A_337 = tpu.memref_slice %arg3[%dma_start3A_327, %dma_start3A_336, %add3A_321, %mul3A_325] : memref<1x8x2048x2048xf32, #tpu.memory_space<hbm>> -> memref<1x8x8x256xf32, #tpu.memory_space<hbm>>
      %dma_start3A_338 = tpu.memref_squeeze %dma_start3A_337 : memref<1x8x8x256xf32, #tpu.memory_space<hbm>> -> memref<8x8x256xf32, #tpu.memory_space<hbm>>
      %dma_start3A_339 = arith.constant 0 : i32
      %dma_start3A_340 = arith.constant 0 : i32
      %dma_start3A_341 = arith.constant 0 : i32
      %dma_start3A_342 = tpu.memref_slice %arg5[%dma_start3A_326, %dma_start3A_339, %dma_start3A_340, %dma_start3A_341] : memref<2x8x8x256xf32, #tpu.memory_space<vmem>> -> memref<1x8x8x256xf32, #tpu.memory_space<vmem>>
      %dma_start3A_343 = tpu.memref_squeeze %dma_start3A_342 : memref<1x8x8x256xf32, #tpu.memory_space<vmem>> -> memref<8x8x256xf32, #tpu.memory_space<vmem>>
      tpu.enqueue_dma source(%dma_start3A_343 : memref<8x8x256xf32, #tpu.memory_space<vmem>>) target(%dma_start3A_338 : memref<8x8x256xf32, #tpu.memory_space<hbm>>) target_semaphore(%arg10 : memref<!tpu.dma_semaphore, #tpu.memory_space<semaphore_mem>>)
      %add3A_344 = arith.constant 4 : i32
      %add3A_345 = arith.addi %add3A_281, %add3A_344 : i32
      %lt3A_346 = arith.constant 64 : i32
      %lt3A_347 = arith.cmpi slt, %add3A_345, %lt3A_346 : i32
      %convert_element_type3A_348 = arith.extui %lt3A_347 : i1 to i32
      %cond3A_349 = arith.constant 0 : i32
      %cond3A_350 = arith.cmpi ne, %convert_element_type3A_348, %cond3A_349 : i32
      scf.if %cond3A_350 {
        %add3A_424 = arith.constant 4 : i32
        %add3A_425 = arith.addi %add3A_281, %add3A_424 : i32
        %shift_right_arithmetic3A_426 = arith.constant 3 : i32
        %shift_right_arithmetic3A_427 = arith.shrsi %add3A_425, %shift_right_arithmetic3A_426 : i32
        %mul3A_428 = arith.constant 8 : i32
        %mul3A_429 = arith.muli %shift_right_arithmetic3A_427, %mul3A_428 : i32
        %add3A_430 = arith.addi %mul3A_2, %mul3A_429 : i32
        %and3A_431 = arith.constant 7 : i32
        %and3A_432 = arith.andi %add3A_425, %and3A_431 : i32
        %mul3A_433 = arith.constant 256 : i32
        %mul3A_434 = arith.muli %and3A_432, %mul3A_433 : i32
        %dma_start3A_435 = arith.constant 0 : i32
        %dma_start3A_436 = arith.constant 2 : i32
        %dma_start3A_437 = arith.constant 0 : i32
        %dma_start3A_438 = arith.constant 0 : i32
        %dma_start3A_439 = arith.constant 0 : i32
        %dma_start3A_440 = tpu.memref_slice %arg4[%dma_start3A_436, %dma_start3A_437, %dma_start3A_438, %dma_start3A_439] : memref<4x10x8x256xf32, #tpu.memory_space<vmem>> -> memref<1x10x8x256xf32, #tpu.memory_space<vmem>>
        %dma_start3A_441 = tpu.memref_squeeze %dma_start3A_440 : memref<1x10x8x256xf32, #tpu.memory_space<vmem>> -> memref<10x8x256xf32, #tpu.memory_space<vmem>>
        %dma_start3A_442 = arith.constant 0 : i32
        %dma_start3A_443 = tpu.memref_slice %arg2[%dma_start3A_435, %dma_start3A_442, %add3A_430, %mul3A_434] : memref<1x10x2048x2048xf32, #tpu.memory_space<hbm>> -> memref<1x10x8x256xf32, #tpu.memory_space<hbm>>
        %dma_start3A_444 = tpu.memref_squeeze %dma_start3A_443 : memref<1x10x8x256xf32, #tpu.memory_space<hbm>> -> memref<10x8x256xf32, #tpu.memory_space<hbm>>
        %dma_start3A_445 = arith.constant 0 : i32
        %dma_start3A_446 = arith.constant 0 : i32
        %dma_start3A_447 = arith.constant 0 : i32
        %dma_start3A_448 = tpu.memref_slice %arg4[%dma_start3A_436, %dma_start3A_445, %dma_start3A_446, %dma_start3A_447] : memref<4x10x8x256xf32, #tpu.memory_space<vmem>> -> memref<1x10x8x256xf32, #tpu.memory_space<vmem>>
        %dma_start3A_449 = tpu.memref_squeeze %dma_start3A_448 : memref<1x10x8x256xf32, #tpu.memory_space<vmem>> -> memref<10x8x256xf32, #tpu.memory_space<vmem>>
        %dma_start3A_450 = arith.constant 0 : i32
        %dma_start3A_451 = tpu.memref_slice %arg2[%dma_start3A_435, %dma_start3A_450, %add3A_430, %mul3A_434] : memref<1x10x2048x2048xf32, #tpu.memory_space<hbm>> -> memref<1x10x8x256xf32, #tpu.memory_space<hbm>>
        %dma_start3A_452 = tpu.memref_squeeze %dma_start3A_451 : memref<1x10x8x256xf32, #tpu.memory_space<hbm>> -> memref<10x8x256xf32, #tpu.memory_space<hbm>>
        tpu.enqueue_dma source(%dma_start3A_452 : memref<10x8x256xf32, #tpu.memory_space<hbm>>) target(%dma_start3A_449 : memref<10x8x256xf32, #tpu.memory_space<vmem>>) target_semaphore(%arg8 : memref<!tpu.dma_semaphore, #tpu.memory_space<semaphore_mem>>)
      } else {
      }
      %mul3A_351 = arith.constant 4 : i32
      %mul3A_352 = arith.muli %scan3A_138, %mul3A_351 : i32
      %add3A_353 = arith.constant 3 : i32
      %add3A_354 = arith.addi %mul3A_352, %add3A_353 : i32
      %shift_right_arithmetic3A_355 = arith.constant 3 : i32
      %shift_right_arithmetic3A_356 = arith.shrsi %add3A_354, %shift_right_arithmetic3A_355 : i32
      %mul3A_357 = arith.constant 8 : i32
      %mul3A_358 = arith.muli %shift_right_arithmetic3A_356, %mul3A_357 : i32
      %add3A_359 = arith.addi %mul3A_2, %mul3A_358 : i32
      %and3A_360 = arith.constant 7 : i32
      %and3A_361 = arith.andi %add3A_354, %and3A_360 : i32
      %mul3A_362 = arith.constant 256 : i32
      %mul3A_363 = arith.muli %and3A_361, %mul3A_362 : i32
      %dma_wait3A_364 = arith.constant 0 : i32
      %dma_wait3A_365 = arith.constant 3 : i32
      %dma_wait3A_366 = arith.constant 0 : i32
      %dma_wait3A_367 = arith.constant 0 : i32
      %dma_wait3A_368 = arith.constant 0 : i32
      %dma_wait3A_369 = tpu.memref_slice %arg4[%dma_wait3A_365, %dma_wait3A_366, %dma_wait3A_367, %dma_wait3A_368] : memref<4x10x8x256xf32, #tpu.memory_space<vmem>> -> memref<1x10x8x256xf32, #tpu.memory_space<vmem>>
      %dma_wait3A_370 = tpu.memref_squeeze %dma_wait3A_369 : memref<1x10x8x256xf32, #tpu.memory_space<vmem>> -> memref<10x8x256xf32, #tpu.memory_space<vmem>>
      %dma_wait3A_371 = arith.constant 0 : i32
      %dma_wait3A_372 = tpu.memref_slice %arg2[%dma_wait3A_364, %dma_wait3A_371, %add3A_359, %mul3A_363] : memref<1x10x2048x2048xf32, #tpu.memory_space<hbm>> -> memref<1x10x8x256xf32, #tpu.memory_space<hbm>>
      %dma_wait3A_373 = tpu.memref_squeeze %dma_wait3A_372 : memref<1x10x8x256xf32, #tpu.memory_space<hbm>> -> memref<10x8x256xf32, #tpu.memory_space<hbm>>
      %dma_wait3A_374 = arith.constant 0 : i32
      %dma_wait3A_375 = arith.constant 0 : i32
      %dma_wait3A_376 = arith.constant 0 : i32
      %dma_wait3A_377 = tpu.memref_slice %arg4[%dma_wait3A_365, %dma_wait3A_374, %dma_wait3A_375, %dma_wait3A_376] : memref<4x10x8x256xf32, #tpu.memory_space<vmem>> -> memref<1x10x8x256xf32, #tpu.memory_space<vmem>>
      %dma_wait3A_378 = tpu.memref_squeeze %dma_wait3A_377 : memref<1x10x8x256xf32, #tpu.memory_space<vmem>> -> memref<10x8x256xf32, #tpu.memory_space<vmem>>
      %dma_wait3A_379 = arith.constant 0 : i32
      %dma_wait3A_380 = tpu.memref_slice %arg2[%dma_wait3A_364, %dma_wait3A_379, %add3A_359, %mul3A_363] : memref<1x10x2048x2048xf32, #tpu.memory_space<hbm>> -> memref<1x10x8x256xf32, #tpu.memory_space<hbm>>
      %dma_wait3A_381 = tpu.memref_squeeze %dma_wait3A_380 : memref<1x10x8x256xf32, #tpu.memory_space<hbm>> -> memref<10x8x256xf32, #tpu.memory_space<hbm>>
      tpu.wait_dma2 semaphore(%arg9 : memref<!tpu.dma_semaphore, #tpu.memory_space<semaphore_mem>>) src(%dma_wait3A_381 : memref<10x8x256xf32, #tpu.memory_space<hbm>>) dst(%dma_wait3A_378 : memref<10x8x256xf32, #tpu.memory_space<vmem>>)
      %ge3A_382 = arith.constant 2 : i32
      %ge3A_383 = arith.cmpi sge, %add3A_354, %ge3A_382 : i32
      %convert_element_type3A_384 = arith.extui %ge3A_383 : i1 to i32
      %cond3A_385 = arith.constant 0 : i32
      %cond3A_386 = arith.cmpi ne, %convert_element_type3A_384, %cond3A_385 : i32
      scf.if %cond3A_386 {
        %sub3A = arith.constant 2 : i32
        %sub3A_424 = arith.subi %add3A_354, %sub3A : i32
        %shift_right_arithmetic3A_425 = arith.constant 3 : i32
        %shift_right_arithmetic3A_426 = arith.shrsi %sub3A_424, %shift_right_arithmetic3A_425 : i32
        %mul3A_427 = arith.constant 8 : i32
        %mul3A_428 = arith.muli %shift_right_arithmetic3A_426, %mul3A_427 : i32
        %add3A_429 = arith.addi %mul3A_2, %mul3A_428 : i32
        %and3A_430 = arith.constant 7 : i32
        %and3A_431 = arith.andi %sub3A_424, %and3A_430 : i32
        %mul3A_432 = arith.constant 256 : i32
        %mul3A_433 = arith.muli %and3A_431, %mul3A_432 : i32
        %dma_wait3A_434 = arith.constant 1 : i32
        %dma_wait3A_435 = arith.constant 0 : i32
        %dma_wait3A_436 = arith.constant 0 : i32
        %dma_wait3A_437 = arith.constant 0 : i32
        %dma_wait3A_438 = arith.constant 0 : i32
        %dma_wait3A_439 = tpu.memref_slice %arg5[%dma_wait3A_434, %dma_wait3A_436, %dma_wait3A_437, %dma_wait3A_438] : memref<2x8x8x256xf32, #tpu.memory_space<vmem>> -> memref<1x8x8x256xf32, #tpu.memory_space<vmem>>
        %dma_wait3A_440 = tpu.memref_squeeze %dma_wait3A_439 : memref<1x8x8x256xf32, #tpu.memory_space<vmem>> -> memref<8x8x256xf32, #tpu.memory_space<vmem>>
        %dma_wait3A_441 = arith.constant 0 : i32
        %dma_wait3A_442 = tpu.memref_slice %arg3[%dma_wait3A_435, %dma_wait3A_441, %add3A_429, %mul3A_433] : memref<1x8x2048x2048xf32, #tpu.memory_space<hbm>> -> memref<1x8x8x256xf32, #tpu.memory_space<hbm>>
        %dma_wait3A_443 = tpu.memref_squeeze %dma_wait3A_442 : memref<1x8x8x256xf32, #tpu.memory_space<hbm>> -> memref<8x8x256xf32, #tpu.memory_space<hbm>>
        %dma_wait3A_444 = arith.constant 0 : i32
        %dma_wait3A_445 = tpu.memref_slice %arg3[%dma_wait3A_435, %dma_wait3A_444, %add3A_429, %mul3A_433] : memref<1x8x2048x2048xf32, #tpu.memory_space<hbm>> -> memref<1x8x8x256xf32, #tpu.memory_space<hbm>>
        %dma_wait3A_446 = tpu.memref_squeeze %dma_wait3A_445 : memref<1x8x8x256xf32, #tpu.memory_space<hbm>> -> memref<8x8x256xf32, #tpu.memory_space<hbm>>
        %dma_wait3A_447 = arith.constant 0 : i32
        %dma_wait3A_448 = arith.constant 0 : i32
        %dma_wait3A_449 = arith.constant 0 : i32
        %dma_wait3A_450 = tpu.memref_slice %arg5[%dma_wait3A_434, %dma_wait3A_447, %dma_wait3A_448, %dma_wait3A_449] : memref<2x8x8x256xf32, #tpu.memory_space<vmem>> -> memref<1x8x8x256xf32, #tpu.memory_space<vmem>>
        %dma_wait3A_451 = tpu.memref_squeeze %dma_wait3A_450 : memref<1x8x8x256xf32, #tpu.memory_space<vmem>> -> memref<8x8x256xf32, #tpu.memory_space<vmem>>
        tpu.wait_dma2 semaphore(%arg11 : memref<!tpu.dma_semaphore, #tpu.memory_space<semaphore_mem>>) src(%dma_wait3A_451 : memref<8x8x256xf32, #tpu.memory_space<vmem>>) dst(%dma_wait3A_446 : memref<8x8x256xf32, #tpu.memory_space<hbm>>)
      } else {
      }
      %parallel_loop3A_387 = arith.constant 0 : i32
      %parallel_loop3A_388 = arith.constant 128 : i32
      %parallel_loop3A_389 = arith.constant 1 : i32
      scf.for %parallel_loop3A_424 = %parallel_loop3A_387 to %parallel_loop3A_388 step %parallel_loop3A_389  : i32 {
        %parallel_loop3A_425 = arith.constant 4 : i32
        %parallel_loop3A_426 = arith.shrsi %parallel_loop3A_424, %parallel_loop3A_425 : i32
        %parallel_loop3A_427 = arith.constant 15 : i32
        %parallel_loop3A_428 = arith.andi %parallel_loop3A_424, %parallel_loop3A_427 : i32
        %parallel_loop3A_429 = arith.constant 16 : i32
        %parallel_loop3A_430 = arith.muli %parallel_loop3A_428, %parallel_loop3A_429 : i32
        %parallel_loop3A_431 = arith.constant 3 : i32
        %parallel_loop3A_432 = arith.constant 0 : i32
        %parallel_loop3A_433 = arith.index_cast %parallel_loop3A_431 : i32 to index
        %parallel_loop3A_434 = arith.index_cast %parallel_loop3A_432 : i32 to index
        %parallel_loop3A_435 = arith.index_cast %parallel_loop3A_426 : i32 to index
        %parallel_loop3A_436 = arith.index_cast %parallel_loop3A_430 : i32 to index
        %parallel_loop3A_437 = tpu.vector_load %arg4[%parallel_loop3A_433, %parallel_loop3A_434, %parallel_loop3A_435, %parallel_loop3A_436] {strides = array<i32>} : memref<4x10x8x256xf32, #tpu.memory_space<vmem>>, vector<1x1x1x16xf32>,
        %parallel_loop3A_438 = vector.shape_cast %parallel_loop3A_437 : vector<1x1x1x16xf32> to vector<16xf32>
        %parallel_loop3A_439 = arith.constant 3 : i32
        %parallel_loop3A_440 = arith.constant 1 : i32
        %parallel_loop3A_441 = arith.index_cast %parallel_loop3A_439 : i32 to index
        %parallel_loop3A_442 = arith.index_cast %parallel_loop3A_440 : i32 to index
        %parallel_loop3A_443 = arith.index_cast %parallel_loop3A_426 : i32 to index
        %parallel_loop3A_444 = arith.index_cast %parallel_loop3A_430 : i32 to index
        %parallel_loop3A_445 = tpu.vector_load %arg4[%parallel_loop3A_441, %parallel_loop3A_442, %parallel_loop3A_443, %parallel_loop3A_444] {strides = array<i32>} : memref<4x10x8x256xf32, #tpu.memory_space<vmem>>, vector<1x1x1x16xf32>,
        %parallel_loop3A_446 = vector.shape_cast %parallel_loop3A_445 : vector<1x1x1x16xf32> to vector<16xf32>
        %parallel_loop3A_447 = arith.constant 3 : i32
        %parallel_loop3A_448 = arith.constant 2 : i32
        %parallel_loop3A_449 = arith.index_cast %parallel_loop3A_447 : i32 to index
        %parallel_loop3A_450 = arith.index_cast %parallel_loop3A_448 : i32 to index
        %parallel_loop3A_451 = arith.index_cast %parallel_loop3A_426 : i32 to index
        %parallel_loop3A_452 = arith.index_cast %parallel_loop3A_430 : i32 to index
        %parallel_loop3A_453 = tpu.vector_load %arg4[%parallel_loop3A_449, %parallel_loop3A_450, %parallel_loop3A_451, %parallel_loop3A_452] {strides = array<i32>} : memref<4x10x8x256xf32, #tpu.memory_space<vmem>>, vector<1x1x1x16xf32>,
        %parallel_loop3A_454 = vector.shape_cast %parallel_loop3A_453 : vector<1x1x1x16xf32> to vector<16xf32>
        %parallel_loop3A_455 = arith.constant 3 : i32
        %parallel_loop3A_456 = arith.constant 3 : i32
        %parallel_loop3A_457 = arith.index_cast %parallel_loop3A_455 : i32 to index
        %parallel_loop3A_458 = arith.index_cast %parallel_loop3A_456 : i32 to index
        %parallel_loop3A_459 = arith.index_cast %parallel_loop3A_426 : i32 to index
        %parallel_loop3A_460 = arith.index_cast %parallel_loop3A_430 : i32 to index
        %parallel_loop3A_461 = tpu.vector_load %arg4[%parallel_loop3A_457, %parallel_loop3A_458, %parallel_loop3A_459, %parallel_loop3A_460] {strides = array<i32>} : memref<4x10x8x256xf32, #tpu.memory_space<vmem>>, vector<1x1x1x16xf32>,
        %parallel_loop3A_462 = vector.shape_cast %parallel_loop3A_461 : vector<1x1x1x16xf32> to vector<16xf32>
        %parallel_loop3A_463 = arith.constant 3 : i32
        %parallel_loop3A_464 = arith.constant 4 : i32
        %parallel_loop3A_465 = arith.index_cast %parallel_loop3A_463 : i32 to index
        %parallel_loop3A_466 = arith.index_cast %parallel_loop3A_464 : i32 to index
        %parallel_loop3A_467 = arith.index_cast %parallel_loop3A_426 : i32 to index
        %parallel_loop3A_468 = arith.index_cast %parallel_loop3A_430 : i32 to index
        %parallel_loop3A_469 = tpu.vector_load %arg4[%parallel_loop3A_465, %parallel_loop3A_466, %parallel_loop3A_467, %parallel_loop3A_468] {strides = array<i32>} : memref<4x10x8x256xf32, #tpu.memory_space<vmem>>, vector<1x1x1x16xf32>,
        %parallel_loop3A_470 = vector.shape_cast %parallel_loop3A_469 : vector<1x1x1x16xf32> to vector<16xf32>
        %parallel_loop3A_471 = arith.constant 3 : i32
        %parallel_loop3A_472 = arith.constant 5 : i32
        %parallel_loop3A_473 = arith.index_cast %parallel_loop3A_471 : i32 to index
        %parallel_loop3A_474 = arith.index_cast %parallel_loop3A_472 : i32 to index
        %parallel_loop3A_475 = arith.index_cast %parallel_loop3A_426 : i32 to index
        %parallel_loop3A_476 = arith.index_cast %parallel_loop3A_430 : i32 to index
        %parallel_loop3A_477 = tpu.vector_load %arg4[%parallel_loop3A_473, %parallel_loop3A_474, %parallel_loop3A_475, %parallel_loop3A_476] {strides = array<i32>} : memref<4x10x8x256xf32, #tpu.memory_space<vmem>>, vector<1x1x1x16xf32>,
        %parallel_loop3A_478 = vector.shape_cast %parallel_loop3A_477 : vector<1x1x1x16xf32> to vector<16xf32>
        %parallel_loop3A_479 = arith.constant 3 : i32
        %parallel_loop3A_480 = arith.constant 6 : i32
        %parallel_loop3A_481 = arith.index_cast %parallel_loop3A_479 : i32 to index
        %parallel_loop3A_482 = arith.index_cast %parallel_loop3A_480 : i32 to index
        %parallel_loop3A_483 = arith.index_cast %parallel_loop3A_426 : i32 to index
        %parallel_loop3A_484 = arith.index_cast %parallel_loop3A_430 : i32 to index
        %parallel_loop3A_485 = tpu.vector_load %arg4[%parallel_loop3A_481, %parallel_loop3A_482, %parallel_loop3A_483, %parallel_loop3A_484] {strides = array<i32>} : memref<4x10x8x256xf32, #tpu.memory_space<vmem>>, vector<1x1x1x16xf32>,
        %parallel_loop3A_486 = vector.shape_cast %parallel_loop3A_485 : vector<1x1x1x16xf32> to vector<16xf32>
        %parallel_loop3A_487 = arith.constant 3 : i32
        %parallel_loop3A_488 = arith.constant 7 : i32
        %parallel_loop3A_489 = arith.index_cast %parallel_loop3A_487 : i32 to index
        %parallel_loop3A_490 = arith.index_cast %parallel_loop3A_488 : i32 to index
        %parallel_loop3A_491 = arith.index_cast %parallel_loop3A_426 : i32 to index
        %parallel_loop3A_492 = arith.index_cast %parallel_loop3A_430 : i32 to index
        %parallel_loop3A_493 = tpu.vector_load %arg4[%parallel_loop3A_489, %parallel_loop3A_490, %parallel_loop3A_491, %parallel_loop3A_492] {strides = array<i32>} : memref<4x10x8x256xf32, #tpu.memory_space<vmem>>, vector<1x1x1x16xf32>,
        %parallel_loop3A_494 = vector.shape_cast %parallel_loop3A_493 : vector<1x1x1x16xf32> to vector<16xf32>
        %parallel_loop3A_495 = arith.maximumf %parallel_loop3A_438, %parallel_loop3A_446 : vector<16xf32>
        %parallel_loop3A_496 = arith.maximumf %parallel_loop3A_454, %parallel_loop3A_462 : vector<16xf32>
        %parallel_loop3A_497 = arith.maximumf %parallel_loop3A_470, %parallel_loop3A_478 : vector<16xf32>
        %parallel_loop3A_498 = arith.maximumf %parallel_loop3A_486, %parallel_loop3A_494 : vector<16xf32>
        %parallel_loop3A_499 = arith.maximumf %parallel_loop3A_495, %parallel_loop3A_496 : vector<16xf32>
        %parallel_loop3A_500 = arith.maximumf %parallel_loop3A_497, %parallel_loop3A_498 : vector<16xf32>
        %parallel_loop3A_501 = arith.maximumf %parallel_loop3A_499, %parallel_loop3A_500 : vector<16xf32>
        %parallel_loop3A_502 = arith.constant 3 : i32
        %parallel_loop3A_503 = arith.constant 8 : i32
        %parallel_loop3A_504 = arith.index_cast %parallel_loop3A_502 : i32 to index
        %parallel_loop3A_505 = arith.index_cast %parallel_loop3A_503 : i32 to index
        %parallel_loop3A_506 = arith.index_cast %parallel_loop3A_426 : i32 to index
        %parallel_loop3A_507 = arith.index_cast %parallel_loop3A_430 : i32 to index
        %parallel_loop3A_508 = tpu.vector_load %arg4[%parallel_loop3A_504, %parallel_loop3A_505, %parallel_loop3A_506, %parallel_loop3A_507] {strides = array<i32>} : memref<4x10x8x256xf32, #tpu.memory_space<vmem>>, vector<1x1x1x16xf32>,
        %parallel_loop3A_509 = vector.shape_cast %parallel_loop3A_508 : vector<1x1x1x16xf32> to vector<16xf32>
        %parallel_loop3A_510 = arith.constant 3 : i32
        %parallel_loop3A_511 = arith.constant 9 : i32
        %parallel_loop3A_512 = arith.index_cast %parallel_loop3A_510 : i32 to index
        %parallel_loop3A_513 = arith.index_cast %parallel_loop3A_511 : i32 to index
        %parallel_loop3A_514 = arith.index_cast %parallel_loop3A_426 : i32 to index
        %parallel_loop3A_515 = arith.index_cast %parallel_loop3A_430 : i32 to index
        %parallel_loop3A_516 = tpu.vector_load %arg4[%parallel_loop3A_512, %parallel_loop3A_513, %parallel_loop3A_514, %parallel_loop3A_515] {strides = array<i32>} : memref<4x10x8x256xf32, #tpu.memory_space<vmem>>, vector<1x1x1x16xf32>,
        %parallel_loop3A_517 = vector.shape_cast %parallel_loop3A_516 : vector<1x1x1x16xf32> to vector<16xf32>
        %parallel_loop3A_518 = arith.mulf %parallel_loop3A_509, %parallel_loop3A_509 : vector<16xf32>
        %parallel_loop3A_519 = arith.mulf %parallel_loop3A_517, %parallel_loop3A_517 : vector<16xf32>
        %parallel_loop3A_520 = arith.addf %parallel_loop3A_518, %parallel_loop3A_519 : vector<16xf32>
        %parallel_loop3A_521 = tpu.bitcast %parallel_loop3A_520 : vector<16xf32> -> vector<16xi32>
        %parallel_loop3A_522 = arith.constant 1 : i32
        %parallel_loop3A_523 = vector.broadcast %parallel_loop3A_522 : i32 to vector<16xi32>
        %parallel_loop3A_524 = arith.shrsi %parallel_loop3A_521, %parallel_loop3A_523 : vector<16xi32>
        %parallel_loop3A_525 = arith.constant 1597463007 : i32
        %parallel_loop3A_526 = vector.broadcast %parallel_loop3A_525 : i32 to vector<16xi32>
        %parallel_loop3A_527 = arith.subi %parallel_loop3A_526, %parallel_loop3A_524 : vector<16xi32>
        %parallel_loop3A_528 = tpu.bitcast %parallel_loop3A_527 : vector<16xi32> -> vector<16xf32>
        %parallel_loop3A_529 = arith.constant 5.000000e-01 : f32
        %parallel_loop3A_530 = vector.broadcast %parallel_loop3A_529 : f32 to vector<16xf32>
        %parallel_loop3A_531 = arith.mulf %parallel_loop3A_530, %parallel_loop3A_520 : vector<16xf32>
        %parallel_loop3A_532 = arith.mulf %parallel_loop3A_531, %parallel_loop3A_528 : vector<16xf32>
        %parallel_loop3A_533 = arith.mulf %parallel_loop3A_532, %parallel_loop3A_528 : vector<16xf32>
        %parallel_loop3A_534 = arith.constant 1.500000e+00 : f32
        %parallel_loop3A_535 = vector.broadcast %parallel_loop3A_534 : f32 to vector<16xf32>
        %parallel_loop3A_536 = arith.subf %parallel_loop3A_535, %parallel_loop3A_533 : vector<16xf32>
        %parallel_loop3A_537 = arith.mulf %parallel_loop3A_528, %parallel_loop3A_536 : vector<16xf32>
        %parallel_loop3A_538 = arith.mulf %parallel_loop3A_520, %parallel_loop3A_537 : vector<16xf32>
        %parallel_loop3A_539 = arith.cmpf oeq, %parallel_loop3A_438, %parallel_loop3A_501 : vector<16xf32>
        %parallel_loop3A_540 = arith.constant 0.000000e+00 : f32
        %parallel_loop3A_541 = vector.broadcast %parallel_loop3A_540 : f32 to vector<16xf32>
        %parallel_loop3A_542 = arith.select %parallel_loop3A_539, %parallel_loop3A_538, %parallel_loop3A_541 : vector<16xi1>, vector<16xf32>
        %parallel_loop3A_543 = arith.constant 1 : i32
        %parallel_loop3A_544 = arith.constant 0 : i32
        %parallel_loop3A_545 = arith.index_cast %parallel_loop3A_543 : i32 to index
        %parallel_loop3A_546 = arith.index_cast %parallel_loop3A_544 : i32 to index
        %parallel_loop3A_547 = arith.index_cast %parallel_loop3A_426 : i32 to index
        %parallel_loop3A_548 = arith.index_cast %parallel_loop3A_430 : i32 to index
        %parallel_loop3A_549 = tpu.vector_load %arg5[%parallel_loop3A_545, %parallel_loop3A_546, %parallel_loop3A_547, %parallel_loop3A_548] {strides = array<i32>} : memref<2x8x8x256xf32, #tpu.memory_space<vmem>>, vector<1x1x1x16xf32>,
        %parallel_loop3A_550 = vector.shape_cast %parallel_loop3A_549 : vector<1x1x1x16xf32> to vector<16xf32>
        %parallel_loop3A_551 = vector.shape_cast %parallel_loop3A_542 : vector<16xf32> to vector<1x1x1x16xf32>
        tpu.vector_store %arg5[%parallel_loop3A_545, %parallel_loop3A_546, %parallel_loop3A_547, %parallel_loop3A_548], %parallel_loop3A_551 {strides = array<i32>} : memref<2x8x8x256xf32, #tpu.memory_space<vmem>>, vector<1x1x1x16xf32>,
        %parallel_loop3A_552 = arith.cmpf oeq, %parallel_loop3A_446, %parallel_loop3A_501 : vector<16xf32>
        %parallel_loop3A_553 = arith.constant 0.000000e+00 : f32
        %parallel_loop3A_554 = vector.broadcast %parallel_loop3A_553 : f32 to vector<16xf32>
        %parallel_loop3A_555 = arith.select %parallel_loop3A_552, %parallel_loop3A_538, %parallel_loop3A_554 : vector<16xi1>, vector<16xf32>
        %parallel_loop3A_556 = arith.constant 1 : i32
        %parallel_loop3A_557 = arith.constant 1 : i32
        %parallel_loop3A_558 = arith.index_cast %parallel_loop3A_556 : i32 to index
        %parallel_loop3A_559 = arith.index_cast %parallel_loop3A_557 : i32 to index
        %parallel_loop3A_560 = arith.index_cast %parallel_loop3A_426 : i32 to index
        %parallel_loop3A_561 = arith.index_cast %parallel_loop3A_430 : i32 to index
        %parallel_loop3A_562 = tpu.vector_load %arg5[%parallel_loop3A_558, %parallel_loop3A_559, %parallel_loop3A_560, %parallel_loop3A_561] {strides = array<i32>} : memref<2x8x8x256xf32, #tpu.memory_space<vmem>>, vector<1x1x1x16xf32>,
        %parallel_loop3A_563 = vector.shape_cast %parallel_loop3A_562 : vector<1x1x1x16xf32> to vector<16xf32>
        %parallel_loop3A_564 = vector.shape_cast %parallel_loop3A_555 : vector<16xf32> to vector<1x1x1x16xf32>
        tpu.vector_store %arg5[%parallel_loop3A_558, %parallel_loop3A_559, %parallel_loop3A_560, %parallel_loop3A_561], %parallel_loop3A_564 {strides = array<i32>} : memref<2x8x8x256xf32, #tpu.memory_space<vmem>>, vector<1x1x1x16xf32>,
        %parallel_loop3A_565 = arith.cmpf oeq, %parallel_loop3A_454, %parallel_loop3A_501 : vector<16xf32>
        %parallel_loop3A_566 = arith.constant 0.000000e+00 : f32
        %parallel_loop3A_567 = vector.broadcast %parallel_loop3A_566 : f32 to vector<16xf32>
        %parallel_loop3A_568 = arith.select %parallel_loop3A_565, %parallel_loop3A_538, %parallel_loop3A_567 : vector<16xi1>, vector<16xf32>
        %parallel_loop3A_569 = arith.constant 1 : i32
        %parallel_loop3A_570 = arith.constant 2 : i32
        %parallel_loop3A_571 = arith.index_cast %parallel_loop3A_569 : i32 to index
        %parallel_loop3A_572 = arith.index_cast %parallel_loop3A_570 : i32 to index
        %parallel_loop3A_573 = arith.index_cast %parallel_loop3A_426 : i32 to index
        %parallel_loop3A_574 = arith.index_cast %parallel_loop3A_430 : i32 to index
        %parallel_loop3A_575 = tpu.vector_load %arg5[%parallel_loop3A_571, %parallel_loop3A_572, %parallel_loop3A_573, %parallel_loop3A_574] {strides = array<i32>} : memref<2x8x8x256xf32, #tpu.memory_space<vmem>>, vector<1x1x1x16xf32>,
        %parallel_loop3A_576 = vector.shape_cast %parallel_loop3A_575 : vector<1x1x1x16xf32> to vector<16xf32>
        %parallel_loop3A_577 = vector.shape_cast %parallel_loop3A_568 : vector<16xf32> to vector<1x1x1x16xf32>
        tpu.vector_store %arg5[%parallel_loop3A_571, %parallel_loop3A_572, %parallel_loop3A_573, %parallel_loop3A_574], %parallel_loop3A_577 {strides = array<i32>} : memref<2x8x8x256xf32, #tpu.memory_space<vmem>>, vector<1x1x1x16xf32>,
        %parallel_loop3A_578 = arith.cmpf oeq, %parallel_loop3A_462, %parallel_loop3A_501 : vector<16xf32>
        %parallel_loop3A_579 = arith.constant 0.000000e+00 : f32
        %parallel_loop3A_580 = vector.broadcast %parallel_loop3A_579 : f32 to vector<16xf32>
        %parallel_loop3A_581 = arith.select %parallel_loop3A_578, %parallel_loop3A_538, %parallel_loop3A_580 : vector<16xi1>, vector<16xf32>
        %parallel_loop3A_582 = arith.constant 1 : i32
        %parallel_loop3A_583 = arith.constant 3 : i32
        %parallel_loop3A_584 = arith.index_cast %parallel_loop3A_582 : i32 to index
        %parallel_loop3A_585 = arith.index_cast %parallel_loop3A_583 : i32 to index
        %parallel_loop3A_586 = arith.index_cast %parallel_loop3A_426 : i32 to index
        %parallel_loop3A_587 = arith.index_cast %parallel_loop3A_430 : i32 to index
        %parallel_loop3A_588 = tpu.vector_load %arg5[%parallel_loop3A_584, %parallel_loop3A_585, %parallel_loop3A_586, %parallel_loop3A_587] {strides = array<i32>} : memref<2x8x8x256xf32, #tpu.memory_space<vmem>>, vector<1x1x1x16xf32>,
        %parallel_loop3A_589 = vector.shape_cast %parallel_loop3A_588 : vector<1x1x1x16xf32> to vector<16xf32>
        %parallel_loop3A_590 = vector.shape_cast %parallel_loop3A_581 : vector<16xf32> to vector<1x1x1x16xf32>
        tpu.vector_store %arg5[%parallel_loop3A_584, %parallel_loop3A_585, %parallel_loop3A_586, %parallel_loop3A_587], %parallel_loop3A_590 {strides = array<i32>} : memref<2x8x8x256xf32, #tpu.memory_space<vmem>>, vector<1x1x1x16xf32>,
        %parallel_loop3A_591 = arith.cmpf oeq, %parallel_loop3A_470, %parallel_loop3A_501 : vector<16xf32>
        %parallel_loop3A_592 = arith.constant 0.000000e+00 : f32
        %parallel_loop3A_593 = vector.broadcast %parallel_loop3A_592 : f32 to vector<16xf32>
        %parallel_loop3A_594 = arith.select %parallel_loop3A_591, %parallel_loop3A_538, %parallel_loop3A_593 : vector<16xi1>, vector<16xf32>
        %parallel_loop3A_595 = arith.constant 1 : i32
        %parallel_loop3A_596 = arith.constant 4 : i32
        %parallel_loop3A_597 = arith.index_cast %parallel_loop3A_595 : i32 to index
        %parallel_loop3A_598 = arith.index_cast %parallel_loop3A_596 : i32 to index
        %parallel_loop3A_599 = arith.index_cast %parallel_loop3A_426 : i32 to index
        %parallel_loop3A_600 = arith.index_cast %parallel_loop3A_430 : i32 to index
        %parallel_loop3A_601 = tpu.vector_load %arg5[%parallel_loop3A_597, %parallel_loop3A_598, %parallel_loop3A_599, %parallel_loop3A_600] {strides = array<i32>} : memref<2x8x8x256xf32, #tpu.memory_space<vmem>>, vector<1x1x1x16xf32>,
        %parallel_loop3A_602 = vector.shape_cast %parallel_loop3A_601 : vector<1x1x1x16xf32> to vector<16xf32>
        %parallel_loop3A_603 = vector.shape_cast %parallel_loop3A_594 : vector<16xf32> to vector<1x1x1x16xf32>
        tpu.vector_store %arg5[%parallel_loop3A_597, %parallel_loop3A_598, %parallel_loop3A_599, %parallel_loop3A_600], %parallel_loop3A_603 {strides = array<i32>} : memref<2x8x8x256xf32, #tpu.memory_space<vmem>>, vector<1x1x1x16xf32>,
        %parallel_loop3A_604 = arith.cmpf oeq, %parallel_loop3A_478, %parallel_loop3A_501 : vector<16xf32>
        %parallel_loop3A_605 = arith.constant 0.000000e+00 : f32
        %parallel_loop3A_606 = vector.broadcast %parallel_loop3A_605 : f32 to vector<16xf32>
        %parallel_loop3A_607 = arith.select %parallel_loop3A_604, %parallel_loop3A_538, %parallel_loop3A_606 : vector<16xi1>, vector<16xf32>
        %parallel_loop3A_608 = arith.constant 1 : i32
        %parallel_loop3A_609 = arith.constant 5 : i32
        %parallel_loop3A_610 = arith.index_cast %parallel_loop3A_608 : i32 to index
        %parallel_loop3A_611 = arith.index_cast %parallel_loop3A_609 : i32 to index
        %parallel_loop3A_612 = arith.index_cast %parallel_loop3A_426 : i32 to index
        %parallel_loop3A_613 = arith.index_cast %parallel_loop3A_430 : i32 to index
        %parallel_loop3A_614 = tpu.vector_load %arg5[%parallel_loop3A_610, %parallel_loop3A_611, %parallel_loop3A_612, %parallel_loop3A_613] {strides = array<i32>} : memref<2x8x8x256xf32, #tpu.memory_space<vmem>>, vector<1x1x1x16xf32>,
        %parallel_loop3A_615 = vector.shape_cast %parallel_loop3A_614 : vector<1x1x1x16xf32> to vector<16xf32>
        %parallel_loop3A_616 = vector.shape_cast %parallel_loop3A_607 : vector<16xf32> to vector<1x1x1x16xf32>
        tpu.vector_store %arg5[%parallel_loop3A_610, %parallel_loop3A_611, %parallel_loop3A_612, %parallel_loop3A_613], %parallel_loop3A_616 {strides = array<i32>} : memref<2x8x8x256xf32, #tpu.memory_space<vmem>>, vector<1x1x1x16xf32>,
        %parallel_loop3A_617 = arith.cmpf oeq, %parallel_loop3A_486, %parallel_loop3A_501 : vector<16xf32>
        %parallel_loop3A_618 = arith.constant 0.000000e+00 : f32
        %parallel_loop3A_619 = vector.broadcast %parallel_loop3A_618 : f32 to vector<16xf32>
        %parallel_loop3A_620 = arith.select %parallel_loop3A_617, %parallel_loop3A_538, %parallel_loop3A_619 : vector<16xi1>, vector<16xf32>
        %parallel_loop3A_621 = arith.constant 1 : i32
        %parallel_loop3A_622 = arith.constant 6 : i32
        %parallel_loop3A_623 = arith.index_cast %parallel_loop3A_621 : i32 to index
        %parallel_loop3A_624 = arith.index_cast %parallel_loop3A_622 : i32 to index
        %parallel_loop3A_625 = arith.index_cast %parallel_loop3A_426 : i32 to index
        %parallel_loop3A_626 = arith.index_cast %parallel_loop3A_430 : i32 to index
        %parallel_loop3A_627 = tpu.vector_load %arg5[%parallel_loop3A_623, %parallel_loop3A_624, %parallel_loop3A_625, %parallel_loop3A_626] {strides = array<i32>} : memref<2x8x8x256xf32, #tpu.memory_space<vmem>>, vector<1x1x1x16xf32>,
        %parallel_loop3A_628 = vector.shape_cast %parallel_loop3A_627 : vector<1x1x1x16xf32> to vector<16xf32>
        %parallel_loop3A_629 = vector.shape_cast %parallel_loop3A_620 : vector<16xf32> to vector<1x1x1x16xf32>
        tpu.vector_store %arg5[%parallel_loop3A_623, %parallel_loop3A_624, %parallel_loop3A_625, %parallel_loop3A_626], %parallel_loop3A_629 {strides = array<i32>} : memref<2x8x8x256xf32, #tpu.memory_space<vmem>>, vector<1x1x1x16xf32>,
        %parallel_loop3A_630 = arith.cmpf oeq, %parallel_loop3A_494, %parallel_loop3A_501 : vector<16xf32>
        %parallel_loop3A_631 = arith.constant 0.000000e+00 : f32
        %parallel_loop3A_632 = vector.broadcast %parallel_loop3A_631 : f32 to vector<16xf32>
        %parallel_loop3A_633 = arith.select %parallel_loop3A_630, %parallel_loop3A_538, %parallel_loop3A_632 : vector<16xi1>, vector<16xf32>
        %parallel_loop3A_634 = arith.constant 1 : i32
        %parallel_loop3A_635 = arith.constant 7 : i32
        %parallel_loop3A_636 = arith.index_cast %parallel_loop3A_634 : i32 to index
        %parallel_loop3A_637 = arith.index_cast %parallel_loop3A_635 : i32 to index
        %parallel_loop3A_638 = arith.index_cast %parallel_loop3A_426 : i32 to index
        %parallel_loop3A_639 = arith.index_cast %parallel_loop3A_430 : i32 to index
        %parallel_loop3A_640 = tpu.vector_load %arg5[%parallel_loop3A_636, %parallel_loop3A_637, %parallel_loop3A_638, %parallel_loop3A_639] {strides = array<i32>} : memref<2x8x8x256xf32, #tpu.memory_space<vmem>>, vector<1x1x1x16xf32>,
        %parallel_loop3A_641 = vector.shape_cast %parallel_loop3A_640 : vector<1x1x1x16xf32> to vector<16xf32>
        %parallel_loop3A_642 = vector.shape_cast %parallel_loop3A_633 : vector<16xf32> to vector<1x1x1x16xf32>
        tpu.vector_store %arg5[%parallel_loop3A_636, %parallel_loop3A_637, %parallel_loop3A_638, %parallel_loop3A_639], %parallel_loop3A_642 {strides = array<i32>} : memref<2x8x8x256xf32, #tpu.memory_space<vmem>>, vector<1x1x1x16xf32>,
      } {sc.loop_unroll_factor = 4 : i64, sc.parallel_access}
      %shift_right_arithmetic3A_390 = arith.constant 3 : i32
      %shift_right_arithmetic3A_391 = arith.shrsi %add3A_354, %shift_right_arithmetic3A_390 : i32
      %mul3A_392 = arith.constant 8 : i32
      %mul3A_393 = arith.muli %shift_right_arithmetic3A_391, %mul3A_392 : i32
      %add3A_394 = arith.addi %mul3A_2, %mul3A_393 : i32
      %and3A_395 = arith.constant 7 : i32
      %and3A_396 = arith.andi %add3A_354, %and3A_395 : i32
      %mul3A_397 = arith.constant 256 : i32
      %mul3A_398 = arith.muli %and3A_396, %mul3A_397 : i32
      %dma_start3A_399 = arith.constant 1 : i32
      %dma_start3A_400 = arith.constant 0 : i32
      %dma_start3A_401 = arith.constant 0 : i32
      %dma_start3A_402 = arith.constant 0 : i32
      %dma_start3A_403 = arith.constant 0 : i32
      %dma_start3A_404 = tpu.memref_slice %arg5[%dma_start3A_399, %dma_start3A_401, %dma_start3A_402, %dma_start3A_403] : memref<2x8x8x256xf32, #tpu.memory_space<vmem>> -> memref<1x8x8x256xf32, #tpu.memory_space<vmem>>
      %dma_start3A_405 = tpu.memref_squeeze %dma_start3A_404 : memref<1x8x8x256xf32, #tpu.memory_space<vmem>> -> memref<8x8x256xf32, #tpu.memory_space<vmem>>
      %dma_start3A_406 = arith.constant 0 : i32
      %dma_start3A_407 = tpu.memref_slice %arg3[%dma_start3A_400, %dma_start3A_406, %add3A_394, %mul3A_398] : memref<1x8x2048x2048xf32, #tpu.memory_space<hbm>> -> memref<1x8x8x256xf32, #tpu.memory_space<hbm>>
      %dma_start3A_408 = tpu.memref_squeeze %dma_start3A_407 : memref<1x8x8x256xf32, #tpu.memory_space<hbm>> -> memref<8x8x256xf32, #tpu.memory_space<hbm>>
      %dma_start3A_409 = arith.constant 0 : i32
      %dma_start3A_410 = tpu.memref_slice %arg3[%dma_start3A_400, %dma_start3A_409, %add3A_394, %mul3A_398] : memref<1x8x2048x2048xf32, #tpu.memory_space<hbm>> -> memref<1x8x8x256xf32, #tpu.memory_space<hbm>>
      %dma_start3A_411 = tpu.memref_squeeze %dma_start3A_410 : memref<1x8x8x256xf32, #tpu.memory_space<hbm>> -> memref<8x8x256xf32, #tpu.memory_space<hbm>>
      %dma_start3A_412 = arith.constant 0 : i32
      %dma_start3A_413 = arith.constant 0 : i32
      %dma_start3A_414 = arith.constant 0 : i32
      %dma_start3A_415 = tpu.memref_slice %arg5[%dma_start3A_399, %dma_start3A_412, %dma_start3A_413, %dma_start3A_414] : memref<2x8x8x256xf32, #tpu.memory_space<vmem>> -> memref<1x8x8x256xf32, #tpu.memory_space<vmem>>
      %dma_start3A_416 = tpu.memref_squeeze %dma_start3A_415 : memref<1x8x8x256xf32, #tpu.memory_space<vmem>> -> memref<8x8x256xf32, #tpu.memory_space<vmem>>
      tpu.enqueue_dma source(%dma_start3A_416 : memref<8x8x256xf32, #tpu.memory_space<vmem>>) target(%dma_start3A_411 : memref<8x8x256xf32, #tpu.memory_space<hbm>>) target_semaphore(%arg11 : memref<!tpu.dma_semaphore, #tpu.memory_space<semaphore_mem>>)
      %add3A_417 = arith.constant 4 : i32
      %add3A_418 = arith.addi %add3A_354, %add3A_417 : i32
      %lt3A_419 = arith.constant 64 : i32
      %lt3A_420 = arith.cmpi slt, %add3A_418, %lt3A_419 : i32
      %convert_element_type3A_421 = arith.extui %lt3A_420 : i1 to i32
      %cond3A_422 = arith.constant 0 : i32
      %cond3A_423 = arith.cmpi ne, %convert_element_type3A_421, %cond3A_422 : i32
      scf.if %cond3A_423 {
        %add3A_424 = arith.constant 4 : i32
        %add3A_425 = arith.addi %add3A_354, %add3A_424 : i32
        %shift_right_arithmetic3A_426 = arith.constant 3 : i32
        %shift_right_arithmetic3A_427 = arith.shrsi %add3A_425, %shift_right_arithmetic3A_426 : i32
        %mul3A_428 = arith.constant 8 : i32
        %mul3A_429 = arith.muli %shift_right_arithmetic3A_427, %mul3A_428 : i32
        %add3A_430 = arith.addi %mul3A_2, %mul3A_429 : i32
        %and3A_431 = arith.constant 7 : i32
        %and3A_432 = arith.andi %add3A_425, %and3A_431 : i32
        %mul3A_433 = arith.constant 256 : i32
        %mul3A_434 = arith.muli %and3A_432, %mul3A_433 : i32
        %dma_start3A_435 = arith.constant 0 : i32
        %dma_start3A_436 = arith.constant 3 : i32
        %dma_start3A_437 = arith.constant 0 : i32
        %dma_start3A_438 = arith.constant 0 : i32
        %dma_start3A_439 = arith.constant 0 : i32
        %dma_start3A_440 = tpu.memref_slice %arg4[%dma_start3A_436, %dma_start3A_437, %dma_start3A_438, %dma_start3A_439] : memref<4x10x8x256xf32, #tpu.memory_space<vmem>> -> memref<1x10x8x256xf32, #tpu.memory_space<vmem>>
        %dma_start3A_441 = tpu.memref_squeeze %dma_start3A_440 : memref<1x10x8x256xf32, #tpu.memory_space<vmem>> -> memref<10x8x256xf32, #tpu.memory_space<vmem>>
        %dma_start3A_442 = arith.constant 0 : i32
        %dma_start3A_443 = tpu.memref_slice %arg2[%dma_start3A_435, %dma_start3A_442, %add3A_430, %mul3A_434] : memref<1x10x2048x2048xf32, #tpu.memory_space<hbm>> -> memref<1x10x8x256xf32, #tpu.memory_space<hbm>>
        %dma_start3A_444 = tpu.memref_squeeze %dma_start3A_443 : memref<1x10x8x256xf32, #tpu.memory_space<hbm>> -> memref<10x8x256xf32, #tpu.memory_space<hbm>>
        %dma_start3A_445 = arith.constant 0 : i32
        %dma_start3A_446 = arith.constant 0 : i32
        %dma_start3A_447 = arith.constant 0 : i32
        %dma_start3A_448 = tpu.memref_slice %arg4[%dma_start3A_436, %dma_start3A_445, %dma_start3A_446, %dma_start3A_447] : memref<4x10x8x256xf32, #tpu.memory_space<vmem>> -> memref<1x10x8x256xf32, #tpu.memory_space<vmem>>
        %dma_start3A_449 = tpu.memref_squeeze %dma_start3A_448 : memref<1x10x8x256xf32, #tpu.memory_space<vmem>> -> memref<10x8x256xf32, #tpu.memory_space<vmem>>
        %dma_start3A_450 = arith.constant 0 : i32
        %dma_start3A_451 = tpu.memref_slice %arg2[%dma_start3A_435, %dma_start3A_450, %add3A_430, %mul3A_434] : memref<1x10x2048x2048xf32, #tpu.memory_space<hbm>> -> memref<1x10x8x256xf32, #tpu.memory_space<hbm>>
        %dma_start3A_452 = tpu.memref_squeeze %dma_start3A_451 : memref<1x10x8x256xf32, #tpu.memory_space<hbm>> -> memref<10x8x256xf32, #tpu.memory_space<hbm>>
        tpu.enqueue_dma source(%dma_start3A_452 : memref<10x8x256xf32, #tpu.memory_space<hbm>>) target(%dma_start3A_449 : memref<10x8x256xf32, #tpu.memory_space<vmem>>) target_semaphore(%arg9 : memref<!tpu.dma_semaphore, #tpu.memory_space<semaphore_mem>>)
      } else {
      }
    }
    %scan3A_94 = arith.constant 16 : i32
    %add3A_95 = arith.constant 56 : i32
    %add3A_96 = arith.addi %mul3A_2, %add3A_95 : i32
    %dma_wait3A = arith.constant 0 : i32
    %dma_wait3A_97 = arith.constant 0 : i32
    %dma_wait3A_98 = arith.constant 0 : i32
    %dma_wait3A_99 = arith.constant 0 : i32
    %dma_wait3A_100 = arith.constant 0 : i32
    %dma_wait3A_101 = tpu.memref_slice %arg5[%dma_wait3A, %dma_wait3A_98, %dma_wait3A_99, %dma_wait3A_100] : memref<2x8x8x256xf32, #tpu.memory_space<vmem>> -> memref<1x8x8x256xf32, #tpu.memory_space<vmem>>
    %dma_wait3A_102 = tpu.memref_squeeze %dma_wait3A_101 : memref<1x8x8x256xf32, #tpu.memory_space<vmem>> -> memref<8x8x256xf32, #tpu.memory_space<vmem>>
    %dma_wait3A_103 = arith.constant 0 : i32
    %dma_wait3A_104 = arith.constant 1536 : i32
    %dma_wait3A_105 = tpu.memref_slice %arg3[%dma_wait3A_97, %dma_wait3A_103, %add3A_96, %dma_wait3A_104] : memref<1x8x2048x2048xf32, #tpu.memory_space<hbm>> -> memref<1x8x8x256xf32, #tpu.memory_space<hbm>>
    %dma_wait3A_106 = tpu.memref_squeeze %dma_wait3A_105 : memref<1x8x8x256xf32, #tpu.memory_space<hbm>> -> memref<8x8x256xf32, #tpu.memory_space<hbm>>
    %dma_wait3A_107 = arith.constant 0 : i32
    %dma_wait3A_108 = arith.constant 1536 : i32
    %dma_wait3A_109 = tpu.memref_slice %arg3[%dma_wait3A_97, %dma_wait3A_107, %add3A_96, %dma_wait3A_108] : memref<1x8x2048x2048xf32, #tpu.memory_space<hbm>> -> memref<1x8x8x256xf32, #tpu.memory_space<hbm>>
    %dma_wait3A_110 = tpu.memref_squeeze %dma_wait3A_109 : memref<1x8x8x256xf32, #tpu.memory_space<hbm>> -> memref<8x8x256xf32, #tpu.memory_space<hbm>>
    %dma_wait3A_111 = arith.constant 0 : i32
    %dma_wait3A_112 = arith.constant 0 : i32
    %dma_wait3A_113 = arith.constant 0 : i32
    %dma_wait3A_114 = tpu.memref_slice %arg5[%dma_wait3A, %dma_wait3A_111, %dma_wait3A_112, %dma_wait3A_113] : memref<2x8x8x256xf32, #tpu.memory_space<vmem>> -> memref<1x8x8x256xf32, #tpu.memory_space<vmem>>
    %dma_wait3A_115 = tpu.memref_squeeze %dma_wait3A_114 : memref<1x8x8x256xf32, #tpu.memory_space<vmem>> -> memref<8x8x256xf32, #tpu.memory_space<vmem>>
    tpu.wait_dma2 semaphore(%arg10 : memref<!tpu.dma_semaphore, #tpu.memory_space<semaphore_mem>>) src(%dma_wait3A_115 : memref<8x8x256xf32, #tpu.memory_space<vmem>>) dst(%dma_wait3A_110 : memref<8x8x256xf32, #tpu.memory_space<hbm>>)
    %add3A_116 = arith.constant 56 : i32
    %add3A_117 = arith.addi %mul3A_2, %add3A_116 : i32
    %dma_wait3A_118 = arith.constant 1 : i32
    %dma_wait3A_119 = arith.constant 0 : i32
    %dma_wait3A_120 = arith.constant 0 : i32
    %dma_wait3A_121 = arith.constant 0 : i32
    %dma_wait3A_122 = arith.constant 0 : i32
    %dma_wait3A_123 = tpu.memref_slice %arg5[%dma_wait3A_118, %dma_wait3A_120, %dma_wait3A_121, %dma_wait3A_122] : memref<2x8x8x256xf32, #tpu.memory_space<vmem>> -> memref<1x8x8x256xf32, #tpu.memory_space<vmem>>
    %dma_wait3A_124 = tpu.memref_squeeze %dma_wait3A_123 : memref<1x8x8x256xf32, #tpu.memory_space<vmem>> -> memref<8x8x256xf32, #tpu.memory_space<vmem>>
    %dma_wait3A_125 = arith.constant 0 : i32
    %dma_wait3A_126 = arith.constant 1792 : i32
    %dma_wait3A_127 = tpu.memref_slice %arg3[%dma_wait3A_119, %dma_wait3A_125, %add3A_117, %dma_wait3A_126] : memref<1x8x2048x2048xf32, #tpu.memory_space<hbm>> -> memref<1x8x8x256xf32, #tpu.memory_space<hbm>>
    %dma_wait3A_128 = tpu.memref_squeeze %dma_wait3A_127 : memref<1x8x8x256xf32, #tpu.memory_space<hbm>> -> memref<8x8x256xf32, #tpu.memory_space<hbm>>
    %dma_wait3A_129 = arith.constant 0 : i32
    %dma_wait3A_130 = arith.constant 1792 : i32
    %dma_wait3A_131 = tpu.memref_slice %arg3[%dma_wait3A_119, %dma_wait3A_129, %add3A_117, %dma_wait3A_130] : memref<1x8x2048x2048xf32, #tpu.memory_space<hbm>> -> memref<1x8x8x256xf32, #tpu.memory_space<hbm>>
    %dma_wait3A_132 = tpu.memref_squeeze %dma_wait3A_131 : memref<1x8x8x256xf32, #tpu.memory_space<hbm>> -> memref<8x8x256xf32, #tpu.memory_space<hbm>>
    %dma_wait3A_133 = arith.constant 0 : i32
    %dma_wait3A_134 = arith.constant 0 : i32
    %dma_wait3A_135 = arith.constant 0 : i32
    %dma_wait3A_136 = tpu.memref_slice %arg5[%dma_wait3A_118, %dma_wait3A_133, %dma_wait3A_134, %dma_wait3A_135] : memref<2x8x8x256xf32, #tpu.memory_space<vmem>> -> memref<1x8x8x256xf32, #tpu.memory_space<vmem>>
    %dma_wait3A_137 = tpu.memref_squeeze %dma_wait3A_136 : memref<1x8x8x256xf32, #tpu.memory_space<vmem>> -> memref<8x8x256xf32, #tpu.memory_space<vmem>>
    tpu.wait_dma2 semaphore(%arg11 : memref<!tpu.dma_semaphore, #tpu.memory_space<semaphore_mem>>) src(%dma_wait3A_137 : memref<8x8x256xf32, #tpu.memory_space<vmem>>) dst(%dma_wait3A_132 : memref<8x8x256xf32, #tpu.memory_space<hbm>>)
    return
  }
}

</mosaic_0001>

<sc_bundles>
// kernel: kernel.3.cloned.1.call-start
scs
__scs_entry_jumppad:
0x0: {  	(pc) =	sbr.rel $0x88, $3  }
0x1: {  	(tag) =	ssettag $0x0;
	lr =	simm.s32 $0x1  }
0x2: {  	[smem:$0x3FA0] =	sst lr;
	_ =	strace $0xD0000000  }
0x3: {  	_ = 	snop  }
0x4: {  	_ = 	snop  }
0x5: {  	_ = 	snop  }
0x6: {  	_ = 	snop  }
0x7: {  	_ = 	snop  }
__scs_overlays_trampoline_lowered:
0x8: {  	[smem:$0x3FAF] =	sst s0  }
0x9: {  	[smem:$0x3FB0] =	sst s1  }
0xa: {  	[smem:$0x3FB1] =	sst s2  }
0xb: {  	[smem:$0x3FB2] =	sst s3  }
0xc: {  	[smem:$0x3FB3] =	sst s4  }
0xd: {  	[smem:$0x3FB4] =	sst s5  }
0xe: {  	[smem:$0x3FB5] =	sst s6  }
0xf: {  	[smem:$0x3FB6] =	sst s7  }
0x10: {  	[smem:$0x3FB7] =	sst s8  }
0x11: {  	[smem:$0x3FB8] =	sst s9;
	s0 =	simm.s32 @!p0 $0x0  }
0x12: {  	s1 =	sld [smem:$0x3F9E];
	s0 =	simm.s32 @p0 $0x1  }
0x13: {  	[smem:$0x3FB9] =	sst s0;
	s0 =	simm.s32 @!p1 $0x0  }
0x14: {  	s2 =	sld [smem:$0x3F9D];
	s0 =	simm.s32 @p1 $0x1  }
0x15: {  	[smem:$0x3FBA] =	sst s0;
	s0 =	simm.s32 @!p2 $0x0  }
0x16: {  	s3 =	sld [smem:$0x3FDB];
	s0 =	simm.s32 @p2 $0x1  }
0x17: {  	s4 =	simm.s32 $0x1BF5;
	[smem:$0x3FBC] =	sst s0  }
0x18: {  	s0 =	sld [smem:$0x3F9F];
	_ =	swait.ge [sflag:s4], $0x0  }
0x19: {  	s7 =	sld [smem:$0x3FA0]  }
0x1a: {  	s8 =	sadd.s32 $0xFFFFE003, lr  }
0x1b: {  	s9 =	sadd.s32 $0xFFFFFEF7, lr;
	s5 =	simm.s32 $0xFFFFFFFF;
	p2 =	slt.u32 s8, $0xFFFFF086  }
0x1c: {  	p1 =	slt.u32 s9, $0xF7A;
	s5 =	simm.s32 @!p2 $0x0  }
0x1d: {  	s5 =	simm.s32 @p1 $0x1;
	p0 =	seq.s32 s7, s2  }
0x1e: {  	s7 =	smul.u32 @!p0 $0xF7A, s2;
	p2 =	seq.s32 @!p0 s5, $0x0  }
0x1f: {  	s9 =	smul.u32 $0xF7A, s1;
	s8 =	simm.s32 @!p0 $0x1BF5;
	p2 =	por !p2, p0  }
0x20: {  	[sflag:s8] =	ssyncset.s32 @!p0 $0xFFFFF086;
	s6 =	sadd.s32 @!p0 s3, s7;
	s7 =	simm.s32 @!p0 $0x108  }
0x21: {  	s3 =	sadd.s32 s3, s9;
	s6 =	sadd.s32 @!p0 $0x88, s6;
	s7 =	simm.s32 @p2 $0x1082  }
0x22: {  	[simem:s7], [sflag:s8] =	dma.local @!p0 [hbm:s6], $0xF7A  }
0x23: {  	s9 =	sor.u32 $0xD0000000, s2;
	s6 =	simm.s32 $0x108;
	_ =	swait.ge @!p0 [sflag:s8], $0x0  }
0x24: {  	s3 =	sadd.s32 $0x88, s3;
	s6 =	simm.s32 @!p1 $0x1082;
	[sflag:s4] =	ssyncset.s32 $0xFFFFF086  }
0x25: {  	[simem:s6], [sflag:s4] =	dma.local [hbm:s3], $0xF7A  }
0x26: {  	[smem:$0x3FA0] =	sst s1;
	(tag) =	ssettag s2;
	_ =	strace s9  }
0x27: {  	s1 =	sld [smem:$0x3FB0]  }
0x28: {  	s2 =	sld [smem:$0x3FB1]  }
0x29: {  	s4 =	sld [smem:$0x3FB3]  }
0x2a: {  	p0 =	seq.s32 s5, $0x0;
	s5 =	sld [smem:$0x3FB4]  }
0x2b: {  	s6 =	sld [smem:$0x3FB5]  }
0x2c: {  	s7 =	sld [smem:$0x3FB6]  }
0x2d: {  	s3 =	simm.s32 $0x108;
	s8 =	sld [smem:$0x3FB7]  }
0x2e: {  	s3 =	simm.s32 @!p0 $0x1082;
	s9 =	sld [smem:$0x3FB8]  }
0x2f: {  	lr =	sadd.s32 s0, s3;
	s0 =	sld [smem:$0x3FAF]  }
0x30: {  	s3 =	sld [smem:$0x3FB2]  }
0x31: {  	[smem:$0x3FBB] =	sst s10  }
0x32: {  	s10 =	sld [smem:$0x3FB9];
	_ =	sdelay $0x3  }
0x33: {  	p0 =	seq.s32 s10, $0x1;
	s10 =	sld [smem:$0x3FBB];
	_ =	sdelay $0x3  }
0x34: {  	[smem:$0x3FBB] =	sst s10  }
0x35: {  	s10 =	sld [smem:$0x3FBA];
	_ =	sdelay $0x3  }
0x36: {  	p1 =	seq.s32 s10, $0x1;
	s10 =	sld [smem:$0x3FBB];
	_ =	sdelay $0x3  }
0x37: {  	[smem:$0x3FBB] =	sst s10  }
0x38: {  	s10 =	sld [smem:$0x3FBC]  }
0x39: {  	_ = 	snop;
	(pc) =	sbr.ind lr, $3  }
0x3a: {  	_ = 	snop  }
0x3b: {  	_ = 	snop  }
0x3c: {  	p2 =	seq.s32 s10, $0x1;
	s10 =	sld [smem:$0x3FBB]  }
0x3d: {  	_ =	shalt  }
0x3e: {  	_ =	shalt  }
0x3f: {  	_ =	shalt  }
0x40: {  	_ =	shalt  }
0x41: {  	_ =	shalt  }
0x42: {  	_ =	shalt  }
0x43: {  	_ =	shalt  }
0x44: {  	_ =	shalt  }
0x45: {  	_ =	shalt  }
0x46: {  	_ =	shalt  }
0x47: {  	_ =	shalt  }
0x48: {  	_ =	shalt  }
0x49: {  	_ =	shalt  }
0x4a: {  	_ =	shalt  }
0x4b: {  	_ =	shalt  }
0x4c: {  	_ =	shalt  }
0x4d: {  	_ =	shalt  }
0x4e: {  	_ =	shalt  }
0x4f: {  	_ =	shalt  }
0x50: {  	_ =	shalt  }
0x51: {  	_ =	shalt  }
0x52: {  	_ =	shalt  }
0x53: {  	_ =	shalt  }
0x54: {  	_ =	shalt  }
0x55: {  	_ =	shalt  }
0x56: {  	_ =	shalt  }
0x57: {  	_ =	shalt  }
0x58: {  	_ =	shalt  }
0x59: {  	_ =	shalt  }
0x5a: {  	_ =	shalt  }
0x5b: {  	_ =	shalt  }
0x5c: {  	_ =	shalt  }
0x5d: {  	_ =	shalt  }
0x5e: {  	_ =	shalt  }
0x5f: {  	_ =	shalt  }
0x60: {  	_ =	shalt  }
0x61: {  	_ =	shalt  }
0x62: {  	_ =	shalt  }
0x63: {  	_ =	shalt  }
0x64: {  	_ =	shalt  }
0x65: {  	_ =	shalt  }
0x66: {  	_ =	shalt  }
0x67: {  	_ =	shalt  }
0x68: {  	_ =	shalt  }
0x69: {  	_ =	shalt  }
0x6a: {  	_ =	shalt  }
0x6b: {  	_ =	shalt  }
0x6c: {  	_ =	shalt  }
0x6d: {  	_ =	shalt  }
0x6e: {  	_ =	shalt  }
0x6f: {  	_ =	shalt  }
0x70: {  	_ =	shalt  }
0x71: {  	_ =	shalt  }
0x72: {  	_ =	shalt  }
0x73: {  	_ =	shalt  }
0x74: {  	_ =	shalt  }
0x75: {  	_ =	shalt  }
0x76: {  	_ =	shalt  }
0x77: {  	_ =	shalt  }
0x78: {  	_ =	shalt  }
0x79: {  	_ =	shalt  }
0x7a: {  	_ =	shalt  }
0x7b: {  	_ =	shalt  }
0x7c: {  	_ =	shalt  }
0x7d: {  	_ =	shalt  }
0x7e: {  	_ =	shalt  }
0x7f: {  	_ =	shalt  }
0x80: {  	_ =	shalt  }
0x81: {  	_ =	shalt  }
0x82: {  	_ =	shalt  }
0x83: {  	_ =	shalt  }
0x84: {  	_ =	shalt  }
0x85: {  	_ =	shalt  }
0x86: {  	_ =	shalt  }
0x87: {  	_ =	shalt  }
.Lfunc_end0:
.L_simem_size_0:
called_computation_lowered:
.L_overlay_start_0:
0x88: {  	s2 =	sld [smem:$0x3FD9]  }
0x89: {  	s3 =	sld [smem:$0x3FFE];
	_ =	sdelay $0x1  }
0x8a: {  	s1 =	srdreg.scid  }
0x8b: {  	s0 =	sand.u32 $0x1, s1  }
0x8c: {  	s18 =	sshll.u32 s0, $0xA;
	s2 =	sadd.s32 s3, s2  }
0x8d: {  	s2 =	sadd.s32 s2, s18  }
0x8e: {  	[smem:$0x3FC7] =	sst s2  }
0x8f: {  	_ = 	snop  }
0x90: {  	s2 =	sld [smem:$0x3FC9]  }
0x91: {  	s19 =	sld [smem:$0x3FD0];
	(tm) =	ssettm $0x1  }
0x92: {  	s4 =	sld [smem:$0x3FFB];
	_ =	sdelay $0x3  }
0x93: {  	_ =	strace s4  }
0x94: {  	s4 =	sld [smem:$0x3FFC];
	_ =	sdelay $0x3  }
0x95: {  	_ =	strace s4  }
0x96: {  	s4 =	sld [smem:$0x3FFD];
	_ =	sdelay $0x3  }
0x97: {  	_ =	strace s4  }
0x98: {  	_ =	strace $0x8FFFFFFF  }
0x99: {  	s20 =	sld [smem:$0x3FDB];
	_ =	sdelay $0x1  }
0x9a: {  	s5 =	simm.s32 $_scs_section_size  }
0x9b: {  	s6 =	simm.s32 $_size__tile_overlayer_lowered;
	s7 =	simm.s32 $_tile_overlayer_lowered  }
0x9c: {  	s23 =	simm.s32 $0x1BFF;
	s22 =	sshll.u32 s7, $0x1;
	s4 =	sadd.s32 s5, s20  }
0x9d: {  	s8 =	simm.s32 $0x0;
	s21 =	sshll.u32 s6, $0x1;
	s6 =	sadd.s32 s22, s4  }
0x9e: {  	[timem:s8], [sflag:s23] =	dma.local [hbm:s6], s21  }
0x9f: {  	_ =	swait.ge [sflag:s23], s21  }
0xa0: {  	s5 =	ssub.s32 $0x0, s21;
	[sflag:s23] =	ssyncset.done $0x0  }
0xa1: {  	[sflag:s23] =	ssyncadd.s32 s5;
	_ =	sdelay $0x1  }
0xa2: {  	s24 =	simm.s32 $0x1B8B  }
0xa3: {  	_ =	swait.ge [sflag:s24], $0x1  }
0xa4: {  	[sflag:s24] =	ssyncset.done $0x0  }
0xa5: {  	s25 =	simm.s32 $0x1B8E;
	[sflag:s24] =	ssyncadd.s32 $0xFFFFFFFF  }
0xa6: {  	s26 =	simm.s32 $execute0_lowered;
	[smem:$0x3FD2] =	sst s25  }
0xa7: {  	s5 =	sshll.u32 s26, $0x1;
	_ =	strace $0x80000046;
	[dreg:$0x1] =	wrdreg $0xFFFFFFFF  }
0xa8: {  	s28 =	simm.s32 $_size_execute0_lowered;
	s4 =	sadd.s32 s4, s5;
	[dreg:$0x0] =	wrdreg $0x0  }
0xa9: {  	s5 =	sshll.u32 s28, $0x1;
	[dreg:$0x2] =	wrdreg s4  }
0xaa: {  	[dreg:$0x3] =	wrdreg s5  }
0xab: {  	[dreg:$0x4] =	wrdreg $0xC0  }
0xac: {  	_ =	task [dreg:s8], $0x5FFFF  }
0xad: {  	[dreg:$0x1] =	wrdreg $0xFFFFFFFF  }
0xae: {  	[dreg:$0x0] =	wrdreg $0x60  }
0xaf: {  	[dreg:$0x2] =	wrdreg s2  }
0xb0: {  	[dreg:$0x3] =	wrdreg s19  }
0xb1: {  	[dreg:$0x4] =	wrdreg $0x9  }
0xb2: {  	_ =	task.clear_ibuf [dreg:s8], $0x5FFFF;
	_ =	strace $0x90000046  }
0xb3: {  	s29 =	simm.s32 $0x9;
	_ =	strace $0x80000048  }
0xb4: {  	_ =	swait.ge [sflag:s29], $0x1  }
0xb5: {  	[sflag:s29] =	ssyncadd.s32 $0xFFFFFFFF  }
0xb6: {  	_ =	strace $0x90000048  }
0xb7: {  	_ =	sfence  }
0xb8: {  	s30 =	sld [smem:$0x0];
	_ =	sdelay $0x2  }
0xb9: {  	s31 =	sshll.u32 s1, $0xD;
	s1 =	sshrl.u32 s1, $0x2  }
0xba: {  	s3 =	sand.u32 $0x4000, s31;
	s1 =	sadd.s32 s1, s30  }
0xbb: {  	s0 =	sor.u32 s3, s0;
	s1 =	sshll.u32 s1, $0x11  }
0xbc: {  	s0 =	sor.u32 s1, s0  }
0xbd: {  	s0 =	sadd.s32 $0x8F2B, s0  }
0xbe: {  	[sflag:s0] =	ssyncadd.remote.s32 $0x1  }
0xbf: {  	_ =	sfence.sel $0xFFFF  }
0xc0: {  	[dreg:$0x0] =	wrdreg $0xFFFFFFFF;
	(pc) =	sbr.abs _section_cstart, $3  }
0xc1: {  	[dreg:$0x1] =	wrdreg $0xFFFFFFFF  }
0xc2: {  	_ =	task.clear_ibuf [dreg:s8], $0x2FFFF;
	_ =	strace $0x9FFFFFFF  }
0xc3: {  	(tm) =	ssettm $0x7FFFFFFF  }
tec
execute0_lowered:
.L_overlay_start_1:
0x0: {  	(tag) =	ssettag $0x1  }
0x1: {  	s0 =	srdreg.scid  }
0x2: {  	s3 =	rddreg [dreg:$0x0];
	s1 =	stileid.u32;
	s0 =	sand.u32 $0x1, s0  }
0x3: {  	s4 =	simm.s32 $0x0;
	s1 =	sshll.u32 s1, $0x7;
	s2 =	sshll.u32 s0, $0x6  }
0x4: {  	[smem:$0x7FF] =	sst s4;
	s0 =	ssub.s32 $0x2, s0;
	s18 =	sor.u32 s2, s1  }
0x5: {  	_ =	strace $0x80000047;
	s29 =	sshrl.u32 s0, $0x1;
	s2 =	sshll.u32 s18, $0x8  }
0x6: {  	s0 =	ssub.s32 s0, s29;
	[smem:$0x7FD] =	sst s18;
	s30 =	sadd.s32 s3, s2  }
.Ltmp0:
0x7: {  	s0 =	smax.u32 s0, $0x1;
	[smem:$0x7FA] =	sst s30;
	(pc) =	sbr.rel .LBB2_1-.Ltmp0, $4  }
0x8: {  	s2 =	sadd.s32 $0x100, s30;
	[smem:$0x7FC] =	sst s0  }
0x9: {  	s31 =	sadd.s32 $0x200, s30;
	[smem:$0x7F8] =	sst s2  }
0xa: {  	s19 =	simm.s32 $0x800;
	s1 =	sadd.s32 $0x300, s30;
	[smem:$0x7F9] =	sst s31  }
0xb: {  	s20 =	simm.s32 $0x400000;
	[smem:$0x7FB] =	sst s1;
	s2 =	simm.s32 $0x0  }
.LBB2_16:
0xc: {  	s0 =	simm.s32 $0x5  }
0xd: {  	_ =	swait.ge [sflag:s0], $0x4000  }
0xe: {  	[sflag:s0] =	ssyncset.done $0x0  }
0xf: {  	s1 =	simm.s32 $0x6;
	[sflag:s0] =	ssyncadd.s32 $0xFFFFC000  }
0x10: {  	_ =	swait.ge [sflag:s1], $0x4000  }
0x11: {  	s2 =	sld [smem:$0x7F7]  }
0x12: {  	s31 =	sld [smem:$0x7FC];
	_ =	sdelay $0x1  }
0x13: {  	s2 =	sadd.s32 $0x1, s2  }
0x14: {  	p0 =	sne.s32 s2, s31  }
.Ltmp1:
0x15: {  	_ = 	snop;
	(pc) =	sbr.rel @!p0 .LBB2_17-.Ltmp1, $3  }
0x16: {  	_ =	sdelay $0x1  }
0x17: {  	[sflag:s1] =	ssyncset.done $0x0  }
0x18: {  	s18 =	sld [smem:$0x7FD];
	[sflag:s1] =	ssyncadd.s32 $0xFFFFC000  }
.LBB2_1:
0x19: {  	s1 =	sld [smem:$0x7FA];
	_ =	sdelay $0x1  }
0x1a: {  	s0 =	simm.s32 $0x0;
	s25 =	sld [smem:$0x7F8]  }
0x1b: {  	[tilespmem:s0], [sflag:$0x1] =	stream.strided.gather [hbm4b:s1+s19], $0x5000, s20, s19, $0x38;
	[tilespmem:$0x1C000] =	vst v63  }
0x1c: {  	s26 =	simm.s32 $0x5000;
	s28 =	sld [smem:$0x7F9]  }
0x1d: {  	[tilespmem:s26], [sflag:$0x2] =	stream.strided.gather [hbm4b:s25+s19], $0x5000, s20, s19, $0x38;
	[tilespmem:$0x1C000] =	vst v63  }
0x1e: {  	s29 =	simm.s32 $0xA000;
	s30 =	sld [smem:$0x7FB]  }
0x1f: {  	[tilespmem:s29], [sflag:$0x3] =	stream.strided.gather [hbm4b:s28+s19], $0x5000, s20, s19, $0x38;
	[tilespmem:$0x1C000] =	vst v63  }
0x20: {  	[smem:$0x7F7] =	sst s2;
	s31 =	simm.s32 $0xF000;
	s21 =	simm.s32 $0x0  }
0x21: {  	[tilespmem:s31], [sflag:$0x4] =	stream.strided.gather [hbm4b:s30+s19], $0x5000, s20, s19, $0x38;
	[tilespmem:$0x1C000] =	vst v63  }
.LBB2_2:
0x22: {  	s0 =	simm.s32 $0x1  }
0x23: {  	s28 =	simm.s32 $0x0;
	_ =	swait.ge [sflag:s0], $0x5000  }
0x24: {  	p0 =	seq.s32 s21, $0x0;
	s1 =	sand.u32 $0x400, s28;
	[sflag:s0] =	ssyncset.done $0x0  }
0x25: {  	s2 =	sand.u32 $0x380, s28;
	[sflag:s0] =	ssyncadd.s32 $0xFFFFB000;
	s0 =	simm.s32 @!p0 $0x5  }
0x26: {  	s3 =	sand.u32 $0x40, s28;
	s1 =	sor.u32 s2, s1;
	_ =	swait.ge @!p0 [sflag:s0], $0x4000  }
0x27: {  	s16 =	sor.u32 $0x30, s3;
	s4 =	sor.u32 $0x4000, s1;
	[sflag:s0] =	ssyncset.done @!p0 $0x0  }
0x28: {  	s5 =	sor.u32 $0x4800, s1;
	s17 =	sor.u32 s16, s4;
	[sflag:s0] =	ssyncadd.s32 @!p0 $0xFFFFC000  }
0x29: {  	s22 =	sor.u32 s16, s5;
	v0 =	vld [tilespmem:s17+$0x0]  }
0x2a: {  	s6 =	sor.u32 s3, s4;
	v1 =	vld [tilespmem:s22+$0x0]  }
0x2b: {  	s23 =	sor.u32 $0x10, s3;
	s7 =	sor.u32 s3, s5;
	v2 =	vld [tilespmem:s6+$0x0]  }
0x2c: {  	s24 =	sor.u32 s23, s4;
	v3 =	vld [tilespmem:s7+$0x0]  }
0x2d: {  	s25 =	sor.u32 s23, s5;
	v4 =	vld [tilespmem:s24+$0x0]  }
0x2e: {  	s30 =	sor.u32 s16, s1;
	v5 =	vld [tilespmem:s25+$0x0]  }
0x2f: {  	v6 =	vld [tilespmem:s30+$0x0]  }
0x30: {  	v7 =	vld [tilespmem:s30+$0x800]  }
0x31: {  	v8 =	vld [tilespmem:s30+$0x1000];
	v0 =	vmul.f32 v0, v0;
	v1 =	vmul.f32 v1, v1  }
0x32: {  	s26 =	sor.u32 $0x20, s3;
	v9 =	vld [tilespmem:s30+$0x2000]  }
0x33: {  	s4 =	sor.u32 s26, s4;
	v12 =	vld [tilespmem:s30+$0x2800];
	v0 =	vadd.f32 v1, v0  }
0x34: {  	s5 =	sor.u32 s26, s5;
	v15 =	vld [tilespmem:s4+$0x0];
	v3 =	vmul.f32 v3, v3  }
0x35: {  	v18 =	vld [tilespmem:s5+$0x0];
	v1 =	vmul.f32 v2, v2;
	v10 =	vshra.s32 v0, $0x1;
	v11 =	vmul.f32 $5.000000000e-01, v0  }
0x36: {  	v13 =	vld [tilespmem:s30+$0x3000];
	v4 =	vmul.f32 v4, v4;
	v5 =	vmul.f32 v5, v5;
	v10 =	vsub.s32 $0x5F3759DF, v10  }
0x37: {  	v2 =	vld [tilespmem:s30+$0x1800];
	v1 =	vadd.f32 v3, v1;
	v3 =	vmul.f32 v10, v11  }
0x38: {  	v5 =	vadd.f32 v5, v4;
	v4 =	vld [tilespmem:s30+$0x3800]  }
0x39: {  	v21 =	vmax.f32 v6, v7;
	v3 =	vmul.f32 v10, v3  }
0x3a: {  	v24 =	vmax.f32 v9, v12;
	v15 =	vmul.f32 v15, v15;
	v18 =	vmul.f32 v18, v18  }
0x3b: {  	s13 =	sor.u32 s3, s1;
	v16 =	vshra.s32 v5, $0x1;
	v11 =	vshra.s32 v1, $0x1;
	v3 =	vsub.f32 $1.500000000e+00, v3  }
0x3c: {  	v19 =	vld [tilespmem:s13+$0x0];
	v17 =	vmul.f32 $5.000000000e-01, v5;
	v14 =	vmul.f32 $5.000000000e-01, v1;
	v11 =	vsub.s32 $0x5F3759DF, v11  }
0x3d: {  	v20 =	vld [tilespmem:s13+$0x800];
	v22 =	vmax.f32 v8, v2;
	v25 =	vmax.f32 v13, v4;
	v3 =	vmul.f32 v10, v3  }
0x3e: {  	v23 =	vld [tilespmem:s13+$0x1000];
	v14 =	vmul.f32 v11, v14;
	v21 =	vmax.f32 v21, v22;
	v54 =	vmax.f32 v24, v25  }
0x3f: {  	v55 =	vld [tilespmem:s13+$0x2000];
	v16 =	vsub.s32 $0x5F3759DF, v16;
	v21 =	vmax.f32 v21, v54;
	v0 =	vmul.f32 v3, v0  }
0x40: {  	v17 =	vmul.f32 v16, v17;
	v14 =	vmul.f32 v11, v14;
	vm0 =	veq.f32 v4, v21;
	v10 =	vld [tilespmem:s13+$0x1800]  }
0x41: {  	v56 =	vld [tilespmem:s13+$0x2800];
	v58 =	vnsel vm0, $0x0, v0;
	vm0 =	veq.f32 v6, v21;
	v6 =	vimm.s32 $0x0  }
0x42: {  	v57 =	vld [tilespmem:s13+$0x3000];
	v15 =	vadd.f32 v18, v15;
	v3 =	vmul.f32 v16, v17;
	v6 =	vsel vm0, $0xFFFFFFFF, v6  }
0x43: {  	s0 =	sor.u32 s23, s1;
	v59 =	vld [tilespmem:s13+$0x3800];
	v14 =	vsub.f32 $1.500000000e+00, v14;
	[tilespmem:$0x1FFF0] =	vst v6  }
0x44: {  	v27 =	vmul.f32 $5.000000000e-01, v15;
	v4 =	vmax.f32 v19, v20;
	v3 =	vsub.f32 $1.500000000e+00, v3;
	v26 =	vld [tilespmem:s0+$0x0]  }
0x45: {  	vm2 =	veq.f32 v7, v21;
	v11 =	vmul.f32 v11, v14;
	v14 =	vmax.f32 v23, v10;
	v60 =	vld [tilespmem:s0+$0x800]  }
0x46: {  	v6 =	vshra.s32 v15, $0x1;
	v3 =	vmul.f32 v16, v3;
	v14 =	vmax.f32 v4, v14;
	v28 =	vld [tilespmem:s0+$0x1000]  }
0x47: {  	v4 =	vmul.f32 v11, v1;
	v11 =	vmax.f32 v55, v56;
	v6 =	vsub.s32 $0x5F3759DF, v6;
	v29 =	vld [tilespmem:s0+$0x1800]  }
0x48: {  	v30 =	vld [tilespmem:s0+$0x2000];
	v27 =	vmul.f32 v6, v27;
	v1 =	vmul.f32 v3, v5;
	v3 =	vmax.f32 v57, v59  }
0x49: {  	vm3 =	veq.f32 v8, v21;
	vm4 =	veq.f32 v2, v21;
	v61 =	vld [tilespmem:s0+$0x2800];
	v3 =	vmax.f32 v11, v3  }
0x4a: {  	vm1 =	veq.f32 v9, v21;
	v31 =	vld [tilespmem:s0+$0x3000];
	v5 =	vmul.f32 v6, v27;
	v8 =	vmax.f32 v14, v3  }
0x4b: {  	vm5 =	veq.f32 v13, v21;
	v11 =	vld [tilespmem:s0+$0x3800];
	vm0 =	veq.f32 v19, v8;
	vm10 =	veq.f32 v20, v8  }
0x4c: {  	s1 =	sor.u32 s26, s1;
	vm11 =	veq.f32 v23, v8;
	vm12 =	veq.f32 v10, v8;
	v5 =	vsub.f32 $1.500000000e+00, v5  }
0x4d: {  	v3 =	vld [tilespmem:s1+$0x0];
	vm13 =	veq.f32 v55, v8;
	v2 =	vmax.f32 v26, v60;
	v7 =	vmax.f32 v28, v29  }
0x4e: {  	vm8 =	veq.f32 v56, v8;
	v9 =	vmax.f32 v2, v7;
	v7 =	vld [tilespmem:s1+$0x1000];
	v6 =	vmul.f32 v6, v5  }
0x4f: {  	vm7 =	veq.f32 v57, v8;
	vm9 =	veq.f32 v59, v8;
	v10 =	vmax.f32 v30, v61;
	v5 =	vld [tilespmem:s1+$0x800]  }
0x50: {  	[tilespmem:s30+$0x17800] =	vst v58;
	v8 =	vnsel vm0, $0x0, v4;
	v13 =	vmax.f32 v31, v11;
	v2 =	vmul.f32 v6, v15;
	v6 =	vld [tilespmem:s1+$0x1800]  }
0x51: {  	vm6 =	veq.f32 v12, v21;
	v12 =	vnsel vm10, $0x0, v4;
	[tilespmem:s13+$0x14000] =	vst v8;
	v10 =	vmax.f32 v10, v13  }
0x52: {  	s29 =	sshll.u32 s21, $0x2;
	v14 =	vnsel vm11, $0x0, v4;
	[tilespmem:s13+$0x14800] =	vst v12;
	v13 =	vmax.f32 v9, v10  }
0x53: {  	v62 =	vnsel vm13, $0x0, v4;
	v8 =	vld [tilespmem:s1+$0x2000];
	v15 =	vnsel vm12, $0x0, v4;
	[smem:$0x7F6] =	sst s29;
	vm0 =	veq.f32 v26, v13  }
0x54: {  	s2 =	sand.u32 $0x38, s29;
	v9 =	vld [tilespmem:s1+$0x2800];
	[tilespmem:s13+$0x15000] =	vst v14;
	vm15 =	veq.f32 v60, v13;
	vm14 =	veq.f32 v28, v13;
	vm13 =	veq.f32 v29, v13  }
0x55: {  	s31 =	sor.u32 s18, s2;
	v10 =	vld [tilespmem:s1+$0x3000];
	[tilespmem:s13+$0x15800] =	vst v15;
	vm12 =	veq.f32 v30, v13;
	v63 =	vmax.f32 v3, v5;
	v14 =	vmax.f32 v7, v6  }
0x56: {  	s3 =	simm.s32 $0x0;
	s4 =	simm.s32 $0x200;
	s6 =	simm.s32 $0x20;
	v12 =	vld [tilespmem:s1+$0x3800];
	[tilespmem:s13+$0x16000] =	vst v62;
	vm10 =	veq.f32 v61, v13;
	vm11 =	veq.f32 v31, v13;
	v14 =	vmax.f32 v63, v14  }
.LBB2_3:
0x57: {  	v15 =	vnsel vm8, $0x0, v4  }
0x58: {  	vm8 =	veq.f32 v11, v13;
	v13 =	vnsel vm7, $0x0, v4;
	[tilespmem:s13+$0x16800] =	vst v15  }
0x59: {  	s2 =	sand.u32 $0x400, s4;
	s5 =	sand.u32 $0x380, s6;
	s28 =	sadd.s32 $0x40, s28;
	v4 =	vnsel vm9, $0x0, v4;
	[tilespmem:s13+$0x17000] =	vst v13  }
0x5a: {  	s7 =	sand.u32 $0x40, s28;
	s2 =	sor.u32 s5, s2;
	v15 =	vnsel vm0, $0x0, v1;
	[tilespmem:s13+$0x17800] =	vst v4  }
0x5b: {  	v13 =	vnsel vm15, $0x0, v1;
	[tilespmem:s0+$0x14000] =	vst v15;
	s13 =	sor.u32 s7, s2  }
0x5c: {  	v16 =	vnsel vm14, $0x0, v1;
	s5 =	sor.u32 $0x4000, s2;
	s9 =	sor.u32 $0x30, s7;
	[tilespmem:s0+$0x14800] =	vst v13;
	v27 =	vld [tilespmem:s13+$0x0]  }
0x5d: {  	v4 =	vnsel vm13, $0x0, v1;
	s8 =	sor.u32 $0x4800, s2;
	s10 =	sor.u32 $0x10, s7;
	[tilespmem:s0+$0x15000] =	vst v16;
	s11 =	sor.u32 s9, s5;
	v49 =	vld [tilespmem:s13+$0x2000]  }
0x5e: {  	s14 =	sor.u32 $0x20, s7;
	[tilespmem:s0+$0x15800] =	vst v4;
	s16 =	sor.u32 s10, s5;
	s17 =	sor.u32 s10, s8;
	v37 =	vld [tilespmem:s11+$0x0]  }
0x5f: {  	s10 =	sor.u32 s10, s2;
	s29 =	sor.u32 s14, s2;
	s2 =	sor.u32 s9, s2;
	v11 =	vmax.f32 v8, v9;
	v17 =	vmax.f32 v10, v12;
	v4 =	vld [tilespmem:s16+$0x0]  }
0x60: {  	v41 =	vnsel vm4, $0x0, v0;
	v18 =	vnsel vm12, $0x0, v1;
	v13 =	vld [tilespmem:s2+$0x0];
	v11 =	vmax.f32 v11, v17  }
0x61: {  	v19 =	vnsel vm11, $0x0, v1;
	v15 =	vnsel vm10, $0x0, v1;
	s24 =	sor.u32 s9, s8;
	v39 =	vld [tilespmem:s2+$0x800];
	v11 =	vmax.f32 v14, v11  }
0x62: {  	v1 =	vnsel vm8, $0x0, v1;
	[tilespmem:s0+$0x16000] =	vst v18;
	v14 =	vld [tilespmem:s24+$0x0];
	vm0 =	veq.f32 v3, v11;
	vm7 =	veq.f32 v5, v11  }
0x63: {  	s12 =	sor.u32 s7, s5;
	vm9 =	veq.f32 v7, v11;
	vm10 =	veq.f32 v6, v11;
	vm12 =	veq.f32 v9, v11;
	v9 =	vld [tilespmem:s17+$0x0];
	[tilespmem:s0+$0x16800] =	vst v15  }
0x64: {  	s15 =	sor.u32 s7, s8;
	v3 =	vld [tilespmem:s12+$0x0];
	vm11 =	veq.f32 v8, v11;
	vm8 =	veq.f32 v10, v11;
	[tilespmem:s0+$0x17800] =	vst v1;
	v6 =	vnsel vm0, $0x0, v2  }
0x65: {  	v5 =	vld [tilespmem:s15+$0x0];
	vm13 =	veq.f32 v12, v11;
	v7 =	vnsel vm7, $0x0, v2;
	v8 =	vnsel vm9, $0x0, v2;
	[tilespmem:s1+$0x14000] =	vst v6  }
0x66: {  	v40 =	vld [tilespmem:s2+$0x1000];
	v10 =	vnsel vm10, $0x0, v2;
	v11 =	vnsel vm11, $0x0, v2;
	v12 =	vnsel vm12, $0x0, v2;
	[tilespmem:s1+$0x14800] =	vst v7  }
0x67: {  	v20 =	vld [tilespmem:s2+$0x2000];
	v38 =	vnsel vm8, $0x0, v2;
	v1 =	vnsel vm13, $0x0, v2;
	v15 =	vmul.f32 v37, v37;
	[tilespmem:s1+$0x15000] =	vst v8  }
0x68: {  	v2 =	vld [tilespmem:$0x1FFF0];
	v6 =	vnsel vm2, $0x0, v0;
	v4 =	vmul.f32 v4, v4;
	[tilespmem:s1+$0x15800] =	vst v10;
	v14 =	vmul.f32 v14, v14  }
0x69: {  	v24 =	vld [tilespmem:s2+$0x3800];
	v7 =	vnsel vm3, $0x0, v0;
	v10 =	vnsel vm1, $0x0, v0;
	[tilespmem:s1+$0x16000] =	vst v11;
	v11 =	vnsel vm6, $0x0, v0  }
0x6a: {  	s25 =	sor.u32 s14, s5;
	v8 =	vld [tilespmem:s2+$0x2800];
	[tilespmem:s1+$0x16800] =	vst v12;
	v3 =	vmul.f32 v3, v3;
	v5 =	vmul.f32 v5, v5;
	v14 =	vadd.f32 v14, v15  }
0x6b: {  	v12 =	vnsel vm5, $0x0, v0;
	v47 =	vmax.f32 v13, v39;
	v26 =	vld [tilespmem:s25+$0x0];
	v9 =	vmul.f32 v9, v9  }
0x6c: {  	v15 =	vld [tilespmem:s2+$0x1800];
	v3 =	vadd.f32 v5, v3;
	v21 =	vshra.s32 v14, $0x1;
	v22 =	vmul.f32 $5.000000000e-01, v14  }
0x6d: {  	[tilespmem:s1+$0x17000] =	vst v38;
	vm0 =	vnez.u8 v2;
	v42 =	vadd.f32 v9, v4;
	v9 =	vld [tilespmem:s2+$0x3000];
	v5 =	vsub.s32 $0x5F3759DF, v21  }
0x6e: {  	v2 =	vnsel vm0, $0x0, v0;
	[tilespmem:s30+$0x16000] =	vst v10;
	v10 =	vld [tilespmem:s13+$0x2800];
	v43 =	vshra.s32 v3, $0x1;
	v4 =	vmul.f32 v5, v22  }
0x6f: {  	s26 =	sor.u32 s14, s8;
	[tilespmem:s30+$0x14000] =	vst v2;
	v2 =	vld [tilespmem:s13+$0x800];
	v23 =	vmul.f32 $5.000000000e-01, v3;
	v0 =	vshra.s32 v42, $0x1;
	v25 =	vmul.f32 $5.000000000e-01, v42  }
0x70: {  	[tilespmem:s30+$0x15000] =	vst v7;
	v44 =	vsub.s32 $0x5F3759DF, v43;
	v45 =	vsub.s32 $0x5F3759DF, v0;
	v0 =	vld [tilespmem:s26+$0x0];
	v4 =	vmul.f32 v5, v4  }
0x71: {  	v29 =	vmax.f32 v20, v8;
	v7 =	vmul.f32 v26, v26;
	[tilespmem:s1+$0x17800] =	vst v1;
	v1 =	vmul.f32 v44, v23  }
0x72: {  	v46 =	vmul.f32 v45, v25;
	v28 =	vmax.f32 v40, v15;
	v4 =	vsub.f32 $1.500000000e+00, v4  }
0x73: {  	v30 =	vmax.f32 v9, v24;
	v25 =	vmax.f32 v47, v28;
	v55 =	vmax.f32 v49, v10  }
0x74: {  	[tilespmem:s30+$0x14800] =	vst v6;
	v48 =	vmax.f32 v29, v30;
	v1 =	vmul.f32 v44, v1;
	v4 =	vmul.f32 v5, v4  }
0x75: {  	v6 =	vld [tilespmem:s13+$0x1000];
	[tilespmem:s30+$0x16800] =	vst v11;
	v11 =	vmax.f32 v27, v2;
	v25 =	vmax.f32 v25, v48;
	v50 =	vmul.f32 v0, v0  }
0x76: {  	vm0 =	veq.f32 v24, v25;
	v1 =	vsub.f32 $1.500000000e+00, v1;
	v5 =	vld [tilespmem:s13+$0x1800];
	v0 =	vmul.f32 v4, v14  }
0x77: {  	[tilespmem:s30+$0x17000] =	vst v12;
	v12 =	vld [tilespmem:s13+$0x3800];
	vm2 =	veq.f32 v39, v25;
	vm3 =	veq.f32 v40, v25;
	v51 =	vadd.f32 v50, v7  }
0x78: {  	[tilespmem:s0+$0x17000] =	vst v19;
	s0 =	smov.u32 s10;
	v14 =	vld [tilespmem:s13+$0x3000];
	v7 =	vnsel vm0, $0x0, v0;
	vm0 =	veq.f32 v13, v25;
	v13 =	vimm.s32 $0x0  }
0x79: {  	v52 =	vld [tilespmem:s0+$0x0];
	[tilespmem:s30+$0x15800] =	vst v41;
	vm4 =	veq.f32 v15, v25;
	v4 =	vmul.f32 v45, v46;
	v13 =	vsel vm0, $0xFFFFFFFF, v13  }
0x7a: {  	v54 =	vld [tilespmem:s0+$0x800];
	s30 =	smov.u32 s2;
	v1 =	vmul.f32 v44, v1;
	v53 =	vmul.f32 $5.000000000e-01, v51;
	[tilespmem:$0x1FFF0] =	vst v13;
	v13 =	vshra.s32 v51, $0x1  }
0x7b: {  	v56 =	vld [tilespmem:s0+$0x1000];
	v4 =	vsub.f32 $1.500000000e+00, v4;
	[tilespmem:s30+$0x17800] =	vst v7;
	v7 =	vmax.f32 v6, v5;
	v13 =	vsub.s32 $0x5F3759DF, v13  }
0x7c: {  	v57 =	vld [tilespmem:s0+$0x1800];
	vm1 =	veq.f32 v20, v25;
	v7 =	vmax.f32 v11, v7;
	v11 =	vmul.f32 v13, v53  }
0x7d: {  	v58 =	vld [tilespmem:s0+$0x2000];
	v22 =	vmul.f32 v45, v4;
	v4 =	vmul.f32 v1, v3;
	v3 =	vmax.f32 v14, v12  }
0x7e: {  	v59 =	vld [tilespmem:s0+$0x2800];
	vm6 =	veq.f32 v8, v25;
	v3 =	vmax.f32 v55, v3;
	v11 =	vmul.f32 v13, v11  }
0x7f: {  	v60 =	vld [tilespmem:s0+$0x3000];
	vm5 =	veq.f32 v9, v25;
	v1 =	vmul.f32 v22, v42;
	v15 =	vmax.f32 v7, v3  }
0x80: {  	s1 =	smov.u32 s29;
	v7 =	vmax.f32 v52, v54;
	vm0 =	veq.f32 v27, v15;
	v61 =	vsub.f32 $1.500000000e+00, v11;
	v11 =	vld [tilespmem:s0+$0x3800]  }
0x81: {  	v3 =	vld [tilespmem:s1+$0x0];
	vm10 =	veq.f32 v2, v15;
	vm11 =	veq.f32 v6, v15;
	vm12 =	veq.f32 v5, v15  }
0x82: {  	v2 =	vmax.f32 v56, v57;
	vm13 =	veq.f32 v49, v15;
	v5 =	vld [tilespmem:s1+$0x800];
	v6 =	vmul.f32 v13, v61  }
0x83: {  	vm8 =	veq.f32 v10, v15;
	vm7 =	veq.f32 v14, v15;
	v10 =	vmax.f32 v7, v2;
	v7 =	vld [tilespmem:s1+$0x1000]  }
0x84: {  	s3 =	sadd.s32 $0x4, s3;
	vm9 =	veq.f32 v12, v15;
	v9 =	vnsel vm0, $0x0, v4;
	v2 =	vmul.f32 v6, v51;
	v6 =	vld [tilespmem:s1+$0x1800]  }
0x85: {  	p1 =	slt.u32 s3, $0x7C;
	v12 =	vnsel vm10, $0x0, v4;
	v13 =	vmax.f32 v58, v59;
	v14 =	vmax.f32 v60, v11  }
.Ltmp2:
0x86: {  	v15 =	vnsel vm11, $0x0, v4;
	v62 =	vnsel vm12, $0x0, v4;
	[tilespmem:s13+$0x14000] =	vst v9;
	v13 =	vmax.f32 v13, v14;
	(pc) =	sbr.rel @p1 .LBB2_3-.Ltmp2, $4  }
0x87: {  	v8 =	vld [tilespmem:s1+$0x2000];
	[tilespmem:s13+$0x14800] =	vst v12;
	v63 =	vmax.f32 v3, v5;
	v14 =	vnsel vm13, $0x0, v4;
	v13 =	vmax.f32 v10, v13  }
0x88: {  	v9 =	vld [tilespmem:s1+$0x2800];
	[tilespmem:s13+$0x15000] =	vst v15;
	vm0 =	veq.f32 v52, v13;
	vm15 =	veq.f32 v54, v13;
	vm14 =	veq.f32 v56, v13  }
0x89: {  	v12 =	vld [tilespmem:s1+$0x3800];
	[tilespmem:s13+$0x15800] =	vst v62;
	vm13 =	veq.f32 v57, v13;
	vm12 =	veq.f32 v58, v13;
	v15 =	vmax.f32 v7, v6  }
0x8a: {  	s4 =	sadd.s32 $0x200, s4;
	s6 =	sadd.s32 $0x20, s6;
	v10 =	vld [tilespmem:s1+$0x3000];
	[tilespmem:s13+$0x16000] =	vst v14;
	vm10 =	veq.f32 v59, v13;
	vm11 =	veq.f32 v60, v13;
	v14 =	vmax.f32 v63, v15  }
0x8b: {  	v15 =	vnsel vm8, $0x0, v4  }
0x8c: {  	v16 =	vnsel vm7, $0x0, v4;
	[tilespmem:s13+$0x16800] =	vst v15  }
0x8d: {  	v39 =	vnsel vm9, $0x0, v4;
	[tilespmem:s13+$0x17000] =	vst v16  }
0x8e: {  	v40 =	vnsel vm0, $0x0, v1;
	[tilespmem:s13+$0x17800] =	vst v39  }
0x8f: {  	v41 =	vnsel vm15, $0x0, v1;
	[tilespmem:s0+$0x14000] =	vst v40  }
0x90: {  	v42 =	vnsel vm14, $0x0, v1;
	[tilespmem:s0+$0x14800] =	vst v41  }
0x91: {  	v43 =	vnsel vm13, $0x0, v1;
	[tilespmem:s0+$0x15000] =	vst v42  }
0x92: {  	v44 =	vnsel vm12, $0x0, v1;
	[tilespmem:s0+$0x15800] =	vst v43;
	v45 =	vmax.f32 v8, v9;
	v17 =	vmax.f32 v10, v12  }
0x93: {  	v46 =	vnsel vm10, $0x0, v1;
	[tilespmem:s0+$0x16000] =	vst v44;
	v16 =	vmax.f32 v45, v17  }
0x94: {  	v47 =	vnsel vm11, $0x0, v1;
	vm15 =	veq.f32 v11, v13;
	[tilespmem:s0+$0x16800] =	vst v46;
	v48 =	vmax.f32 v14, v16  }
0x95: {  	v49 =	vnsel vm15, $0x0, v1;
	[tilespmem:s0+$0x17000] =	vst v47;
	vm7 =	veq.f32 v3, v48  }
0x96: {  	[tilespmem:s0+$0x17800] =	vst v49;
	vm8 =	veq.f32 v5, v48;
	v3 =	vnsel vm7, $0x0, v2  }
0x97: {  	vm9 =	veq.f32 v7, v48;
	v50 =	vnsel vm8, $0x0, v2;
	[tilespmem:s1+$0x14000] =	vst v3  }
0x98: {  	vm10 =	veq.f32 v6, v48;
	v51 =	vnsel vm9, $0x0, v2;
	[tilespmem:s1+$0x14800] =	vst v50  }
0x99: {  	vm11 =	veq.f32 v8, v48;
	v52 =	vnsel vm10, $0x0, v2;
	[tilespmem:s1+$0x15000] =	vst v51  }
0x9a: {  	vm12 =	veq.f32 v9, v48;
	v53 =	vnsel vm11, $0x0, v2;
	[tilespmem:s1+$0x15800] =	vst v52  }
0x9b: {  	vm13 =	veq.f32 v10, v48;
	v54 =	vnsel vm12, $0x0, v2;
	[tilespmem:s1+$0x16000] =	vst v53  }
0x9c: {  	v55 =	vnsel vm13, $0x0, v2;
	[tilespmem:s1+$0x16800] =	vst v54  }
0x9d: {  	vm14 =	veq.f32 v12, v48;
	[tilespmem:s1+$0x17000] =	vst v55  }
0x9e: {  	v56 =	vnsel vm14, $0x0, v2;
	v57 =	vld [tilespmem:$0x1FFF0]  }
0x9f: {  	v58 =	vnsel vm2, $0x0, v0;
	[tilespmem:s1+$0x17800] =	vst v56  }
0xa0: {  	v59 =	vnsel vm3, $0x0, v0;
	[tilespmem:s30+$0x14800] =	vst v58  }
0xa1: {  	v60 =	vnsel vm4, $0x0, v0;
	[tilespmem:s30+$0x15000] =	vst v59  }
0xa2: {  	v61 =	vnsel vm1, $0x0, v0;
	[tilespmem:s30+$0x15800] =	vst v60  }
0xa3: {  	v62 =	vnsel vm6, $0x0, v0;
	[tilespmem:s30+$0x16000] =	vst v61;
	vm15 =	vnez.u8 v57  }
0xa4: {  	s26 =	sshll.u32 s21, $0xA;
	[tilespmem:s30+$0x16800] =	vst v62;
	v2 =	vnsel vm15, $0x0, v0  }
0xa5: {  	s29 =	rddreg [dreg:$0x1];
	p1 =	sne.s32 s21, $0xF;
	s2 =	sand.u32 $0x400, s26;
	[tilespmem:s30+$0x14000] =	vst v2  }
.Ltmp3:
0xa6: {  	v63 =	vnsel vm5, $0x0, v0;
	[smem:$0x7F3] =	sst s2;
	(pc) =	sbr.rel @p1 .LBB2_6-.Ltmp3, $4  }
0xa7: {  	s28 =	sshll.u32 s31, $0x8;
	s0 =	sadd.s32 s29, s2;
	[tilespmem:s30+$0x17000] =	vst v63  }
0xa8: {  	s31 =	simm.s32 $0x14000;
	s0 =	sadd.s32 s28, s0;
	[smem:$0x7F4] =	sst s28  }
0xa9: {  	[hbm4b:s0+s19] =	stream.strided.scatter [tilespmem:s31], [sflag:$0x5], $0x4000, s20, s19, $0x38;
	[tilespmem:$0x1C000] =	vst v63  }
0xaa: {  	[smem:$0x7F5] =	sst s21  }
.Ltmp4:
0xab: {  	(pc) =	sbr.rel .LBB2_7-.Ltmp4, $4  }
0xac: {  	s0 =	simm.s32 $0x2  }
0xad: {  	_ =	swait.ge [sflag:s0], $0x5000  }
0xae: {  	[sflag:s0] =	ssyncset.done $0x0  }
0xaf: {  	[sflag:s0] =	ssyncadd.s32 $0xFFFFB000  }
.LBB2_6:
0xb0: {  	s0 =	sld [smem:$0x7F6];
	_ =	sdelay $0x2  }
0xb1: {  	s0 =	sadd.s32 $0x4, s0  }
0xb2: {  	s1 =	sand.u32 $0x78, s0  }
0xb3: {  	s0 =	sand.u32 $0x4, s0;
	s1 =	sadd.s32 s18, s1  }
0xb4: {  	s0 =	sor.u32 s0, s1  }
0xb5: {  	s0 =	sshll.u32 s0, $0x8  }
0xb6: {  	s29 =	rddreg [dreg:$0x0];
	s30 =	simm.s32 $0x0;
	s0 =	sand.u32 $0xFFC00, s0  }
.Ltmp5:
0xb7: {  	s31 =	simm.s32 $0x2;
	s0 =	sadd.s32 s29, s0;
	(pc) =	sbr.rel @p0 .LBB2_8-.Ltmp5, $4  }
0xb8: {  	[tilespmem:s30], [sflag:$0x1] =	stream.strided.gather [hbm4b:s0+s19], $0x5000, s20, s19, $0x38;
	[tilespmem:$0x1C000] =	vst v63  }
0xb9: {  	_ =	swait.ge [sflag:s31], $0x5000  }
0xba: {  	[sflag:s31] =	ssyncset.done $0x0  }
0xbb: {  	[sflag:s31] =	ssyncadd.s32 $0xFFFFB000  }
.LBB2_7:
0xbc: {  	s0 =	simm.s32 $0x6  }
0xbd: {  	_ =	swait.ge [sflag:s0], $0x4000  }
0xbe: {  	[sflag:s0] =	ssyncset.done $0x0  }
0xbf: {  	[sflag:s0] =	ssyncadd.s32 $0xFFFFC000  }
.LBB2_8:
0xc0: {  	s31 =	simm.s32 $0x0  }
0xc1: {  	s0 =	sand.u32 $0x400, s31;
	s1 =	sand.u32 $0x380, s31;
	s2 =	sand.u32 $0x40, s31  }
0xc2: {  	s5 =	sor.u32 s1, s0;
	s6 =	sor.u32 $0x30, s2  }
0xc3: {  	s30 =	sor.u32 s6, s5  }
0xc4: {  	v6 =	vld [tilespmem:s30+$0x5000]  }
0xc5: {  	s0 =	sor.u32 $0x9000, s5;
	v8 =	vld [tilespmem:s30+$0x5800]  }
0xc6: {  	s1 =	sor.u32 $0x9800, s5;
	s3 =	sor.u32 s6, s0;
	v9 =	vld [tilespmem:s30+$0x6000]  }
0xc7: {  	s11 =	sor.u32 s6, s1;
	v0 =	vld [tilespmem:s3+$0x0]  }
0xc8: {  	s12 =	sor.u32 $0x10, s2;
	s4 =	sor.u32 s2, s0;
	v1 =	vld [tilespmem:s11+$0x0]  }
0xc9: {  	s14 =	sor.u32 s12, s0;
	v2 =	vld [tilespmem:s4+$0x0]  }
0xca: {  	s15 =	sor.u32 s12, s1;
	v4 =	vld [tilespmem:s14+$0x0]  }
0xcb: {  	s7 =	sor.u32 s2, s1;
	v5 =	vld [tilespmem:s15+$0x0]  }
0xcc: {  	v3 =	vld [tilespmem:s7+$0x0]  }
0xcd: {  	v10 =	vld [tilespmem:s30+$0x6800]  }
0xce: {  	s16 =	sor.u32 $0x8000, s5;
	v11 =	vld [tilespmem:s30+$0x7000];
	v0 =	vmul.f32 v0, v0;
	v1 =	vmul.f32 v1, v1  }
0xcf: {  	s17 =	sor.u32 $0x20, s2;
	v12 =	vld [tilespmem:s30+$0x7800];
	s9 =	sor.u32 s6, s16  }
0xd0: {  	s0 =	sor.u32 s17, s0;
	v14 =	vld [tilespmem:s9+$0x0];
	v4 =	vmul.f32 v4, v4;
	v5 =	vmul.f32 v5, v5;
	v0 =	vadd.f32 v1, v0  }
0xd1: {  	s8 =	sor.u32 $0x8800, s5;
	s19 =	sor.u32 s2, s16;
	v15 =	vld [tilespmem:s0+$0x0];
	v1 =	vmul.f32 v2, v2;
	v2 =	vmul.f32 v3, v3  }
0xd2: {  	s20 =	sor.u32 s2, s8;
	v19 =	vld [tilespmem:s19+$0x0];
	v5 =	vadd.f32 v5, v4;
	v3 =	vshra.s32 v0, $0x1;
	v7 =	vmul.f32 $5.000000000e-01, v0  }
0xd3: {  	s18 =	sor.u32 s6, s8;
	v21 =	vld [tilespmem:s20+$0x0];
	v22 =	vmax.f32 v6, v8;
	v13 =	vadd.f32 v2, v1;
	v3 =	vsub.s32 $0x5F3759DF, v3  }
0xd4: {  	s0 =	sor.u32 s12, s5;
	v16 =	vshra.s32 v5, $0x1;
	v17 =	vmul.f32 $5.000000000e-01, v5;
	v1 =	vmul.f32 v3, v7;
	v7 =	vld [tilespmem:s18+$0x0]  }
0xd5: {  	s1 =	sor.u32 s17, s1;
	v32 =	vld [tilespmem:s0+$0x5000];
	v16 =	vsub.s32 $0x5F3759DF, v16;
	v2 =	vshra.s32 v13, $0x1;
	v4 =	vmul.f32 $5.000000000e-01, v13  }
0xd6: {  	s21 =	sor.u32 s12, s16;
	v17 =	vmul.f32 v16, v17;
	v18 =	vsub.s32 $0x5F3759DF, v2;
	v2 =	vld [tilespmem:s1+$0x0];
	v1 =	vmul.f32 v3, v1  }
0xd7: {  	v23 =	vmax.f32 v9, v10;
	v24 =	vmax.f32 v11, v12;
	s1 =	sor.u32 s2, s5;
	v20 =	vmul.f32 v18, v4;
	v4 =	vld [tilespmem:s21+$0x0]  }
0xd8: {  	v15 =	vmul.f32 v15, v15;
	v17 =	vmul.f32 v16, v17;
	v62 =	vld [tilespmem:s1+$0x5800];
	v1 =	vsub.f32 $1.500000000e+00, v1  }
0xd9: {  	v22 =	vmax.f32 v22, v23;
	v61 =	vmax.f32 v19, v21;
	v29 =	vld [tilespmem:s1+$0x6800];
	v25 =	vmax.f32 v14, v7  }
0xda: {  	v30 =	vld [tilespmem:s1+$0x7000];
	v17 =	vsub.f32 $1.500000000e+00, v17;
	v26 =	vmul.f32 v3, v1;
	v23 =	vmax.f32 v24, v25  }
0xdb: {  	s22 =	sor.u32 s12, s8;
	v31 =	vld [tilespmem:s1+$0x7800];
	v20 =	vmul.f32 v18, v20;
	v60 =	vmul.f32 v2, v2;
	v22 =	vmax.f32 v22, v23  }
0xdc: {  	s23 =	sor.u32 s17, s16;
	v3 =	vld [tilespmem:s22+$0x0];
	v16 =	vmul.f32 v16, v17;
	v0 =	vmul.f32 v26, v0;
	vm0 =	veq.f32 v7, v22  }
0xdd: {  	s24 =	sor.u32 s17, s8;
	v1 =	vld [tilespmem:s23+$0x0];
	v24 =	vadd.f32 v60, v15;
	v7 =	vsub.f32 $1.500000000e+00, v20;
	vm1 =	veq.f32 v6, v22  }
0xde: {  	v2 =	vld [tilespmem:s24+$0x0];
	vm2 =	veq.f32 v8, v22;
	vm3 =	veq.f32 v9, v22;
	vm4 =	veq.f32 v10, v22  }
0xdf: {  	v23 =	vld [tilespmem:s1+$0x5000];
	vm5 =	veq.f32 v11, v22;
	vm6 =	veq.f32 v12, v22;
	v15 =	vnsel vm0, $0x0, v0  }
0xe0: {  	v20 =	vld [tilespmem:s1+$0x6000];
	v6 =	vshra.s32 v24, $0x1;
	v28 =	vmul.f32 $5.000000000e-01, v24;
	v18 =	vmul.f32 v18, v7  }
0xe1: {  	v63 =	vld [tilespmem:s0+$0x5800];
	vm0 =	veq.f32 v14, v22;
	v11 =	vnsel vm1, $0x0, v0;
	v17 =	vsub.s32 $0x5F3759DF, v6  }
0xe2: {  	v12 =	vld [tilespmem:s0+$0x6800];
	v14 =	vmax.f32 v30, v31;
	v27 =	vmax.f32 v4, v3;
	v28 =	vmul.f32 v17, v28  }
0xe3: {  	s25 =	sor.u32 $0x18000, s5;
	v22 =	vld [tilespmem:s0+$0x6000];
	v7 =	vmax.f32 v1, v2;
	v6 =	vmul.f32 v16, v5;
	v8 =	vmul.f32 v18, v13  }
0xe4: {  	s26 =	sor.u32 s6, s25;
	[tilespmem:s30+$0x1B800] =	vst v15;
	v5 =	vmax.f32 v23, v62;
	v13 =	vnsel vm3, $0x0, v0;
	v9 =	vmul.f32 v17, v28  }
0xe5: {  	s11 =	sor.u32 $0x18800, s5;
	v15 =	vld [tilespmem:s0+$0x7000];
	[tilespmem:s26+$0x0] =	vst v11;
	v11 =	vmax.f32 v14, v61;
	v14 =	vnsel vm5, $0x0, v0;
	v10 =	vmax.f32 v20, v29  }
0xe6: {  	s28 =	sor.u32 s6, s11;
	v16 =	vld [tilespmem:s0+$0x7800];
	v5 =	vmax.f32 v5, v10;
	v10 =	vnsel vm2, $0x0, v0;
	v9 =	vsub.f32 $1.500000000e+00, v9  }
0xe7: {  	s13 =	sor.u32 s17, s5;
	v18 =	vnsel vm6, $0x0, v0;
	[tilespmem:s28+$0x0] =	vst v10;
	v25 =	vmax.f32 v5, v11;
	v11 =	vmax.f32 v32, v63  }
0xe8: {  	v10 =	vld [tilespmem:s13+$0x5800];
	[tilespmem:s30+$0x19000] =	vst v13;
	v13 =	vmax.f32 v22, v12;
	v9 =	vmul.f32 v17, v9;
	v17 =	vnsel vm4, $0x0, v0  }
0xe9: {  	vm1 =	veq.f32 v23, v25;
	vm6 =	veq.f32 v62, v25;
	[tilespmem:s30+$0x19800] =	vst v17;
	v17 =	vmax.f32 v11, v13;
	v11 =	vld [tilespmem:s13+$0x6000]  }
0xea: {  	vm7 =	veq.f32 v20, v25;
	vm8 =	veq.f32 v29, v25;
	[tilespmem:s30+$0x1A000] =	vst v14;
	v5 =	vmul.f32 v9, v24;
	v9 =	vld [tilespmem:s13+$0x5000]  }
0xeb: {  	s29 =	sor.u32 s2, s25;
	vm5 =	veq.f32 v30, v25;
	[tilespmem:s30+$0x1A800] =	vst v18;
	v18 =	vmax.f32 v15, v16;
	v14 =	vnsel vm1, $0x0, v8;
	v13 =	vld [tilespmem:s13+$0x6800]  }
0xec: {  	vm2 =	veq.f32 v31, v25;
	vm3 =	veq.f32 v19, v25;
	v18 =	vmax.f32 v18, v27;
	[tilespmem:s29+$0x0] =	vst v14;
	v14 =	vld [tilespmem:s13+$0x7000]  }
0xed: {  	s10 =	sor.u32 s12, s25;
	s2 =	sor.u32 s2, s11;
	v19 =	vnsel vm6, $0x0, v8;
	v20 =	vnsel vm8, $0x0, v8;
	v18 =	vmax.f32 v17, v18;
	v17 =	vld [tilespmem:s13+$0x7800]  }
0xee: {  	s9 =	simm.s32 $0x0;
	s7 =	sor.u32 s17, s25;
	s3 =	simm.s32 $0x200;
	vm4 =	veq.f32 v21, v25;
	v21 =	vnsel vm7, $0x0, v8;
	[tilespmem:s2+$0x0] =	vst v19;
	vm11 =	veq.f32 v32, v18  }
0xef: {  	s4 =	simm.s32 $0x20;
	s8 =	sor.u32 s12, s11;
	s6 =	sor.u32 s17, s11;
	[tilespmem:s1+$0x19000] =	vst v21;
	vm6 =	veq.f32 v63, v18;
	vm1 =	veq.f32 v22, v18;
	v19 =	vmax.f32 v9, v10  }
.LBB2_9:
0xf0: {  	s2 =	sand.u32 $0x400, s3;
	s5 =	sand.u32 $0x380, s4;
	[tilespmem:s1+$0x19800] =	vst v20;
	vm7 =	veq.f32 v12, v18;
	vm8 =	veq.f32 v15, v18;
	v12 =	vmax.f32 v11, v13;
	s31 =	sadd.s32 $0x40, s31  }
0xf1: {  	s9 =	sadd.s32 $0x4, s9;
	vm9 =	veq.f32 v16, v18;
	vm10 =	veq.f32 v4, v18;
	s14 =	sand.u32 $0x40, s31;
	s18 =	sor.u32 s5, s2;
	v4 =	vmax.f32 v19, v12  }
0xf2: {  	p0 =	slt.u32 s9, $0x7C;
	v12 =	vnsel vm5, $0x0, v8;
	vm5 =	veq.f32 v3, v18;
	s2 =	sor.u32 $0x9000, s18;
	s16 =	sor.u32 $0x30, s14;
	v3 =	vmax.f32 v14, v17  }
0xf3: {  	v15 =	vnsel vm3, $0x0, v8;
	s5 =	sor.u32 $0x9800, s18;
	s15 =	sor.u32 $0x10, s14;
	s11 =	sor.u32 s16, s2;
	[tilespmem:s1+$0x1A000] =	vst v12;
	v12 =	vnsel vm2, $0x0, v8;
	v3 =	vmax.f32 v3, v7  }
0xf4: {  	s19 =	sor.u32 $0x20, s14;
	s12 =	sor.u32 s14, s2;
	v8 =	vnsel vm4, $0x0, v8;
	v7 =	vld [tilespmem:s11+$0x0];
	s11 =	sor.u32 s16, s5;
	[tilespmem:s1+$0x1A800] =	vst v12;
	v12 =	vnsel vm11, $0x0, v6;
	v3 =	vmax.f32 v4, v3  }
0xf5: {  	s17 =	sor.u32 s14, s5;
	s21 =	sor.u32 s15, s2;
	s23 =	sor.u32 s15, s5;
	v4 =	vld [tilespmem:s11+$0x0];
	[tilespmem:s1+$0x1B000] =	vst v15;
	vm15 =	veq.f32 v9, v3;
	vm12 =	veq.f32 v10, v3;
	vm13 =	veq.f32 v11, v3  }
0xf6: {  	s22 =	sor.u32 s19, s2;
	s20 =	sor.u32 s19, s5;
	vm14 =	veq.f32 v13, v3;
	vm4 =	veq.f32 v14, v3;
	vm11 =	veq.f32 v17, v3;
	v9 =	vld [tilespmem:s12+$0x0];
	[tilespmem:s1+$0x1B800] =	vst v8;
	s1 =	sor.u32 s14, s18  }
0xf7: {  	s25 =	sor.u32 s15, s18;
	s11 =	sor.u32 $0x18000, s18;
	v10 =	vnsel vm6, $0x0, v6;
	vm3 =	veq.f32 v1, v3;
	vm2 =	veq.f32 v2, v3;
	v8 =	vld [tilespmem:s17+$0x0];
	s17 =	sor.u32 s19, s18;
	[tilespmem:s10+$0x0] =	vst v12  }
0xf8: {  	s26 =	sor.u32 $0x18800, s18;
	v2 =	vnsel vm1, $0x0, v6;
	v3 =	vnsel vm7, $0x0, v6;
	s2 =	sor.u32 s14, s11;
	s10 =	sor.u32 s15, s11;
	v1 =	vld [tilespmem:s21+$0x0];
	[tilespmem:s8+$0x0] =	vst v10;
	v10 =	vnsel vm8, $0x0, v6  }
0xf9: {  	s5 =	sor.u32 s14, s26;
	v12 =	vnsel vm10, $0x0, v6;
	s8 =	sor.u32 s15, s26;
	s21 =	sor.u32 s16, s18;
	v11 =	vld [tilespmem:s23+$0x0];
	[tilespmem:s0+$0x19000] =	vst v2;
	v2 =	vnsel vm9, $0x0, v6;
	v6 =	vnsel vm5, $0x0, v6  }
0xfa: {  	s24 =	sor.u32 s19, s26;
	s12 =	sor.u32 s16, s11;
	s23 =	sor.u32 s19, s11;
	v7 =	vmul.f32 v7, v7;
	v13 =	vld [tilespmem:s21+$0x5000];
	v4 =	vmul.f32 v4, v4;
	[tilespmem:s0+$0x19800] =	vst v3;
	v3 =	vnsel vm15, $0x0, v5  }
0xfb: {  	v15 =	vnsel vm13, $0x0, v5;
	s11 =	sor.u32 s16, s26;
	v9 =	vmul.f32 v9, v9;
	v14 =	vld [tilespmem:s21+$0x5800];
	[tilespmem:s0+$0x1A000] =	vst v10;
	v10 =	vnsel vm12, $0x0, v5  }
0xfc: {  	v8 =	vmul.f32 v8, v8;
	v16 =	vld [tilespmem:s21+$0x6000];
	v7 =	vadd.f32 v4, v7;
	[tilespmem:s0+$0x1A800] =	vst v2;
	v2 =	vnsel vm14, $0x0, v5  }
0xfd: {  	v4 =	vnsel vm4, $0x0, v5;
	v1 =	vmul.f32 v1, v1;
	v17 =	vld [tilespmem:s21+$0x6800];
	[tilespmem:s0+$0x1B000] =	vst v12;
	v12 =	vnsel vm11, $0x0, v5  }
0xfe: {  	s26 =	sor.u32 $0x8000, s18;
	v11 =	vmul.f32 v11, v11;
	v18 =	vld [tilespmem:s21+$0x7000];
	v19 =	vshra.s32 v7, $0x1;
	v20 =	vmul.f32 $5.000000000e-01, v7;
	[tilespmem:s0+$0x1B800] =	vst v6;
	s0 =	smov.u32 s25  }
0xff: {  	s18 =	sor.u32 $0x8800, s18;
	s28 =	sor.u32 s16, s26;
	s25 =	sor.u32 s14, s26;
	v6 =	vadd.f32 v8, v9;
	v9 =	vld [tilespmem:s21+$0x7800];
	v8 =	vsub.s32 $0x5F3759DF, v19;
	[tilespmem:s7+$0x0] =	vst v3;
	v3 =	vnsel vm3, $0x0, v5  }
0x100: {  	s29 =	sor.u32 s15, s26;
	s14 =	sor.u32 s14, s18;
	s7 =	sor.u32 s16, s18;
	v5 =	vnsel vm2, $0x0, v5;
	v11 =	vadd.f32 v11, v1;
	v19 =	vld [tilespmem:s28+$0x0];
	v1 =	vmul.f32 v8, v20;
	[tilespmem:s6+$0x0] =	vst v10  }
0x101: {  	v0 =	vnsel vm0, $0x0, v0;
	s15 =	sor.u32 s15, s18;
	s16 =	sor.u32 s19, s26;
	s18 =	sor.u32 s19, s18;
	v10 =	vshra.s32 v6, $0x1;
	v20 =	vmul.f32 $5.000000000e-01, v6;
	v21 =	vld [tilespmem:s7+$0x0];
	[tilespmem:s13+$0x19000] =	vst v15  }
0x102: {  	s6 =	smov.u32 s24;
	s7 =	smov.u32 s23;
	v15 =	vshra.s32 v11, $0x1;
	v22 =	vmul.f32 $5.000000000e-01, v11;
	v23 =	vld [tilespmem:s22+$0x0];
	v1 =	vmul.f32 v8, v1;
	[tilespmem:s13+$0x19800] =	vst v2  }
0x103: {  	v10 =	vsub.s32 $0x5F3759DF, v10;
	v15 =	vsub.s32 $0x5F3759DF, v15;
	v2 =	vld [tilespmem:s20+$0x0];
	[tilespmem:s13+$0x1A000] =	vst v4  }
0x104: {  	v20 =	vmul.f32 v10, v20;
	v24 =	vld [tilespmem:s25+$0x0];
	v22 =	vmul.f32 v15, v22;
	v1 =	vsub.f32 $1.500000000e+00, v1;
	[tilespmem:s13+$0x1A800] =	vst v12  }
0x105: {  	v26 =	vmax.f32 v16, v17;
	v12 =	vmax.f32 v13, v14;
	v25 =	vld [tilespmem:s14+$0x0];
	[tilespmem:s13+$0x1B000] =	vst v3  }
0x106: {  	v27 =	vmax.f32 v18, v9;
	v4 =	vld [tilespmem:s29+$0x0];
	v28 =	vmax.f32 v19, v21;
	v8 =	vmul.f32 v8, v1;
	[tilespmem:s13+$0x1B800] =	vst v5;
	s13 =	smov.u32 s17  }
0x107: {  	v12 =	vmax.f32 v12, v26;
	v3 =	vld [tilespmem:s15+$0x0];
	v5 =	vmul.f32 v23, v23;
	v23 =	vmax.f32 v27, v28;
	[tilespmem:s30+$0x1B000] =	vst v0;
	s30 =	smov.u32 s21  }
0x108: {  	v1 =	vld [tilespmem:s16+$0x0];
	v26 =	vmul.f32 v2, v2;
	v12 =	vmax.f32 v12, v23;
	v0 =	vmul.f32 v8, v7  }
0x109: {  	v7 =	vmul.f32 v10, v20;
	v8 =	vmul.f32 v15, v22;
	v2 =	vld [tilespmem:s18+$0x0];
	vm0 =	veq.f32 v21, v12  }
0x10a: {  	v20 =	vld [tilespmem:s1+$0x5000];
	v21 =	vmax.f32 v24, v25;
	v5 =	vadd.f32 v26, v5;
	v22 =	vnsel vm0, $0x0, v0  }
0x10b: {  	vm1 =	veq.f32 v13, v12;
	v7 =	vsub.f32 $1.500000000e+00, v7;
	v8 =	vsub.f32 $1.500000000e+00, v8;
	v23 =	vld [tilespmem:s1+$0x5800];
	[tilespmem:s30+$0x1B800] =	vst v22  }
0x10c: {  	v13 =	vld [tilespmem:s1+$0x6000];
	v22 =	vmax.f32 v4, v3;
	v26 =	vshra.s32 v5, $0x1;
	v27 =	vmul.f32 $5.000000000e-01, v5  }
0x10d: {  	v10 =	vmul.f32 v10, v7;
	v15 =	vmul.f32 v15, v8;
	v28 =	vld [tilespmem:s1+$0x6800];
	v26 =	vsub.s32 $0x5F3759DF, v26  }
0x10e: {  	vm2 =	veq.f32 v14, v12;
	v29 =	vld [tilespmem:s1+$0x7000];
	v7 =	vmax.f32 v1, v2;
	v27 =	vmul.f32 v26, v27  }
0x10f: {  	vm3 =	veq.f32 v16, v12;
	v8 =	vmul.f32 v10, v6;
	v6 =	vmul.f32 v15, v11;
	v14 =	vld [tilespmem:s1+$0x7800]  }
0x110: {  	vm4 =	veq.f32 v17, v12;
	v10 =	vmax.f32 v20, v23;
	v30 =	vld [tilespmem:s0+$0x5000];
	v11 =	vmul.f32 v26, v27  }
0x111: {  	vm5 =	veq.f32 v18, v12;
	vm6 =	veq.f32 v9, v12;
	vm0 =	veq.f32 v19, v12;
	v27 =	vld [tilespmem:s0+$0x5800]  }
0x112: {  	v15 =	vnsel vm1, $0x0, v0;
	v9 =	vmax.f32 v13, v28;
	v31 =	vld [tilespmem:s0+$0x6000];
	v11 =	vsub.f32 $1.500000000e+00, v11  }
0x113: {  	v17 =	vnsel vm3, $0x0, v0;
	v9 =	vmax.f32 v10, v9;
	v12 =	vld [tilespmem:s0+$0x6800];
	[tilespmem:s12+$0x0] =	vst v15;
	v10 =	vnsel vm2, $0x0, v0  }
0x114: {  	v16 =	vmax.f32 v29, v14;
	v15 =	vld [tilespmem:s0+$0x7000];
	v11 =	vmul.f32 v26, v11;
	[tilespmem:s11+$0x0] =	vst v10;
	v10 =	vnsel vm4, $0x0, v0  }
0x115: {  	v19 =	vnsel vm6, $0x0, v0;
	v18 =	vmax.f32 v16, v21;
	v16 =	vld [tilespmem:s0+$0x7800];
	[tilespmem:s30+$0x19000] =	vst v17;
	v17 =	vnsel vm5, $0x0, v0  }
0x116: {  	v18 =	vmax.f32 v9, v18;
	v21 =	vmax.f32 v30, v27;
	v9 =	vld [tilespmem:s13+$0x5000];
	v5 =	vmul.f32 v11, v5;
	[tilespmem:s30+$0x19800] =	vst v10  }
0x117: {  	vm1 =	veq.f32 v20, v18;
	vm6 =	veq.f32 v23, v18;
	vm7 =	veq.f32 v13, v18;
	v10 =	vld [tilespmem:s13+$0x5800];
	[tilespmem:s30+$0x1A000] =	vst v17  }
0x118: {  	vm8 =	veq.f32 v28, v18;
	vm5 =	veq.f32 v29, v18;
	v13 =	vmax.f32 v31, v12;
	v11 =	vld [tilespmem:s13+$0x6000];
	[tilespmem:s30+$0x1A800] =	vst v19  }
.Ltmp6:
0x119: {  	vm2 =	veq.f32 v14, v18;
	vm3 =	veq.f32 v24, v18;
	v19 =	vmax.f32 v21, v13;
	v13 =	vld [tilespmem:s13+$0x6800];
	(pc) =	sbr.rel @p0 .LBB2_9-.Ltmp6, $4  }
0x11a: {  	vm4 =	veq.f32 v25, v18;
	v17 =	vnsel vm1, $0x0, v8;
	v18 =	vmax.f32 v15, v16;
	v14 =	vld [tilespmem:s13+$0x7000]  }
0x11b: {  	v20 =	vnsel vm6, $0x0, v8;
	v21 =	vnsel vm7, $0x0, v8;
	[tilespmem:s2+$0x0] =	vst v17;
	v18 =	vmax.f32 v18, v22;
	v17 =	vld [tilespmem:s13+$0x7800]  }
0x11c: {  	[tilespmem:s5+$0x0] =	vst v20;
	v20 =	vnsel vm8, $0x0, v8;
	v18 =	vmax.f32 v19, v18;
	v19 =	vmax.f32 v9, v10  }
0x11d: {  	s3 =	sadd.s32 $0x200, s3;
	s4 =	sadd.s32 $0x20, s4;
	[tilespmem:s1+$0x19000] =	vst v21;
	vm11 =	veq.f32 v30, v18;
	vm6 =	veq.f32 v27, v18;
	vm1 =	veq.f32 v31, v18  }
0x11e: {  	[tilespmem:s1+$0x19800] =	vst v20;
	v44 =	vnsel vm5, $0x0, v8  }
0x11f: {  	v45 =	vnsel vm2, $0x0, v8;
	[tilespmem:s1+$0x1A000] =	vst v44  }
0x120: {  	v21 =	vnsel vm3, $0x0, v8;
	[tilespmem:s1+$0x1A800] =	vst v45  }
0x121: {  	v8 =	vnsel vm4, $0x0, v8;
	[tilespmem:s1+$0x1B000] =	vst v21  }
0x122: {  	v46 =	vnsel vm11, $0x0, v6;
	[tilespmem:s1+$0x1B800] =	vst v8  }
0x123: {  	[tilespmem:s10+$0x0] =	vst v46;
	v8 =	vnsel vm6, $0x0, v6  }
0x124: {  	vm2 =	veq.f32 v12, v18;
	vm3 =	veq.f32 v15, v18;
	[tilespmem:s8+$0x0] =	vst v8;
	v8 =	vnsel vm1, $0x0, v6  }
0x125: {  	v12 =	vmax.f32 v11, v13;
	v15 =	vnsel vm2, $0x0, v6;
	vm2 =	veq.f32 v4, v18;
	[tilespmem:s0+$0x19000] =	vst v8  }
0x126: {  	vm1 =	veq.f32 v16, v18;
	v4 =	vmax.f32 v14, v17;
	v8 =	vnsel vm3, $0x0, v6;
	[tilespmem:s0+$0x19800] =	vst v15  }
0x127: {  	v12 =	vmax.f32 v19, v12;
	v4 =	vmax.f32 v4, v7;
	v7 =	vnsel vm1, $0x0, v6;
	[tilespmem:s0+$0x1A000] =	vst v8  }
0x128: {  	vm1 =	veq.f32 v3, v18;
	v3 =	vmax.f32 v12, v4;
	v4 =	vnsel vm2, $0x0, v6;
	[tilespmem:s0+$0x1A800] =	vst v7  }
0x129: {  	v6 =	vnsel vm1, $0x0, v6;
	vm2 =	veq.f32 v9, v3;
	[tilespmem:s0+$0x1B000] =	vst v4  }
0x12a: {  	vm1 =	veq.f32 v10, v3;
	[tilespmem:s0+$0x1B800] =	vst v6;
	v4 =	vnsel vm2, $0x0, v5  }
0x12b: {  	vm2 =	veq.f32 v11, v3;
	v6 =	vnsel vm1, $0x0, v5;
	[tilespmem:s7+$0x0] =	vst v4  }
0x12c: {  	vm1 =	veq.f32 v13, v3;
	v4 =	vnsel vm2, $0x0, v5;
	[tilespmem:s6+$0x0] =	vst v6  }
0x12d: {  	vm2 =	veq.f32 v14, v3;
	v6 =	vnsel vm1, $0x0, v5;
	[tilespmem:s13+$0x19000] =	vst v4  }
0x12e: {  	vm1 =	veq.f32 v17, v3;
	v4 =	vnsel vm2, $0x0, v5;
	[tilespmem:s13+$0x19800] =	vst v6  }
0x12f: {  	vm2 =	veq.f32 v1, v3;
	v1 =	vnsel vm1, $0x0, v5;
	[tilespmem:s13+$0x1A000] =	vst v4  }
0x130: {  	vm1 =	veq.f32 v2, v3;
	v2 =	vnsel vm2, $0x0, v5;
	[tilespmem:s13+$0x1A800] =	vst v1  }
0x131: {  	v1 =	vnsel vm1, $0x0, v5;
	[tilespmem:s13+$0x1B000] =	vst v2  }
0x132: {  	s1 =	sld [smem:$0x7F3];
	[tilespmem:s13+$0x1B800] =	vst v1  }
0x133: {  	s5 =	sld [smem:$0x7F4]  }
0x134: {  	s4 =	rddreg [dreg:$0x1];
	v0 =	vnsel vm0, $0x0, v0  }
0x135: {  	s2 =	simm.s32 $0x400000;
	[tilespmem:s30+$0x1B000] =	vst v0;
	s0 =	sadd.s32 s1, s4  }
0x136: {  	s3 =	simm.s32 $0x18000;
	s6 =	sld [smem:$0x7F5];
	s1 =	sadd.s32 s5, s0  }
0x137: {  	s8 =	simm.s32 $0x800;
	s0 =	sld [smem:$0x7F6];
	s7 =	sadd.s32 $0x100, s1  }
0x138: {  	[hbm4b:s7+s8] =	stream.strided.scatter [tilespmem:s3], [sflag:$0x6], $0x4000, s2, s8, $0x38;
	[tilespmem:$0x1C000] =	vst v63  }
0x139: {  	p0 =	seq.s32 s6, $0xF;
	s2 =	sld [smem:$0x7FD]  }
0x13a: {  	s0 =	sadd.s32 @!p0 $0x5, s0  }
0x13b: {  	[smem:$0x7EF] =	sst s1;
	s1 =	sand.u32 @!p0 $0x78, s0  }
0x13c: {  	s0 =	sand.u32 @!p0 $0x5, s0;
	s1 =	sadd.s32 @!p0 s2, s1  }
0x13d: {  	s0 =	sor.u32 @!p0 s0, s1  }
0x13e: {  	s9 =	simm.s32 $0x3;
	s10 =	simm.s32 $0x0;
	s0 =	sshll.u32 @!p0 s0, $0x8  }
0x13f: {  	s3 =	simm.s32 @!p0 $0x5000;
	s1 =	rddreg [dreg:$0x0];
	s0 =	sand.u32 @!p0 $0xFFD00, s0  }
0x140: {  	s2 =	simm.s32 @!p0 $0x400000;
	s0 =	sadd.s32 @!p0 s1, s0;
	s1 =	simm.s32 @!p0 $0x800  }
0x141: {  	[tilespmem:s3], [sflag:$0x2] =	stream.strided.gather @!p0 [hbm4b:s0+s1], $0x5000, s2, s1, $0x38;
	[tilespmem:$0x1C000] =	vst v63  }
0x142: {  	s11 =	sand.u32 $0x400, s10;
	_ =	swait.ge [sflag:s9], $0x5000  }
0x143: {  	s12 =	sand.u32 $0x380, s10;
	s13 =	simm.s32 $0x0;
	[sflag:s9] =	ssyncset.done $0x0  }
0x144: {  	s4 =	simm.s32 $0x5;
	s2 =	sor.u32 s12, s11;
	[sflag:s9] =	ssyncadd.s32 $0xFFFFB000  }
0x145: {  	s0 =	sand.u32 $0x40, s10;
	s3 =	sor.u32 $0xE000, s2;
	_ =	swait.ge [sflag:s4], $0x4000  }
0x146: {  	s8 =	sor.u32 $0x30, s0;
	s14 =	sor.u32 $0xE800, s2;
	[sflag:s4] =	ssyncset.done $0x0  }
0x147: {  	s18 =	sor.u32 s8, s3;
	[dreg:$0x3] =	wrdreg s13;
	[sflag:s4] =	ssyncadd.s32 $0xFFFFC000  }
0x148: {  	s19 =	sor.u32 s8, s14;
	v0 =	vld [tilespmem:s18+$0x0]  }
0x149: {  	s5 =	sor.u32 s0, s3;
	v1 =	vld [tilespmem:s19+$0x0]  }
0x14a: {  	s1 =	sor.u32 $0x10, s0;
	s20 =	sor.u32 s0, s14;
	v2 =	vld [tilespmem:s5+$0x0]  }
0x14b: {  	s21 =	sor.u32 s1, s3;
	v3 =	vld [tilespmem:s20+$0x0]  }
0x14c: {  	s10 =	sor.u32 $0xA800, s2;
	s22 =	sor.u32 s1, s14;
	v4 =	vld [tilespmem:s21+$0x0]  }
0x14d: {  	s11 =	sor.u32 $0xB000, s2;
	s24 =	sor.u32 s8, s10;
	v5 =	vld [tilespmem:s22+$0x0]  }
0x14e: {  	s12 =	sor.u32 $0xB800, s2;
	s25 =	sor.u32 s8, s11;
	v8 =	vld [tilespmem:s24+$0x0]  }
0x14f: {  	s17 =	sor.u32 $0xC800, s2;
	s26 =	sor.u32 s8, s12;
	v10 =	vld [tilespmem:s25+$0x0]  }
0x150: {  	s7 =	sor.u32 s8, s17;
	s5 =	sor.u32 $0xA000, s2;
	v11 =	vld [tilespmem:s26+$0x0];
	v0 =	vmul.f32 v0, v0;
	v1 =	vmul.f32 v1, v1  }
0x151: {  	s6 =	sor.u32 $0x20, s0;
	v6 =	vld [tilespmem:s7+$0x0];
	s23 =	sor.u32 s8, s5  }
0x152: {  	s15 =	sor.u32 $0xC000, s2;
	s4 =	sor.u32 s6, s14;
	v7 =	vld [tilespmem:s23+$0x0];
	v3 =	vmul.f32 v3, v3;
	v0 =	vadd.f32 v1, v0  }
0x153: {  	s16 =	sor.u32 $0xD000, s2;
	s29 =	sor.u32 s8, s15;
	v47 =	vld [tilespmem:s4+$0x0];
	v4 =	vmul.f32 v4, v4;
	v5 =	vmul.f32 v5, v5  }
0x154: {  	s9 =	sor.u32 s8, s16;
	s18 =	sor.u32 $0xD800, s2;
	v1 =	vmul.f32 v2, v2;
	v2 =	vld [tilespmem:s29+$0x0];
	v9 =	vshra.s32 v0, $0x1;
	v12 =	vmul.f32 $5.000000000e-01, v0  }
0x155: {  	s13 =	sor.u32 s8, s18;
	v13 =	vsub.s32 $0x5F3759DF, v9;
	v9 =	vld [tilespmem:s9+$0x0]  }
0x156: {  	v4 =	vadd.f32 v5, v4;
	v1 =	vadd.f32 v3, v1;
	v3 =	vmul.f32 v13, v12;
	v12 =	vld [tilespmem:s13+$0x0]  }
0x157: {  	s3 =	sor.u32 s6, s3;
	v22 =	vmax.f32 v10, v11;
	v52 =	vmax.f32 v7, v8  }
0x158: {  	s19 =	sor.u32 s0, s10;
	v16 =	vmul.f32 v47, v47;
	v5 =	vld [tilespmem:s3+$0x0];
	v21 =	vmax.f32 v52, v22;
	v48 =	vshra.s32 v4, $0x1  }
0x159: {  	s20 =	sor.u32 s0, s11;
	v51 =	vld [tilespmem:s19+$0x0];
	v49 =	vmul.f32 $5.000000000e-01, v4;
	v14 =	vshra.s32 v1, $0x1;
	v15 =	vmul.f32 $5.000000000e-01, v1  }
0x15a: {  	s22 =	sor.u32 s0, s15;
	v23 =	vld [tilespmem:s20+$0x0];
	v17 =	vsub.s32 $0x5F3759DF, v48;
	v14 =	vsub.s32 $0x5F3759DF, v14;
	v3 =	vmul.f32 v13, v3  }
0x15b: {  	s14 =	sor.u32 s0, s5;
	v54 =	vld [tilespmem:s22+$0x0];
	v24 =	vmax.f32 v2, v6;
	v15 =	vmul.f32 v14, v15;
	v25 =	vmax.f32 v9, v12  }
0x15c: {  	v50 =	vld [tilespmem:s14+$0x0];
	s23 =	sor.u32 s0, s17;
	v18 =	vmul.f32 v17, v49;
	v3 =	vsub.f32 $1.500000000e+00, v3;
	v53 =	vmax.f32 v24, v25  }
0x15d: {  	s21 =	sor.u32 s0, s12;
	v55 =	vld [tilespmem:s23+$0x0];
	v5 =	vmul.f32 v5, v5;
	v15 =	vmul.f32 v14, v15;
	v21 =	vmax.f32 v21, v53  }
0x15e: {  	s25 =	sor.u32 s0, s18;
	v3 =	vmul.f32 v13, v3;
	v13 =	vld [tilespmem:s21+$0x0];
	vm1 =	veq.f32 v7, v21;
	v7 =	vimm.s32 $0x0  }
0x15f: {  	s24 =	sor.u32 s0, s16;
	v16 =	vadd.f32 v16, v5;
	v5 =	vsub.f32 $1.500000000e+00, v15;
	v15 =	vld [tilespmem:s25+$0x0];
	v7 =	vsel vm1, $0xFFFFFFFF, v7  }
0x160: {  	s26 =	sor.u32 s1, s5;
	vm0 =	veq.f32 v12, v21;
	v12 =	vld [tilespmem:s24+$0x0];
	[tilespmem:$0x1FFE0] =	vst v7  }
0x161: {  	s19 =	sor.u32 s1, s10;
	v0 =	vmul.f32 v3, v0;
	v3 =	vmul.f32 v17, v18;
	v57 =	vld [tilespmem:s26+$0x0]  }
0x162: {  	s29 =	sor.u32 s1, s11;
	v26 =	vshra.s32 v16, $0x1;
	v27 =	vmul.f32 $5.000000000e-01, v16;
	v5 =	vmul.f32 v14, v5;
	v14 =	vld [tilespmem:s19+$0x0]  }
0x163: {  	s20 =	sor.u32 s1, s12;
	v26 =	vsub.s32 $0x5F3759DF, v26;
	v3 =	vsub.f32 $1.500000000e+00, v3;
	s19 =	sor.u32 s1, s17;
	v58 =	vld [tilespmem:s29+$0x0];
	s17 =	sor.u32 s6, s17  }
0x164: {  	s23 =	sor.u32 s1, s15;
	v27 =	vmul.f32 v26, v27;
	v59 =	vld [tilespmem:s20+$0x0];
	s20 =	sor.u32 s6, s16;
	[smem:$0x7F0] =	sst s17  }
0x165: {  	v56 =	vmax.f32 v50, v51;
	vm2 =	veq.f32 v8, v21;
	v17 =	vmul.f32 v17, v3;
	v29 =	vld [tilespmem:s23+$0x0];
	[smem:$0x7F1] =	sst s20;
	s23 =	sor.u32 s6, s18  }
0x166: {  	s4 =	sor.u32 $0x14000, s2;
	s7 =	sor.u32 $0x15000, s2;
	vm3 =	veq.f32 v10, v21;
	v8 =	vmul.f32 v26, v27;
	v3 =	vmul.f32 v5, v1;
	[smem:$0x7F2] =	sst s23  }
0x167: {  	s5 =	sor.u32 s6, s5;
	s22 =	sor.u32 s6, s15;
	s24 =	sor.u32 s1, s16;
	v5 =	vmax.f32 v54, v55;
	v1 =	vmul.f32 v17, v4;
	v4 =	vmax.f32 v12, v15;
	v60 =	vld [tilespmem:s19+$0x0]  }
0x168: {  	s30 =	sor.u32 s0, s4;
	s14 =	sor.u32 $0x16800, s2;
	s3 =	sor.u32 s1, s18;
	v7 =	vmax.f32 v23, v13;
	v4 =	vmax.f32 v5, v4;
	v30 =	vld [tilespmem:s24+$0x0];
	v5 =	vsub.f32 $1.500000000e+00, v8  }
0x169: {  	s9 =	sor.u32 $0x15800, s2;
	s13 =	sor.u32 $0x16000, s2;
	s21 =	sor.u32 $0x14800, s2;
	vm4 =	veq.f32 v11, v21;
	vm1 =	veq.f32 v2, v21;
	v7 =	vmax.f32 v56, v7;
	v10 =	vld [tilespmem:s3+$0x0]  }
0x16a: {  	s25 =	sor.u32 s6, s10;
	v28 =	vnsel vm0, $0x0, v0;
	s18 =	sor.u32 $0x17000, s2;
	s2 =	sor.u32 $0x17800, s2;
	v11 =	vmax.f32 v7, v4;
	v4 =	vld [tilespmem:s5+$0x0];
	v8 =	vmul.f32 v26, v5  }
0x16b: {  	s28 =	sor.u32 s1, s7;
	s29 =	sor.u32 s6, s12;
	v2 =	vmax.f32 v57, v14;
	v7 =	vmax.f32 v58, v59;
	vm11 =	veq.f32 v50, v11;
	v5 =	vld [tilespmem:s25+$0x0];
	s25 =	sor.u32 s8, s2  }
0x16c: {  	s10 =	sor.u32 s0, s7;
	s26 =	sor.u32 s6, s11;
	vm13 =	veq.f32 v13, v11;
	v13 =	vmax.f32 v2, v7;
	[tilespmem:s25+$0x0] =	vst v28;
	v2 =	vmul.f32 v8, v16;
	v8 =	vld [tilespmem:s29+$0x0];
	s29 =	sor.u32 s6, s21  }
0x16d: {  	s31 =	sor.u32 s0, s21;
	vm6 =	veq.f32 v6, v21;
	s12 =	sor.u32 s1, s4;
	v7 =	vld [tilespmem:s26+$0x0];
	v6 =	vnsel vm11, $0x0, v3;
	[dreg:$0xf] =	wrdreg s29  }
0x16e: {  	s11 =	sor.u32 s1, s9;
	s17 =	sor.u32 s0, s13;
	s19 =	sor.u32 s6, s7;
	[tilespmem:s30+$0x0] =	vst v6  }
0x16f: {  	s20 =	sor.u32 s0, s14;
	s29 =	sor.u32 s6, s9;
	[dreg:$0xd] =	wrdreg s19  }
0x170: {  	s15 =	sor.u32 s0, s18;
	vm12 =	veq.f32 v51, v11;
	[dreg:$0xb] =	wrdreg s29;
	s19 =	sor.u32 s6, s13  }
0x171: {  	vm5 =	veq.f32 v9, v21;
	s23 =	sor.u32 s1, s14;
	s16 =	sor.u32 s1, s2;
	v9 =	vnsel vm12, $0x0, v3;
	[dreg:$0x9] =	wrdreg s19  }
0x172: {  	s24 =	sor.u32 s0, s9;
	s0 =	sor.u32 s0, s2;
	vm10 =	veq.f32 v23, v11;
	vm0 =	veq.f32 v54, v11;
	vm8 =	veq.f32 v55, v11;
	s29 =	sor.u32 s6, s14;
	[tilespmem:s31+$0x0] =	vst v9  }
0x173: {  	s3 =	sor.u32 s1, s18;
	s5 =	sor.u32 s1, s21;
	vm7 =	veq.f32 v12, v11;
	vm9 =	veq.f32 v15, v11;
	v15 =	vnsel vm10, $0x0, v3;
	v6 =	vld [tilespmem:s22+$0x0];
	[dreg:$0x7] =	wrdreg s29  }
0x174: {  	s26 =	sor.u32 s1, s13;
	s1 =	sor.u32 s8, s18;
	v61 =	vnsel vm13, $0x0, v3;
	v11 =	vmax.f32 v29, v60;
	v12 =	vmax.f32 v30, v10;
	s19 =	sld [smem:$0x7F0];
	[tilespmem:s10+$0x0] =	vst v15  }
0x175: {  	s25 =	sor.u32 s6, s2;
	s2 =	sor.u32 s6, s4;
	v11 =	vmax.f32 v11, v12;
	s22 =	sld [smem:$0x7F1];
	[tilespmem:s24+$0x0] =	vst v61  }
0x176: {  	v62 =	vnsel vm0, $0x0, v3;
	s21 =	sor.u32 s8, s21;
	s30 =	sor.u32 s8, s4;
	v13 =	vmax.f32 v13, v11;
	v63 =	vmax.f32 v4, v5;
	s29 =	sld [smem:$0x7F2]  }
0x177: {  	s4 =	sor.u32 s8, s14;
	vm0 =	veq.f32 v57, v13;
	vm14 =	veq.f32 v14, v13;
	vm13 =	veq.f32 v58, v13;
	s31 =	sor.u32 s6, s18;
	s6 =	sor.u32 s8, s13;
	v9 =	vld [tilespmem:s19+$0x0]  }
0x178: {  	vm15 =	veq.f32 v59, v13;
	vm12 =	veq.f32 v29, v13;
	s18 =	smov.u32 s2;
	v14 =	vmax.f32 v7, v8;
	s10 =	sor.u32 s8, s7;
	s7 =	sor.u32 s8, s9;
	v11 =	vld [tilespmem:s22+$0x0]  }
0x179: {  	vm11 =	veq.f32 v60, v13;
	vm10 =	veq.f32 v30, v13;
	v14 =	vmax.f32 v63, v14;
	s8 =	simm.s32 $0x200;
	s9 =	simm.s32 $0x20;
	[tilespmem:s17+$0x0] =	vst v62;
	s19 =	simm.s32 $0x0;
	v12 =	vld [tilespmem:s29+$0x0]  }
.LBB2_11:
0x17a: {  	[smem:$0x7DA] =	sst s30  }
0x17b: {  	[smem:$0x7DC] =	sst s10  }
0x17c: {  	[smem:$0x7D8] =	sst s25  }
0x17d: {  	[dreg:$0x18] =	wrdreg s7  }
0x17e: {  	[dreg:$0x16] =	wrdreg s6  }
0x17f: {  	[dreg:$0x14] =	wrdreg s4  }
0x180: {  	[dreg:$0x12] =	wrdreg s1  }
0x181: {  	v15 =	vnsel vm8, $0x0, v3;
	s25 =	rddreg [dreg:$0x3]  }
0x182: {  	s24 =	sand.u32 $0x400, s8;
	s2 =	sand.u32 $0x380, s9;
	vm8 =	veq.f32 v10, v13;
	v13 =	vnsel vm7, $0x0, v3;
	s4 =	sadd.s32 $0x40, s25;
	[tilespmem:s20+$0x0] =	vst v15  }
0x183: {  	v3 =	vnsel vm9, $0x0, v3;
	s24 =	sor.u32 s2, s24;
	[tilespmem:s15+$0x0] =	vst v13;
	[dreg:$0x3] =	wrdreg s4  }
0x184: {  	v13 =	vnsel vm14, $0x0, v1;
	[tilespmem:s0+$0x0] =	vst v3;
	s13 =	sand.u32 $0x40, s4;
	s2 =	sor.u32 $0xE000, s24;
	s29 =	sor.u32 $0xE800, s24  }
0x185: {  	v3 =	vnsel vm15, $0x0, v1;
	[tilespmem:s5+$0x0] =	vst v13;
	s5 =	sor.u32 $0xA000, s24;
	s0 =	sor.u32 $0xA800, s24;
	v10 =	vmax.f32 v6, v9;
	s22 =	sor.u32 $0x30, s13;
	v17 =	vmax.f32 v11, v12  }
0x186: {  	v16 =	vnsel vm13, $0x0, v1;
	v18 =	vnsel vm12, $0x0, v1;
	[tilespmem:s11+$0x0] =	vst v3;
	s11 =	smov.u32 s31;
	s31 =	sor.u32 $0xB000, s24;
	s7 =	sor.u32 s22, s2;
	v10 =	vmax.f32 v10, v17  }
0x187: {  	v19 =	vnsel vm10, $0x0, v1;
	v15 =	vnsel vm0, $0x0, v1;
	[tilespmem:s28+$0x0] =	vst v16;
	s1 =	sor.u32 $0x10, s13;
	s10 =	sor.u32 s13, s2;
	s14 =	sor.u32 s22, s29;
	v32 =	vld [tilespmem:s7+$0x0];
	v10 =	vmax.f32 v14, v10  }
0x188: {  	[tilespmem:s12+$0x0] =	vst v15;
	v15 =	vnsel vm11, $0x0, v1;
	v3 =	vnsel vm8, $0x0, v1;
	s25 =	sor.u32 $0x20, s13;
	s15 =	sor.u32 s13, s29;
	s28 =	sor.u32 s1, s5;
	v14 =	vld [tilespmem:s14+$0x0];
	vm7 =	veq.f32 v4, v10  }
0x189: {  	s12 =	sor.u32 s13, s31;
	[smem:$0x7DE] =	sst s28;
	s14 =	sor.u32 s25, s29;
	vm9 =	veq.f32 v5, v10;
	vm10 =	veq.f32 v7, v10;
	v4 =	vld [tilespmem:s10+$0x0];
	vm11 =	veq.f32 v8, v10  }
0x18a: {  	s17 =	sor.u32 s1, s2;
	s10 =	sor.u32 s25, s2;
	[smem:$0x7D7] =	sst s14;
	vm12 =	veq.f32 v6, v10;
	vm13 =	veq.f32 v9, v10;
	v5 =	vld [tilespmem:s15+$0x0];
	vm8 =	veq.f32 v11, v10  }
0x18b: {  	s20 =	sor.u32 s1, s29;
	vm0 =	veq.f32 v12, v10;
	v6 =	vld [tilespmem:s17+$0x0];
	[tilespmem:s26+$0x0] =	vst v18;
	s17 =	sor.u32 s13, s5;
	[smem:$0x7D6] =	sst s10;
	v7 =	vnsel vm7, $0x0, v2;
	v8 =	vnsel vm9, $0x0, v2  }
0x18c: {  	v9 =	vnsel vm10, $0x0, v2;
	[smem:$0x7D9] =	sst s17;
	v10 =	vld [tilespmem:s20+$0x0];
	s20 =	sor.u32 s22, s5;
	[tilespmem:s23+$0x0] =	vst v15;
	v11 =	vnsel vm11, $0x0, v2;
	v12 =	vnsel vm12, $0x0, v2;
	s23 =	sor.u32 s13, s0  }
0x18d: {  	v13 =	vnsel vm13, $0x0, v2;
	v33 =	vnsel vm8, $0x0, v2;
	s17 =	sor.u32 $0xB800, s24;
	[tilespmem:s16+$0x0] =	vst v3;
	v35 =	vnsel vm0, $0x0, v2;
	v2 =	vld [tilespmem:$0x1FFE0];
	s16 =	sor.u32 $0xC000, s24;
	[smem:$0x7DB] =	sst s23  }
0x18e: {  	s5 =	sor.u32 s25, s5;
	v1 =	vld [tilespmem:s20+$0x0];
	s20 =	sor.u32 s22, s16;
	s23 =	rddreg [dreg:$0xf]  }
0x18f: {  	s7 =	sor.u32 $0x15800, s24;
	s15 =	sor.u32 s13, s17;
	[tilespmem:s18+$0x0] =	vst v7;
	[smem:$0x7E6] =	sst s5;
	v7 =	vld [tilespmem:s20+$0x0]  }
0x190: {  	s26 =	sor.u32 s22, s0;
	s18 =	sor.u32 s13, s16;
	s5 =	sld [smem:$0x7D8];
	v44 =	vld [tilespmem:s15+$0x0]  }
0x191: {  	s2 =	sor.u32 s22, s31;
	s4 =	sor.u32 s22, s17;
	[smem:$0x7DD] =	sst s18;
	v34 =	vmul.f32 v4, v4;
	v4 =	vld [tilespmem:s26+$0x0]  }
0x192: {  	s18 =	sor.u32 $0xC800, s24;
	s20 =	rddreg [dreg:$0xd];
	s15 =	sor.u32 s13, s7;
	v3 =	vmul.f32 v5, v5;
	v5 =	vld [tilespmem:s4+$0x0]  }
0x193: {  	v15 =	vmul.f32 v32, v32;
	[tilespmem:s20+$0x0] =	vst v9;
	s20 =	sor.u32 $0xD800, s24;
	[smem:$0x7EE] =	sst s15;
	s26 =	sor.u32 s22, s18;
	vm0 =	vnez.u8 v2;
	v2 =	vld [tilespmem:s2+$0x0]  }
0x194: {  	v14 =	vmul.f32 v14, v14;
	v20 =	vmul.f32 v6, v6;
	s4 =	sor.u32 $0xD000, s24;
	s28 =	sor.u32 s22, s20;
	v6 =	vld [tilespmem:s26+$0x0];
	s26 =	rddreg [dreg:$0xb]  }
0x195: {  	s2 =	smov.u32 s21;
	s21 =	sor.u32 s22, s4;
	v24 =	vld [tilespmem:s28+$0x0];
	s28 =	rddreg [dreg:$0x7]  }
0x196: {  	s10 =	sor.u32 $0x15000, s24;
	v14 =	vadd.f32 v14, v15;
	v15 =	vnsel vm2, $0x0, v0;
	v9 =	vld [tilespmem:s21+$0x0];
	s21 =	rddreg [dreg:$0x9];
	[tilespmem:s28+$0x0] =	vst v13;
	s28 =	sor.u32 s1, s16  }
0x197: {  	[tilespmem:s2+$0x0] =	vst v15;
	v15 =	vld [tilespmem:s12+$0x0];
	s12 =	sor.u32 s13, s10;
	[smem:$0x7E2] =	sst s28  }
0x198: {  	[tilespmem:s21+$0x0] =	vst v12;
	s21 =	sor.u32 s1, s0;
	[smem:$0x7ED] =	sst s12  }
0x199: {  	s28 =	sor.u32 s1, s18;
	[smem:$0x7DF] =	sst s21  }
0x19a: {  	s0 =	sor.u32 s25, s0;
	[smem:$0x7E3] =	sst s28  }
0x19b: {  	[tilespmem:s23+$0x0] =	vst v8;
	s23 =	sor.u32 s13, s18;
	s18 =	sor.u32 s25, s18;
	[smem:$0x7E7] =	sst s0  }
0x19c: {  	[dreg:$0x1e] =	wrdreg s18  }
0x19d: {  	s21 =	sor.u32 s1, s31;
	s18 =	rddreg [dreg:$0x18]  }
0x19e: {  	[smem:$0x7E0] =	sst s21;
	s21 =	sor.u32 s1, s17  }
0x19f: {  	[smem:$0x7E1] =	sst s21  }
0x1a0: {  	s28 =	sor.u32 s1, s4;
	s21 =	sld [smem:$0x7D6]  }
0x1a1: {  	v22 =	vnsel vm4, $0x0, v0;
	[tilespmem:s26+$0x0] =	vst v11;
	[smem:$0x7E4] =	sst s28  }
0x1a2: {  	[tilespmem:s18+$0x0] =	vst v22;
	s18 =	sld [smem:$0x7DE]  }
0x1a3: {  	v8 =	vmul.f32 v10, v10;
	v26 =	vld [tilespmem:s21+$0x0];
	[tilespmem:s11+$0x0] =	vst v33;
	s21 =	sor.u32 s1, s20;
	s11 =	sld [smem:$0x7D9]  }
0x1a4: {  	[smem:$0x7E5] =	sst s21  }
0x1a5: {  	v8 =	vadd.f32 v8, v20;
	s21 =	sld [smem:$0x7D7]  }
0x1a6: {  	v21 =	vnsel vm3, $0x0, v0;
	v36 =	vnsel vm0, $0x0, v0;
	v11 =	vnsel vm1, $0x0, v0;
	v42 =	vld [tilespmem:s11+$0x0];
	s11 =	sor.u32 s25, s16;
	s16 =	sld [smem:$0x7DA]  }
0x1a7: {  	v13 =	vnsel vm5, $0x0, v0;
	v12 =	vnsel vm6, $0x0, v0;
	v0 =	vshra.s32 v8, $0x1;
	[smem:$0x7EA] =	sst s11  }
0x1a8: {  	v41 =	vsub.s32 $0x5F3759DF, v0;
	v0 =	vld [tilespmem:s21+$0x0];
	[tilespmem:s5+$0x0] =	vst v35;
	s5 =	sor.u32 s25, s17;
	s17 =	sld [smem:$0x7DB]  }
0x1a9: {  	s21 =	sor.u32 s25, s31;
	s11 =	sld [smem:$0x7DC]  }
0x1aa: {  	s30 =	sor.u32 $0x14000, s24;
	v10 =	vshra.s32 v14, $0x1;
	v23 =	vmul.f32 $5.000000000e-01, v14;
	[smem:$0x7E8] =	sst s21  }
0x1ab: {  	s14 =	sor.u32 $0x14800, s24;
	v10 =	vsub.s32 $0x5F3759DF, v10;
	[smem:$0x7E9] =	sst s5;
	s21 =	sor.u32 s25, s4  }
0x1ac: {  	[tilespmem:s3+$0x0] =	vst v19;
	s3 =	sor.u32 s13, s4;
	v37 =	vmul.f32 v10, v23;
	s4 =	sor.u32 s13, s30;
	[dreg:$0x1a] =	wrdreg s21  }
0x1ad: {  	s5 =	sor.u32 s13, s14;
	[smem:$0x7EB] =	sst s4  }
0x1ae: {  	s6 =	sor.u32 $0x16000, s24;
	v17 =	vmul.f32 v10, v37;
	[smem:$0x7EC] =	sst s5  }
0x1af: {  	[tilespmem:s16+$0x0] =	vst v36;
	s16 =	sor.u32 s13, s6;
	s21 =	rddreg [dreg:$0x16]  }
0x1b0: {  	s29 =	sor.u32 $0x16800, s24;
	v3 =	vadd.f32 v3, v34;
	s26 =	sor.u32 s13, s20;
	v17 =	vsub.f32 $1.500000000e+00, v17;
	[dreg:$0x1d] =	wrdreg s16  }
0x1b1: {  	s2 =	sor.u32 $0x17000, s24;
	v25 =	vmul.f32 $5.000000000e-01, v8;
	v27 =	vmax.f32 v1, v4;
	v28 =	vmax.f32 v2, v5;
	v43 =	vld [tilespmem:s17+$0x0];
	s17 =	sor.u32 s25, s20;
	s20 =	sld [smem:$0x7DD]  }
0x1b2: {  	s15 =	sor.u32 s13, s2;
	s12 =	sor.u32 s1, s30;
	v29 =	vmax.f32 v7, v6;
	v30 =	vmax.f32 v9, v24;
	v10 =	vmul.f32 v10, v17;
	[tilespmem:s21+$0x0] =	vst v11;
	v11 =	vld [tilespmem:s23+$0x0];
	s23 =	rddreg [dreg:$0x14]  }
0x1b3: {  	s28 =	sor.u32 s1, s10;
	v46 =	vmax.f32 v27, v28;
	v47 =	vmax.f32 v29, v30;
	v45 =	vmul.f32 v26, v26;
	s16 =	rddreg [dreg:$0x12];
	s21 =	sor.u32 s25, s14  }
0x1b4: {  	v51 =	vld [tilespmem:s18+$0x0];
	s18 =	sor.u32 s25, s30;
	v26 =	vmax.f32 v46, v47;
	[dreg:$0xf] =	wrdreg s21;
	s21 =	sor.u32 s25, s7;
	v49 =	vmul.f32 v0, v0;
	v0 =	vmul.f32 v10, v14  }
0x1b5: {  	v38 =	vshra.s32 v3, $0x1;
	v39 =	vmul.f32 $5.000000000e-01, v3;
	s4 =	sor.u32 $0x17800, s24;
	vm0 =	veq.f32 v24, v26;
	[dreg:$0xb] =	wrdreg s21;
	s21 =	sor.u32 s25, s29  }
0x1b6: {  	v40 =	vsub.s32 $0x5F3759DF, v38;
	v25 =	vmul.f32 v41, v25;
	[tilespmem:s11+$0x0] =	vst v21;
	s0 =	sor.u32 s13, s4;
	s24 =	sor.u32 s22, s4;
	[dreg:$0x7] =	wrdreg s21;
	v24 =	vnsel vm0, $0x0, v0  }
0x1b7: {  	v23 =	vmul.f32 v40, v39;
	v48 =	vld [tilespmem:s20+$0x0];
	s20 =	sor.u32 s13, s29;
	s13 =	sor.u32 s25, s10;
	[tilespmem:s24+$0x0] =	vst v24;
	s24 =	sld [smem:$0x7DF]  }
0x1b8: {  	s31 =	sor.u32 s25, s2;
	s30 =	sor.u32 s22, s30;
	vm2 =	veq.f32 v4, v26;
	vm3 =	veq.f32 v2, v26;
	[tilespmem:s23+$0x0] =	vst v12;
	v12 =	vld [tilespmem:s3+$0x0];
	v14 =	vmul.f32 v41, v25;
	[dreg:$0xd] =	wrdreg s13  }
0x1b9: {  	s5 =	sor.u32 s1, s14;
	vm4 =	veq.f32 v5, v26;
	vm1 =	veq.f32 v7, v26;
	[tilespmem:s16+$0x0] =	vst v13;
	v13 =	vld [tilespmem:s26+$0x0];
	s16 =	sor.u32 s1, s4;
	v21 =	vadd.f32 v49, v45;
	s13 =	sld [smem:$0x7E0]  }
0x1ba: {  	v10 =	vmul.f32 v40, v23;
	v14 =	vsub.f32 $1.500000000e+00, v14;
	vm0 =	veq.f32 v1, v26;
	v54 =	vld [tilespmem:s24+$0x0];
	s24 =	sor.u32 s25, s6;
	s25 =	sor.u32 s25, s4;
	s4 =	sld [smem:$0x7E2]  }
0x1bb: {  	s11 =	sor.u32 s1, s7;
	s26 =	sor.u32 s1, s6;
	v1 =	vimm.s32 $0x0;
	v52 =	vshra.s32 v21, $0x1;
	v53 =	vmul.f32 $5.000000000e-01, v21;
	[dreg:$0x9] =	wrdreg s24  }
0x1bc: {  	s23 =	sor.u32 s1, s29;
	s3 =	sor.u32 s1, s2;
	v1 =	vsel vm0, $0xFFFFFFFF, v1;
	v14 =	vmul.f32 v41, v14;
	v55 =	vsub.s32 $0x5F3759DF, v52;
	s24 =	sld [smem:$0x7E1]  }
0x1bd: {  	s7 =	sor.u32 s22, s7;
	s21 =	sor.u32 s22, s14;
	s14 =	sld [smem:$0x7E4];
	v50 =	vmax.f32 v42, v43;
	[tilespmem:$0x1FFE0] =	vst v1;
	v1 =	vmax.f32 v15, v44;
	v57 =	vld [tilespmem:s13+$0x0];
	v27 =	vmul.f32 v55, v53  }
0x1be: {  	s1 =	sor.u32 s22, s2;
	s10 =	sor.u32 s22, s10;
	v10 =	vsub.f32 $1.500000000e+00, v10;
	v23 =	vmax.f32 v50, v1;
	s13 =	sld [smem:$0x7E3];
	v1 =	vmul.f32 v14, v8;
	v14 =	vld [tilespmem:s4+$0x0]  }
0x1bf: {  	v4 =	vmax.f32 v12, v13;
	v56 =	vmax.f32 v48, v11;
	s6 =	sor.u32 s22, s6;
	v8 =	vmul.f32 v55, v27;
	s4 =	sor.u32 s22, s29;
	s22 =	sld [smem:$0x7E5];
	v58 =	vld [tilespmem:s24+$0x0]  }
0x1c0: {  	vm6 =	veq.f32 v6, v26;
	v10 =	vmul.f32 v40, v10;
	v60 =	vld [tilespmem:s14+$0x0];
	v2 =	vmax.f32 v56, v4;
	s29 =	sld [smem:$0x7E7]  }
0x1c1: {  	vm5 =	veq.f32 v9, v26;
	v59 =	vld [tilespmem:s13+$0x0];
	v23 =	vmax.f32 v23, v2;
	v5 =	vsub.f32 $1.500000000e+00, v8;
	s24 =	sld [smem:$0x7E6]  }
0x1c2: {  	v3 =	vmul.f32 v10, v3;
	s13 =	sld [smem:$0x7E8];
	vm0 =	veq.f32 v42, v23;
	vm10 =	veq.f32 v43, v23;
	v10 =	vld [tilespmem:s22+$0x0]  }
0x1c3: {  	s14 =	sld [smem:$0x7E9];
	vm11 =	veq.f32 v15, v23;
	vm12 =	veq.f32 v44, v23;
	v8 =	vmul.f32 v55, v5;
	v5 =	vld [tilespmem:s29+$0x0]  }
0x1c4: {  	vm13 =	veq.f32 v48, v23;
	v2 =	vmax.f32 v51, v54;
	s22 =	sld [smem:$0x7EA];
	v4 =	vld [tilespmem:s24+$0x0];
	v7 =	vmax.f32 v57, v58  }
0x1c5: {  	vm8 =	veq.f32 v11, v23;
	vm7 =	veq.f32 v12, v23;
	s24 =	sld [smem:$0x7EB];
	v11 =	vmax.f32 v2, v7;
	v7 =	vld [tilespmem:s13+$0x0]  }
0x1c6: {  	s19 =	sadd.s32 $0x4, s19;
	vm9 =	veq.f32 v13, v23;
	v9 =	vnsel vm0, $0x0, v3;
	v2 =	vmul.f32 v8, v21;
	v8 =	vld [tilespmem:s14+$0x0];
	s13 =	sld [smem:$0x7EC]  }
0x1c7: {  	p1 =	slt.u32 s19, $0x7C;
	v13 =	vnsel vm10, $0x0, v3;
	v12 =	vmax.f32 v14, v59;
	v6 =	vld [tilespmem:s22+$0x0];
	s22 =	sld [smem:$0x7ED];
	v15 =	vmax.f32 v60, v10  }
.Ltmp7:
0x1c8: {  	v61 =	vnsel vm11, $0x0, v3;
	v62 =	vnsel vm12, $0x0, v3;
	[tilespmem:s24+$0x0] =	vst v9;
	s24 =	sld [smem:$0x7EE];
	v12 =	vmax.f32 v12, v15;
	(pc) =	sbr.rel @p1 .LBB2_11-.Ltmp7, $4  }
0x1c9: {  	s29 =	rddreg [dreg:$0x1e];
	v15 =	vnsel vm13, $0x0, v3;
	v63 =	vmax.f32 v4, v5;
	[tilespmem:s13+$0x0] =	vst v13;
	v13 =	vmax.f32 v11, v12  }
0x1ca: {  	v9 =	vld [tilespmem:s29+$0x0];
	s14 =	rddreg [dreg:$0x1a];
	[tilespmem:s22+$0x0] =	vst v61;
	vm0 =	veq.f32 v51, v13;
	vm14 =	veq.f32 v54, v13;
	vm13 =	veq.f32 v57, v13  }
0x1cb: {  	s29 =	rddreg [dreg:$0x1d];
	v11 =	vld [tilespmem:s14+$0x0];
	[tilespmem:s24+$0x0] =	vst v62;
	vm15 =	veq.f32 v58, v13;
	vm12 =	veq.f32 v14, v13;
	v14 =	vmax.f32 v7, v8  }
0x1cc: {  	s8 =	sadd.s32 $0x200, s8;
	s9 =	sadd.s32 $0x20, s9;
	v12 =	vld [tilespmem:s17+$0x0];
	[tilespmem:s29+$0x0] =	vst v15;
	vm11 =	veq.f32 v59, v13;
	vm10 =	veq.f32 v60, v13;
	v14 =	vmax.f32 v63, v14  }
0x1cd: {  	v15 =	vnsel vm8, $0x0, v3  }
0x1ce: {  	[tilespmem:s20+$0x0] =	vst v15;
	v15 =	vnsel vm7, $0x0, v3  }
0x1cf: {  	v3 =	vnsel vm9, $0x0, v3;
	[tilespmem:s15+$0x0] =	vst v15  }
0x1d0: {  	v15 =	vnsel vm0, $0x0, v1;
	[tilespmem:s0+$0x0] =	vst v3  }
0x1d1: {  	v3 =	vnsel vm14, $0x0, v1;
	[tilespmem:s12+$0x0] =	vst v15  }
0x1d2: {  	v15 =	vnsel vm13, $0x0, v1;
	[tilespmem:s5+$0x0] =	vst v3  }
0x1d3: {  	v3 =	vnsel vm15, $0x0, v1;
	[tilespmem:s28+$0x0] =	vst v15  }
0x1d4: {  	v17 =	vnsel vm12, $0x0, v1;
	v16 =	vmax.f32 v11, v12;
	v15 =	vmax.f32 v6, v9;
	[tilespmem:s11+$0x0] =	vst v3  }
0x1d5: {  	v3 =	vmax.f32 v15, v16;
	v15 =	vnsel vm11, $0x0, v1;
	[tilespmem:s26+$0x0] =	vst v17  }
0x1d6: {  	vm0 =	veq.f32 v10, v13;
	v10 =	vnsel vm10, $0x0, v1;
	v3 =	vmax.f32 v14, v3;
	[tilespmem:s23+$0x0] =	vst v15  }
0x1d7: {  	v1 =	vnsel vm0, $0x0, v1;
	vm7 =	veq.f32 v4, v3;
	[tilespmem:s3+$0x0] =	vst v10  }
0x1d8: {  	v4 =	vnsel vm7, $0x0, v2;
	[tilespmem:s16+$0x0] =	vst v1  }
0x1d9: {  	vm0 =	veq.f32 v5, v3;
	[tilespmem:s18+$0x0] =	vst v4  }
0x1da: {  	v1 =	vnsel vm0, $0x0, v2;
	s0 =	rddreg [dreg:$0xf]  }
0x1db: {  	vm7 =	veq.f32 v7, v3;
	[tilespmem:s0+$0x0] =	vst v1  }
0x1dc: {  	v4 =	vnsel vm7, $0x0, v2;
	s0 =	rddreg [dreg:$0xd]  }
0x1dd: {  	vm0 =	veq.f32 v8, v3;
	[tilespmem:s0+$0x0] =	vst v4  }
0x1de: {  	v1 =	vnsel vm0, $0x0, v2;
	s0 =	rddreg [dreg:$0xb]  }
0x1df: {  	vm7 =	veq.f32 v6, v3;
	[tilespmem:s0+$0x0] =	vst v1  }
0x1e0: {  	v4 =	vnsel vm7, $0x0, v2;
	s0 =	rddreg [dreg:$0x9]  }
0x1e1: {  	vm0 =	veq.f32 v9, v3;
	[tilespmem:s0+$0x0] =	vst v4  }
0x1e2: {  	vm7 =	veq.f32 v11, v3;
	v1 =	vnsel vm0, $0x0, v2;
	s0 =	rddreg [dreg:$0x7]  }
0x1e3: {  	vm0 =	veq.f32 v12, v3;
	v3 =	vnsel vm7, $0x0, v2;
	[tilespmem:s0+$0x0] =	vst v1  }
0x1e4: {  	[tilespmem:s31+$0x0] =	vst v3  }
0x1e5: {  	v1 =	vnsel vm0, $0x0, v2;
	v2 =	vld [tilespmem:$0x1FFE0];
	_ =	sdelay $0x4  }
0x1e6: {  	vm0 =	vnez.u8 v2  }
0x1e7: {  	[tilespmem:s25+$0x0] =	vst v1;
	v2 =	vnsel vm0, $0x0, v0  }
0x1e8: {  	v1 =	vnsel vm2, $0x0, v0;
	[tilespmem:s30+$0x0] =	vst v2  }
0x1e9: {  	v2 =	vnsel vm3, $0x0, v0;
	[tilespmem:s21+$0x0] =	vst v1  }
0x1ea: {  	v1 =	vnsel vm4, $0x0, v0;
	[tilespmem:s10+$0x0] =	vst v2  }
0x1eb: {  	v2 =	vnsel vm1, $0x0, v0;
	[tilespmem:s7+$0x0] =	vst v1  }
0x1ec: {  	v1 =	vnsel vm6, $0x0, v0;
	[tilespmem:s6+$0x0] =	vst v2  }
0x1ed: {  	v0 =	vnsel vm5, $0x0, v0;
	[tilespmem:s4+$0x0] =	vst v1  }
0x1ee: {  	[tilespmem:s1+$0x0] =	vst v0  }
0x1ef: {  	s0 =	sld [smem:$0x7EF];
	_ =	sdelay $0x1  }
0x1f0: {  	s2 =	simm.s32 $0x400000  }
0x1f1: {  	s12 =	simm.s32 $0x14000;
	s11 =	simm.s32 $0x800;
	s0 =	sadd.s32 $0x200, s0  }
0x1f2: {  	[hbm4b:s0+s11] =	stream.strided.scatter [tilespmem:s12], [sflag:$0x5], $0x4000, s2, s11, $0x38;
	[tilespmem:$0x1C000] =	vst v63  }
0x1f3: {  	s0 =	sld [smem:$0x7F6];
	_ =	sdelay $0x1  }
0x1f4: {  	s2 =	sld [smem:$0x7FD]  }
0x1f5: {  	s0 =	sadd.s32 @!p0 $0x6, s0  }
0x1f6: {  	s1 =	sand.u32 @!p0 $0x78, s0  }
0x1f7: {  	s0 =	sand.u32 @!p0 $0x6, s0;
	s1 =	sadd.s32 @!p0 s2, s1  }
0x1f8: {  	s0 =	sor.u32 @!p0 s0, s1  }
0x1f9: {  	s13 =	simm.s32 $0x4;
	s0 =	sshll.u32 @!p0 s0, $0x8  }
0x1fa: {  	s3 =	simm.s32 @!p0 $0xA000;
	s1 =	rddreg [dreg:$0x0];
	s0 =	sand.u32 @!p0 $0xFFE00, s0  }
0x1fb: {  	s2 =	simm.s32 @!p0 $0x400000;
	s0 =	sadd.s32 @!p0 s1, s0;
	s1 =	simm.s32 @!p0 $0x800  }
0x1fc: {  	[tilespmem:s3], [sflag:$0x3] =	stream.strided.gather @!p0 [hbm4b:s0+s1], $0x5000, s2, s1, $0x38;
	[tilespmem:$0x1C000] =	vst v63  }
0x1fd: {  	s14 =	simm.s32 $0x0;
	s17 =	simm.s32 $0x6;
	_ =	swait.ge [sflag:s13], $0x5000  }
0x1fe: {  	s15 =	sand.u32 $0x400, s14;
	s16 =	sand.u32 $0x380, s14;
	[sflag:s13] =	ssyncset.done $0x0  }
0x1ff: {  	s18 =	simm.s32 $0x0;
	s2 =	sor.u32 s16, s15;
	[sflag:s13] =	ssyncadd.s32 $0xFFFFB000  }
0x200: {  	s0 =	sand.u32 $0x40, s14;
	s19 =	sor.u32 $0x13000, s2;
	_ =	swait.ge [sflag:s17], $0x4000  }
0x201: {  	s7 =	sor.u32 $0x30, s0;
	s8 =	sor.u32 $0x13800, s2;
	[sflag:s17] =	ssyncset.done $0x0  }
0x202: {  	s20 =	sor.u32 s7, s19;
	[dreg:$0x4] =	wrdreg s18;
	[sflag:s17] =	ssyncadd.s32 $0xFFFFC000  }
0x203: {  	s21 =	sor.u32 s7, s8;
	v0 =	vld [tilespmem:s20+$0x0]  }
0x204: {  	s22 =	sor.u32 s0, s19;
	v1 =	vld [tilespmem:s21+$0x0]  }
0x205: {  	s1 =	sor.u32 $0x10, s0;
	s23 =	sor.u32 s0, s8;
	v2 =	vld [tilespmem:s22+$0x0]  }
0x206: {  	s24 =	sor.u32 s1, s19;
	v3 =	vld [tilespmem:s23+$0x0]  }
0x207: {  	s5 =	sor.u32 $0xF000, s2;
	s25 =	sor.u32 s1, s8;
	v4 =	vld [tilespmem:s24+$0x0]  }
0x208: {  	s10 =	sor.u32 $0xF800, s2;
	s26 =	sor.u32 s7, s5;
	v5 =	vld [tilespmem:s25+$0x0]  }
0x209: {  	s11 =	sor.u32 $0x10000, s2;
	s29 =	sor.u32 s7, s10;
	v6 =	vld [tilespmem:s26+$0x0]  }
0x20a: {  	s4 =	sor.u32 $0x11000, s2;
	s30 =	sor.u32 s7, s11;
	v8 =	vld [tilespmem:s29+$0x0]  }
0x20b: {  	s6 =	sor.u32 $0x20, s0;
	s13 =	sor.u32 s7, s4;
	v10 =	vld [tilespmem:s30+$0x0];
	v0 =	vmul.f32 v0, v0;
	v1 =	vmul.f32 v1, v1  }
0x20c: {  	s3 =	sor.u32 s6, s19;
	v11 =	vld [tilespmem:s13+$0x0]  }
0x20d: {  	s8 =	sor.u32 s6, s8;
	s17 =	sor.u32 $0x11800, s2;
	v15 =	vld [tilespmem:s3+$0x0];
	v3 =	vmul.f32 v3, v3;
	v0 =	vadd.f32 v1, v0  }
0x20e: {  	s12 =	sor.u32 $0x10800, s2;
	s14 =	sor.u32 s7, s17;
	v18 =	vld [tilespmem:s8+$0x0];
	v4 =	vmul.f32 v4, v4;
	v5 =	vmul.f32 v5, v5  }
0x20f: {  	s9 =	sor.u32 s7, s12;
	s18 =	sor.u32 $0x12800, s2;
	v7 =	vld [tilespmem:s14+$0x0];
	v1 =	vmul.f32 v2, v2;
	v9 =	vshra.s32 v0, $0x1;
	v12 =	vmul.f32 $5.000000000e-01, v0  }
0x210: {  	s16 =	sor.u32 $0x12000, s2;
	s15 =	sor.u32 s7, s18;
	v2 =	vld [tilespmem:s9+$0x0];
	v13 =	vsub.s32 $0x5F3759DF, v9  }
0x211: {  	s9 =	sor.u32 s7, s16;
	v4 =	vadd.f32 v5, v4;
	v5 =	vld [tilespmem:s15+$0x0];
	v1 =	vadd.f32 v3, v1;
	v3 =	vmul.f32 v13, v12  }
0x212: {  	v9 =	vld [tilespmem:s9+$0x0]  }
0x213: {  	v3 =	vmul.f32 v13, v3  }
0x214: {  	v21 =	vmax.f32 v6, v8;
	v15 =	vmul.f32 v15, v15;
	v18 =	vmul.f32 v18, v18  }
0x215: {  	s19 =	sor.u32 s0, s5;
	v24 =	vmax.f32 v11, v7;
	v12 =	vshra.s32 v1, $0x1;
	v3 =	vsub.f32 $1.500000000e+00, v3  }
0x216: {  	s20 =	sor.u32 s0, s10;
	v19 =	vld [tilespmem:s19+$0x0];
	v51 =	vshra.s32 v4, $0x1;
	v14 =	vmul.f32 $5.000000000e-01, v1;
	v12 =	vsub.s32 $0x5F3759DF, v12  }
0x217: {  	s21 =	sor.u32 s0, s11;
	v20 =	vld [tilespmem:s20+$0x0];
	v22 =	vmax.f32 v10, v2;
	v25 =	vmax.f32 v9, v5;
	v3 =	vmul.f32 v13, v3  }
0x218: {  	s23 =	sor.u32 s0, s4;
	v23 =	vld [tilespmem:s21+$0x0];
	v14 =	vmul.f32 v12, v14;
	v21 =	vmax.f32 v21, v22;
	v53 =	vmax.f32 v24, v25  }
0x219: {  	s22 =	sor.u32 s0, s12;
	v54 =	vld [tilespmem:s23+$0x0];
	v52 =	vmul.f32 $5.000000000e-01, v4;
	v21 =	vmax.f32 v21, v53;
	v0 =	vmul.f32 v3, v0  }
0x21a: {  	s24 =	sor.u32 s0, s17;
	v16 =	vsub.s32 $0x5F3759DF, v51;
	v14 =	vmul.f32 v12, v14;
	v13 =	vld [tilespmem:s22+$0x0];
	vm0 =	veq.f32 v5, v21  }
0x21b: {  	s25 =	sor.u32 s0, s16;
	v55 =	vld [tilespmem:s24+$0x0];
	v57 =	vnsel vm0, $0x0, v0;
	vm0 =	veq.f32 v6, v21;
	v6 =	vimm.s32 $0x0  }
0x21c: {  	s13 =	sor.u32 s0, s18;
	v56 =	vld [tilespmem:s25+$0x0];
	v15 =	vadd.f32 v18, v15;
	v17 =	vmul.f32 v16, v52;
	v6 =	vsel vm0, $0xFFFFFFFF, v6  }
0x21d: {  	s19 =	sor.u32 s1, s5;
	v58 =	vld [tilespmem:s13+$0x0];
	v14 =	vsub.f32 $1.500000000e+00, v14;
	[tilespmem:$0x1FFD0] =	vst v6  }
0x21e: {  	s3 =	sor.u32 $0x18800, s2;
	s26 =	sor.u32 s1, s10;
	v27 =	vmul.f32 $5.000000000e-01, v15;
	v3 =	vmul.f32 v16, v17;
	v26 =	vld [tilespmem:s19+$0x0]  }
0x21f: {  	s8 =	sor.u32 $0x19000, s2;
	s29 =	sor.u32 s1, s11;
	s30 =	sor.u32 s1, s12;
	v5 =	vmax.f32 v19, v20;
	v12 =	vmul.f32 v12, v14;
	v14 =	vmax.f32 v23, v13;
	v28 =	vld [tilespmem:s26+$0x0]  }
0x220: {  	s5 =	sor.u32 s6, s5;
	s13 =	sor.u32 $0x1A000, s2;
	s14 =	sor.u32 $0x1A800, s2;
	v3 =	vsub.f32 $1.500000000e+00, v3;
	v6 =	vshra.s32 v15, $0x1;
	v5 =	vmax.f32 v5, v14;
	v14 =	vld [tilespmem:s29+$0x0]  }
0x221: {  	s20 =	sor.u32 s1, s17;
	s25 =	sor.u32 s6, s18;
	s22 =	sor.u32 s1, s4;
	v6 =	vsub.s32 $0x5F3759DF, v6;
	v59 =	vld [tilespmem:s30+$0x0]  }
0x222: {  	s23 =	sor.u32 s1, s16;
	v16 =	vmul.f32 v16, v3;
	v29 =	vld [tilespmem:s22+$0x0];
	s22 =	sor.u32 s6, s16;
	[smem:$0x7D5] =	sst s25;
	v27 =	vmul.f32 v6, v27  }
0x223: {  	s24 =	sor.u32 s6, s4;
	s15 =	sor.u32 $0x18000, s2;
	vm2 =	veq.f32 v8, v21;
	v3 =	vmul.f32 v12, v1;
	v12 =	vmax.f32 v54, v55;
	[smem:$0x7D4] =	sst s22  }
0x224: {  	s9 =	sor.u32 $0x19800, s2;
	s4 =	sor.u32 s0, s15;
	s26 =	sor.u32 s1, s18;
	v1 =	vmul.f32 v16, v4;
	v4 =	vmax.f32 v56, v58;
	v60 =	vld [tilespmem:s20+$0x0];
	v8 =	vmul.f32 v6, v27  }
0x225: {  	vm3 =	veq.f32 v10, v21;
	s19 =	sor.u32 s6, s10;
	s29 =	sor.u32 s6, s11;
	s30 =	sor.u32 s6, s12;
	v4 =	vmax.f32 v12, v4;
	v30 =	vld [tilespmem:s23+$0x0]  }
0x226: {  	vm1 =	veq.f32 v11, v21;
	s12 =	sor.u32 s6, s17;
	s10 =	sor.u32 s0, s3;
	s18 =	sor.u32 $0x1B000, s2;
	v10 =	vld [tilespmem:s26+$0x0];
	v11 =	vmax.f32 v5, v4;
	v5 =	vsub.f32 $1.500000000e+00, v8  }
0x227: {  	vm4 =	veq.f32 v2, v21;
	s16 =	sor.u32 s0, s8;
	s25 =	sor.u32 s0, s9;
	s2 =	sor.u32 $0x1B800, s2;
	v4 =	vld [tilespmem:s5+$0x0]  }
0x228: {  	s17 =	sor.u32 s0, s14;
	s22 =	sor.u32 s0, s13;
	v2 =	vmax.f32 v26, v28;
	v8 =	vmax.f32 v14, v59;
	v12 =	vmul.f32 v6, v5;
	v6 =	vld [tilespmem:s29+$0x0];
	s29 =	sor.u32 s7, s2  }
0x229: {  	s31 =	sor.u32 s0, s18;
	s0 =	sor.u32 s0, s2;
	vm13 =	veq.f32 v13, v11;
	v13 =	vmax.f32 v2, v8;
	v8 =	vld [tilespmem:s30+$0x0];
	s30 =	sor.u32 s6, s2;
	[tilespmem:s29+$0x0] =	vst v57  }
0x22a: {  	s26 =	sor.u32 s1, s2;
	v5 =	vld [tilespmem:s19+$0x0];
	s2 =	sor.u32 s6, s15;
	[dreg:$0x5] =	wrdreg s30  }
0x22b: {  	vm11 =	veq.f32 v19, v11;
	s29 =	sor.u32 s6, s3;
	[dreg:$0x11] =	wrdreg s2  }
0x22c: {  	vm6 =	veq.f32 v7, v21;
	v7 =	vnsel vm11, $0x0, v3;
	[dreg:$0x10] =	wrdreg s29  }
0x22d: {  	s30 =	sor.u32 s6, s8;
	[tilespmem:s4+$0x0] =	vst v7  }
0x22e: {  	s2 =	sor.u32 s6, s9;
	[dreg:$0xe] =	wrdreg s30  }
0x22f: {  	vm12 =	veq.f32 v20, v11;
	s4 =	sor.u32 s6, s13;
	[dreg:$0xc] =	wrdreg s2  }
0x230: {  	vm5 =	veq.f32 v9, v21;
	v9 =	vnsel vm12, $0x0, v3;
	[dreg:$0xa] =	wrdreg s4  }
0x231: {  	vm10 =	veq.f32 v23, v11;
	[tilespmem:s10+$0x0] =	vst v9;
	s10 =	sor.u32 s6, s14  }
0x232: {  	vm0 =	veq.f32 v54, v11;
	vm8 =	veq.f32 v55, v11;
	vm7 =	veq.f32 v56, v11;
	v7 =	vld [tilespmem:s24+$0x0];
	s24 =	sor.u32 s6, s18;
	[dreg:$0x8] =	wrdreg s10  }
0x233: {  	s28 =	sor.u32 s1, s3;
	vm9 =	veq.f32 v58, v11;
	v2 =	vmul.f32 v12, v15;
	v15 =	vnsel vm10, $0x0, v3;
	[dreg:$0x6] =	wrdreg s24  }
0x234: {  	s21 =	sor.u32 s1, s15;
	s11 =	sor.u32 s1, s8;
	s20 =	sor.u32 s1, s13;
	v61 =	vnsel vm13, $0x0, v3;
	v11 =	vmax.f32 v29, v60;
	v12 =	vmax.f32 v30, v10;
	[tilespmem:s16+$0x0] =	vst v15  }
0x235: {  	s23 =	sor.u32 s1, s14;
	s5 =	sor.u32 s1, s18;
	v11 =	vmax.f32 v11, v12;
	s29 =	sld [smem:$0x7D4];
	[tilespmem:s25+$0x0] =	vst v61  }
0x236: {  	v62 =	vnsel vm0, $0x0, v3;
	s19 =	sor.u32 s1, s9;
	s1 =	sor.u32 s7, s18;
	v13 =	vmax.f32 v13, v11;
	v63 =	vmax.f32 v4, v5;
	s30 =	sld [smem:$0x7D5]  }
0x237: {  	s4 =	sor.u32 s7, s13;
	vm0 =	veq.f32 v26, v13;
	vm14 =	veq.f32 v28, v13;
	vm12 =	veq.f32 v14, v13;
	s24 =	sor.u32 s7, s15;
	s15 =	sor.u32 s7, s3;
	v9 =	vld [tilespmem:s12+$0x0]  }
0x238: {  	vm15 =	veq.f32 v59, v13;
	vm13 =	veq.f32 v29, v13;
	v14 =	vmax.f32 v6, v8;
	s10 =	sor.u32 s7, s8;
	s8 =	sor.u32 s7, s9;
	s3 =	sor.u32 s7, s14;
	v11 =	vld [tilespmem:s29+$0x0]  }
0x239: {  	vm11 =	veq.f32 v60, v13;
	vm10 =	veq.f32 v30, v13;
	v14 =	vmax.f32 v63, v14;
	s7 =	simm.s32 $0x200;
	s9 =	simm.s32 $0x20;
	s12 =	simm.s32 $0x0;
	[tilespmem:s22+$0x0] =	vst v62;
	v12 =	vld [tilespmem:s30+$0x0]  }
.LBB2_13:
0x23a: {  	[smem:$0x7C0] =	sst s10  }
0x23b: {  	[dreg:$0x1c] =	wrdreg s15  }
0x23c: {  	[dreg:$0x19] =	wrdreg s8  }
0x23d: {  	[dreg:$0x17] =	wrdreg s24  }
0x23e: {  	[dreg:$0x15] =	wrdreg s3  }
0x23f: {  	s30 =	sand.u32 $0x400, s7;
	s2 =	sand.u32 $0x380, s9;
	s6 =	rddreg [dreg:$0x4]  }
0x240: {  	[dreg:$0x13] =	wrdreg s1;
	v15 =	vnsel vm8, $0x0, v3;
	s3 =	sadd.s32 $0x40, s6;
	s24 =	sor.u32 s2, s30  }
0x241: {  	v16 =	vnsel vm12, $0x0, v1;
	[tilespmem:s17+$0x0] =	vst v15;
	[dreg:$0x4] =	wrdreg s3;
	s13 =	sand.u32 $0x40, s3;
	s2 =	sor.u32 $0x13000, s24  }
0x242: {  	vm8 =	veq.f32 v10, v13;
	v13 =	vnsel vm7, $0x0, v3;
	[tilespmem:s11+$0x0] =	vst v16;
	s8 =	sor.u32 $0x13800, s24;
	s11 =	sor.u32 $0xF000, s24;
	s3 =	smov.u32 s4  }
0x243: {  	v3 =	vnsel vm9, $0x0, v3;
	[tilespmem:s31+$0x0] =	vst v13;
	s4 =	sor.u32 $0x12800, s24;
	s22 =	sor.u32 $0x30, s13;
	s25 =	sor.u32 $0x20, s13  }
0x244: {  	v15 =	vnsel vm0, $0x0, v1;
	[tilespmem:s0+$0x0] =	vst v3;
	s1 =	sor.u32 $0x10, s13;
	s10 =	sor.u32 s13, s2;
	s17 =	sor.u32 s25, s2  }
0x245: {  	v13 =	vnsel vm14, $0x0, v1;
	[tilespmem:s21+$0x0] =	vst v15;
	s6 =	sor.u32 s22, s2;
	s18 =	sor.u32 s25, s8;
	[smem:$0x7BD] =	sst s17  }
0x246: {  	v3 =	vnsel vm15, $0x0, v1;
	[tilespmem:s28+$0x0] =	vst v13;
	s21 =	sor.u32 s1, s2;
	s2 =	sor.u32 s13, s11;
	[smem:$0x7BE] =	sst s18  }
0x247: {  	[tilespmem:s19+$0x0] =	vst v3;
	v10 =	vmax.f32 v7, v9;
	v17 =	vmax.f32 v11, v12;
	s19 =	sor.u32 s22, s11;
	s28 =	sor.u32 s1, s11;
	s17 =	rddreg [dreg:$0x11]  }
0x248: {  	s11 =	sor.u32 s25, s11;
	v10 =	vmax.f32 v10, v17;
	[smem:$0x7C2] =	sst s28;
	s28 =	sor.u32 s22, s4  }
0x249: {  	v18 =	vnsel vm13, $0x0, v1;
	[smem:$0x7CA] =	sst s11;
	v10 =	vmax.f32 v14, v10;
	v24 =	vld [tilespmem:s28+$0x0]  }
0x24a: {  	v19 =	vnsel vm10, $0x0, v1;
	v15 =	vnsel vm11, $0x0, v1;
	s0 =	sor.u32 $0xF800, s24;
	s11 =	rddreg [dreg:$0x5];
	vm7 =	veq.f32 v4, v10;
	v4 =	vld [tilespmem:s10+$0x0]  }
0x24b: {  	v3 =	vnsel vm8, $0x0, v1;
	s15 =	sor.u32 s13, s8;
	s28 =	rddreg [dreg:$0x8];
	vm9 =	veq.f32 v5, v10;
	vm10 =	veq.f32 v6, v10;
	v6 =	vld [tilespmem:s21+$0x0];
	[tilespmem:s20+$0x0] =	vst v18;
	s20 =	sor.u32 s13, s0  }
0x24c: {  	s16 =	sor.u32 s1, s8;
	vm11 =	veq.f32 v8, v10;
	vm12 =	veq.f32 v7, v10;
	vm13 =	veq.f32 v9, v10;
	v5 =	vld [tilespmem:s15+$0x0];
	[smem:$0x7BF] =	sst s20  }
0x24d: {  	s14 =	sor.u32 s22, s8;
	vm8 =	veq.f32 v11, v10;
	vm0 =	veq.f32 v12, v10;
	v8 =	vnsel vm9, $0x0, v2;
	v10 =	vld [tilespmem:s16+$0x0];
	[tilespmem:s5+$0x0] =	vst v19;
	s20 =	rddreg [dreg:$0x10]  }
0x24e: {  	s21 =	sor.u32 s22, s0;
	s15 =	sor.u32 $0x11000, s24;
	v13 =	vnsel vm13, $0x0, v2;
	s5 =	rddreg [dreg:$0xe];
	[tilespmem:s20+$0x0] =	vst v8  }
0x24f: {  	v42 =	vld [tilespmem:s2+$0x0];
	v7 =	vnsel vm7, $0x0, v2;
	v9 =	vnsel vm10, $0x0, v2;
	v11 =	vnsel vm11, $0x0, v2;
	s16 =	sor.u32 $0x10800, s24;
	s20 =	rddreg [dreg:$0xc];
	[tilespmem:s28+$0x0] =	vst v13;
	s28 =	sor.u32 s1, s15  }
0x250: {  	v12 =	vnsel vm12, $0x0, v2;
	v33 =	vnsel vm8, $0x0, v2;
	v35 =	vnsel vm0, $0x0, v2;
	v2 =	vld [tilespmem:$0x1FFD0];
	[tilespmem:s17+$0x0] =	vst v7;
	s17 =	sor.u32 $0x11800, s24;
	s2 =	sor.u32 s25, s16;
	[smem:$0x7C6] =	sst s28  }
0x251: {  	[tilespmem:s26+$0x0] =	vst v3;
	s26 =	sor.u32 s22, s16;
	s28 =	sor.u32 s1, s17;
	[smem:$0x7CD] =	sst s2;
	v34 =	vmul.f32 v4, v4;
	v4 =	vld [tilespmem:s21+$0x0]  }
0x252: {  	s8 =	sor.u32 $0x19800, s24;
	s18 =	sor.u32 s22, s15;
	[smem:$0x7C7] =	sst s28;
	v3 =	vmul.f32 v5, v5;
	v5 =	vld [tilespmem:s26+$0x0]  }
0x253: {  	s21 =	sor.u32 s13, s16;
	v20 =	vmul.f32 v6, v6;
	s26 =	sor.u32 s13, s17;
	v6 =	vld [tilespmem:s18+$0x0];
	s18 =	sor.u32 s22, s17  }
0x254: {  	[smem:$0x7C1] =	sst s26;
	s26 =	sor.u32 $0x12000, s24;
	v44 =	vld [tilespmem:s21+$0x0];
	s21 =	sor.u32 s13, s8  }
0x255: {  	s30 =	sor.u32 $0x18000, s24;
	v7 =	vld [tilespmem:s18+$0x0];
	s18 =	sor.u32 s22, s26;
	[smem:$0x7D3] =	sst s21  }
0x256: {  	s29 =	sor.u32 $0x1A800, s24;
	[tilespmem:s5+$0x0] =	vst v9;
	s28 =	sor.u32 s1, s26;
	v9 =	vld [tilespmem:s18+$0x0];
	s18 =	rddreg [dreg:$0xa]  }
0x257: {  	s31 =	sor.u32 $0x10000, s24;
	v32 =	vld [tilespmem:s6+$0x0];
	s6 =	sor.u32 $0x1A000, s24;
	[smem:$0x7C8] =	sst s28  }
0x258: {  	v14 =	vld [tilespmem:s14+$0x0];
	s14 =	sor.u32 $0x18800, s24;
	s2 =	sor.u32 s25, s26;
	s28 =	rddreg [dreg:$0x6]  }
0x259: {  	[tilespmem:s23+$0x0] =	vst v15;
	s5 =	sor.u32 s13, s26;
	s26 =	sor.u32 s13, s6;
	[dreg:$0x1b] =	wrdreg s2  }
0x25a: {  	v1 =	vld [tilespmem:s19+$0x0];
	s10 =	sor.u32 $0x19000, s24;
	s23 =	sor.u32 s22, s31;
	[tilespmem:s20+$0x0] =	vst v11;
	v11 =	vnsel vm1, $0x0, v0;
	[dreg:$0x1f] =	wrdreg s26  }
0x25b: {  	vm0 =	vnez.u8 v2;
	v2 =	vld [tilespmem:s23+$0x0];
	s2 =	sor.u32 $0x1B000, s24;
	[tilespmem:s3+$0x0] =	vst v11;
	s3 =	sor.u32 $0x1B800, s24;
	s24 =	rddreg [dreg:$0x13]  }
0x25c: {  	s26 =	sld [smem:$0x7C2];
	[tilespmem:s18+$0x0] =	vst v12;
	s18 =	sor.u32 s1, s0  }
0x25d: {  	v13 =	vnsel vm5, $0x0, v0;
	s0 =	sor.u32 s25, s0;
	[smem:$0x7C3] =	sst s18  }
0x25e: {  	[tilespmem:s24+$0x0] =	vst v13;
	s24 =	sor.u32 s25, s10;
	[smem:$0x7CB] =	sst s0  }
0x25f: {  	s18 =	sor.u32 s1, s31;
	[dreg:$0xe] =	wrdreg s24  }
0x260: {  	[smem:$0x7C4] =	sst s18;
	s18 =	sor.u32 s1, s16  }
0x261: {  	[smem:$0x7C5] =	sst s18  }
0x262: {  	s18 =	sld [smem:$0x7BD]  }
0x263: {  	s24 =	sor.u32 s25, s2;
	s16 =	sld [smem:$0x7BF]  }
0x264: {  	[dreg:$0x6] =	wrdreg s24  }
0x265: {  	s20 =	sor.u32 s13, s4;
	v8 =	vmul.f32 v10, v10;
	v26 =	vld [tilespmem:s18+$0x0];
	s18 =	sld [smem:$0x7BE]  }
0x266: {  	v22 =	vnsel vm4, $0x0, v0;
	v15 =	vmul.f32 v32, v32;
	v14 =	vmul.f32 v14, v14;
	v43 =	vld [tilespmem:s16+$0x0];
	s16 =	sor.u32 s25, s4;
	[tilespmem:s28+$0x0] =	vst v33;
	s28 =	sor.u32 s1, s4;
	s4 =	rddreg [dreg:$0x19]  }
0x267: {  	v8 =	vadd.f32 v8, v20;
	[smem:$0x7C9] =	sst s28;
	[tilespmem:s4+$0x0] =	vst v22;
	s4 =	sor.u32 s25, s8  }
0x268: {  	v21 =	vnsel vm3, $0x0, v0;
	v14 =	vadd.f32 v14, v15;
	v15 =	vnsel vm2, $0x0, v0;
	[dreg:$0xc] =	wrdreg s4  }
0x269: {  	s23 =	sor.u32 s13, s15;
	v36 =	vnsel vm0, $0x0, v0;
	v12 =	vnsel vm6, $0x0, v0;
	v0 =	vshra.s32 v8, $0x1;
	s4 =	sld [smem:$0x7C6]  }
0x26a: {  	v41 =	vsub.s32 $0x5F3759DF, v0;
	v0 =	vld [tilespmem:s18+$0x0];
	[tilespmem:s11+$0x0] =	vst v35;
	s18 =	sor.u32 s25, s31;
	s11 =	sor.u32 s25, s15;
	s15 =	rddreg [dreg:$0x17]  }
0x26b: {  	[smem:$0x7CC] =	sst s18  }
0x26c: {  	[smem:$0x7CE] =	sst s11  }
0x26d: {  	v10 =	vshra.s32 v14, $0x1;
	v23 =	vmul.f32 $5.000000000e-01, v14;
	s18 =	sor.u32 s25, s17;
	s11 =	rddreg [dreg:$0x1c]  }
0x26e: {  	v10 =	vsub.s32 $0x5F3759DF, v10;
	[tilespmem:s15+$0x0] =	vst v36;
	s15 =	sor.u32 s13, s30;
	[smem:$0x7D0] =	sst s18  }
0x26f: {  	v37 =	vmul.f32 v10, v23;
	s17 =	sor.u32 s13, s14;
	[smem:$0x7CF] =	sst s15  }
0x270: {  	v3 =	vadd.f32 v3, v34;
	[smem:$0x7D1] =	sst s17  }
0x271: {  	s19 =	sor.u32 s13, s31;
	s21 =	sor.u32 s1, s30;
	v17 =	vmul.f32 v10, v37;
	s18 =	sld [smem:$0x7C0]  }
0x272: {  	v38 =	vshra.s32 v3, $0x1;
	v39 =	vmul.f32 $5.000000000e-01, v3;
	s0 =	sor.u32 s13, s3;
	s24 =	sor.u32 s22, s30;
	[tilespmem:s11+$0x0] =	vst v15;
	s11 =	sld [smem:$0x7C1]  }
0x273: {  	v25 =	vmul.f32 $5.000000000e-01, v8;
	v40 =	vsub.s32 $0x5F3759DF, v38;
	v17 =	vsub.f32 $1.500000000e+00, v17;
	s31 =	sor.u32 s13, s2;
	v15 =	vld [tilespmem:s19+$0x0];
	s19 =	sor.u32 s13, s10;
	s15 =	rddreg [dreg:$0x15]  }
0x274: {  	v27 =	vmax.f32 v1, v4;
	v23 =	vmul.f32 v40, v39;
	v28 =	vmax.f32 v2, v5;
	s17 =	sor.u32 s13, s29;
	s13 =	sor.u32 s25, s30;
	s30 =	sld [smem:$0x7CD]  }
0x275: {  	v29 =	vmax.f32 v6, v7;
	v30 =	vmax.f32 v9, v24;
	v10 =	vmul.f32 v10, v17;
	[smem:$0x7D2] =	sst s19  }
0x276: {  	v46 =	vmax.f32 v27, v28;
	v47 =	vmax.f32 v29, v30;
	v45 =	vmul.f32 v26, v26;
	[tilespmem:s15+$0x0] =	vst v12;
	[dreg:$0x11] =	wrdreg s13;
	s15 =	sor.u32 s25, s14  }
0x277: {  	v48 =	vld [tilespmem:s23+$0x0];
	v26 =	vmax.f32 v46, v47;
	s13 =	sor.u32 s25, s6;
	[dreg:$0x10] =	wrdreg s15;
	v49 =	vmul.f32 v0, v0;
	v0 =	vmul.f32 v10, v14  }
0x278: {  	v13 =	vld [tilespmem:s20+$0x0];
	v25 =	vmul.f32 v41, v25;
	v50 =	vmax.f32 v42, v43;
	vm0 =	veq.f32 v24, v26;
	[dreg:$0xa] =	wrdreg s13  }
0x279: {  	v12 =	vld [tilespmem:s5+$0x0];
	vm2 =	veq.f32 v4, v26;
	vm3 =	veq.f32 v2, v26;
	s15 =	sld [smem:$0x7C4];
	[tilespmem:s18+$0x0] =	vst v21;
	s18 =	sor.u32 s22, s3;
	v24 =	vnsel vm0, $0x0, v0  }
0x27a: {  	s23 =	sor.u32 s1, s29;
	v51 =	vld [tilespmem:s26+$0x0];
	vm4 =	veq.f32 v5, v26;
	v10 =	vmul.f32 v40, v23;
	v14 =	vmul.f32 v41, v25;
	[tilespmem:s18+$0x0] =	vst v24;
	s18 =	sld [smem:$0x7C3]  }
0x27b: {  	s20 =	sor.u32 s1, s6;
	s26 =	sor.u32 s1, s3;
	vm1 =	veq.f32 v6, v26;
	vm6 =	veq.f32 v7, v26;
	s13 =	sld [smem:$0x7C7];
	v11 =	vld [tilespmem:s11+$0x0];
	v21 =	vadd.f32 v49, v45  }
0x27c: {  	s28 =	sor.u32 s1, s14;
	v10 =	vsub.f32 $1.500000000e+00, v10;
	v14 =	vsub.f32 $1.500000000e+00, v14;
	vm0 =	veq.f32 v1, v26;
	v57 =	vld [tilespmem:s15+$0x0];
	s15 =	sor.u32 s22, s14;
	s14 =	sld [smem:$0x7C8]  }
0x27d: {  	v1 =	vimm.s32 $0x0;
	v52 =	vshra.s32 v21, $0x1;
	v53 =	vmul.f32 $5.000000000e-01, v21;
	v54 =	vld [tilespmem:s18+$0x0];
	s18 =	sor.u32 s25, s29;
	s25 =	sor.u32 s25, s3;
	s3 =	sld [smem:$0x7C5]  }
0x27e: {  	s19 =	sor.u32 s1, s8;
	s5 =	sor.u32 s1, s2;
	v1 =	vsel vm0, $0xFFFFFFFF, v1;
	v4 =	vmax.f32 v12, v13;
	v55 =	vsub.s32 $0x5F3759DF, v52;
	[dreg:$0x8] =	wrdreg s18  }
0x27f: {  	s8 =	sor.u32 s22, s8;
	s11 =	sor.u32 s1, s10;
	v59 =	vld [tilespmem:s13+$0x0];
	[tilespmem:$0x1FFD0] =	vst v1;
	v1 =	vmax.f32 v15, v44;
	v14 =	vmul.f32 v41, v14;
	v27 =	vmul.f32 v55, v53;
	[dreg:$0x5] =	wrdreg s25  }
0x280: {  	s10 =	sor.u32 s22, s10;
	s1 =	sor.u32 s22, s2;
	v10 =	vmul.f32 v40, v10;
	v56 =	vmax.f32 v48, v11;
	v23 =	vmax.f32 v50, v1;
	s18 =	sld [smem:$0x7C9];
	v58 =	vld [tilespmem:s3+$0x0]  }
0x281: {  	v1 =	vmul.f32 v14, v8;
	v14 =	vld [tilespmem:s4+$0x0];
	s4 =	sor.u32 s22, s6;
	v2 =	vmax.f32 v56, v4;
	v8 =	vmul.f32 v55, v27;
	s3 =	sor.u32 s22, s29;
	s22 =	sld [smem:$0x7CA]  }
0x282: {  	vm5 =	veq.f32 v9, v26;
	v60 =	vld [tilespmem:s14+$0x0];
	v3 =	vmul.f32 v10, v3;
	v23 =	vmax.f32 v23, v2;
	s25 =	sld [smem:$0x7CB]  }
0x283: {  	vm0 =	veq.f32 v42, v23;
	vm10 =	veq.f32 v43, v23;
	s29 =	sld [smem:$0x7CC];
	v5 =	vsub.f32 $1.500000000e+00, v8;
	v10 =	vld [tilespmem:s18+$0x0]  }
0x284: {  	s13 =	sld [smem:$0x7CF];
	vm11 =	veq.f32 v15, v23;
	vm12 =	veq.f32 v44, v23;
	vm13 =	veq.f32 v48, v23;
	v4 =	vld [tilespmem:s22+$0x0]  }
0x285: {  	s14 =	sld [smem:$0x7D0];
	v2 =	vmax.f32 v51, v54;
	v8 =	vmul.f32 v55, v5;
	v5 =	vld [tilespmem:s25+$0x0];
	v6 =	vmax.f32 v57, v58  }
0x286: {  	s6 =	sld [smem:$0x7CE];
	vm8 =	veq.f32 v11, v23;
	vm7 =	veq.f32 v12, v23;
	v11 =	vmax.f32 v2, v6;
	v6 =	vld [tilespmem:s29+$0x0]  }
0x287: {  	s12 =	sadd.s32 $0x4, s12;
	vm9 =	veq.f32 v13, v23;
	v9 =	vnsel vm0, $0x0, v3;
	s18 =	sld [smem:$0x7D1];
	v2 =	vmul.f32 v8, v21;
	v8 =	vld [tilespmem:s30+$0x0]  }
0x288: {  	p1 =	slt.u32 s12, $0x7C;
	v13 =	vnsel vm10, $0x0, v3;
	v12 =	vmax.f32 v14, v59;
	s25 =	sld [smem:$0x7D2];
	v15 =	vmax.f32 v60, v10  }
.Ltmp8:
0x289: {  	v61 =	vnsel vm11, $0x0, v3;
	v62 =	vnsel vm12, $0x0, v3;
	[tilespmem:s13+$0x0] =	vst v9;
	s22 =	rddreg [dreg:$0x1b];
	v12 =	vmax.f32 v12, v15;
	(pc) =	sbr.rel @p1 .LBB2_13-.Ltmp8, $4  }
0x28a: {  	v7 =	vld [tilespmem:s6+$0x0];
	[tilespmem:s18+$0x0] =	vst v13;
	s29 =	sld [smem:$0x7D3];
	v15 =	vnsel vm13, $0x0, v3;
	v13 =	vmax.f32 v11, v12;
	v63 =	vmax.f32 v4, v5  }
0x28b: {  	v9 =	vld [tilespmem:s14+$0x0];
	[tilespmem:s25+$0x0] =	vst v61;
	s30 =	rddreg [dreg:$0x1f];
	vm0 =	veq.f32 v51, v13;
	vm14 =	veq.f32 v54, v13;
	vm12 =	veq.f32 v57, v13  }
0x28c: {  	v11 =	vld [tilespmem:s22+$0x0];
	[tilespmem:s30+$0x0] =	vst v15;
	vm15 =	veq.f32 v58, v13;
	vm13 =	veq.f32 v14, v13;
	v14 =	vmax.f32 v6, v8  }
0x28d: {  	s7 =	sadd.s32 $0x200, s7;
	s9 =	sadd.s32 $0x20, s9;
	v12 =	vld [tilespmem:s16+$0x0];
	[tilespmem:s29+$0x0] =	vst v62;
	vm11 =	veq.f32 v59, v13;
	vm10 =	veq.f32 v60, v13;
	v14 =	vmax.f32 v63, v14  }
0x28e: {  	v15 =	vnsel vm8, $0x0, v3  }
0x28f: {  	v40 =	vnsel vm0, $0x0, v1;
	[tilespmem:s17+$0x0] =	vst v15  }
0x290: {  	v38 =	vnsel vm7, $0x0, v3;
	[tilespmem:s21+$0x0] =	vst v40  }
0x291: {  	v41 =	vnsel vm14, $0x0, v1;
	[tilespmem:s31+$0x0] =	vst v38  }
0x292: {  	v39 =	vnsel vm9, $0x0, v3;
	[tilespmem:s28+$0x0] =	vst v41  }
0x293: {  	v42 =	vnsel vm12, $0x0, v1;
	[tilespmem:s0+$0x0] =	vst v39  }
0x294: {  	v43 =	vnsel vm15, $0x0, v1;
	[tilespmem:s11+$0x0] =	vst v42  }
0x295: {  	v44 =	vnsel vm13, $0x0, v1;
	[tilespmem:s19+$0x0] =	vst v43  }
0x296: {  	v46 =	vnsel vm11, $0x0, v1;
	v45 =	vmax.f32 v7, v9;
	v16 =	vmax.f32 v11, v12;
	[tilespmem:s20+$0x0] =	vst v44  }
0x297: {  	v47 =	vnsel vm10, $0x0, v1;
	vm15 =	veq.f32 v10, v13;
	v15 =	vmax.f32 v45, v16;
	[tilespmem:s23+$0x0] =	vst v46  }
0x298: {  	v49 =	vnsel vm15, $0x0, v1;
	v48 =	vmax.f32 v14, v15;
	[tilespmem:s5+$0x0] =	vst v47  }
0x299: {  	vm7 =	veq.f32 v4, v48;
	[tilespmem:s26+$0x0] =	vst v49  }
0x29a: {  	v50 =	vnsel vm7, $0x0, v2;
	s0 =	rddreg [dreg:$0x11]  }
0x29b: {  	vm8 =	veq.f32 v5, v48;
	[tilespmem:s0+$0x0] =	vst v50  }
0x29c: {  	v51 =	vnsel vm8, $0x0, v2;
	s0 =	rddreg [dreg:$0x10]  }
0x29d: {  	vm9 =	veq.f32 v6, v48;
	[tilespmem:s0+$0x0] =	vst v51  }
0x29e: {  	v52 =	vnsel vm9, $0x0, v2;
	s0 =	rddreg [dreg:$0xe]  }
0x29f: {  	vm10 =	veq.f32 v8, v48;
	[tilespmem:s0+$0x0] =	vst v52  }
0x2a0: {  	v53 =	vnsel vm10, $0x0, v2;
	s0 =	rddreg [dreg:$0xc]  }
0x2a1: {  	vm11 =	veq.f32 v7, v48;
	[tilespmem:s0+$0x0] =	vst v53  }
0x2a2: {  	v54 =	vnsel vm11, $0x0, v2;
	s0 =	rddreg [dreg:$0xa]  }
0x2a3: {  	vm12 =	veq.f32 v9, v48;
	[tilespmem:s0+$0x0] =	vst v54  }
0x2a4: {  	v55 =	vnsel vm12, $0x0, v2;
	s0 =	rddreg [dreg:$0x8]  }
0x2a5: {  	vm13 =	veq.f32 v11, v48;
	[tilespmem:s0+$0x0] =	vst v55  }
0x2a6: {  	v56 =	vnsel vm13, $0x0, v2;
	s0 =	rddreg [dreg:$0x6]  }
0x2a7: {  	vm14 =	veq.f32 v12, v48;
	[tilespmem:s0+$0x0] =	vst v56  }
0x2a8: {  	v57 =	vnsel vm14, $0x0, v2;
	s0 =	rddreg [dreg:$0x5]  }
0x2a9: {  	[tilespmem:s0+$0x0] =	vst v57  }
0x2aa: {  	v1 =	vld [tilespmem:$0x1FFD0];
	_ =	sdelay $0x4  }
0x2ab: {  	vm15 =	vnez.u8 v1  }
0x2ac: {  	v1 =	vnsel vm15, $0x0, v0  }
0x2ad: {  	v58 =	vnsel vm2, $0x0, v0;
	[tilespmem:s24+$0x0] =	vst v1  }
0x2ae: {  	v59 =	vnsel vm3, $0x0, v0;
	[tilespmem:s15+$0x0] =	vst v58  }
0x2af: {  	v60 =	vnsel vm4, $0x0, v0;
	[tilespmem:s10+$0x0] =	vst v59  }
0x2b0: {  	v61 =	vnsel vm1, $0x0, v0;
	[tilespmem:s8+$0x0] =	vst v60  }
0x2b1: {  	v62 =	vnsel vm6, $0x0, v0;
	[tilespmem:s4+$0x0] =	vst v61  }
0x2b2: {  	v63 =	vnsel vm5, $0x0, v0;
	[tilespmem:s3+$0x0] =	vst v62  }
0x2b3: {  	[tilespmem:s1+$0x0] =	vst v63  }
.Ltmp9:
0x2b4: {  	s0 =	sld [smem:$0x7EF];
	(pc) =	sbr.rel @p0 .LBB2_16-.Ltmp9, $4  }
0x2b5: {  	_ = 	snop  }
0x2b6: {  	s31 =	simm.s32 $0x18000  }
0x2b7: {  	s19 =	simm.s32 $0x800;
	s20 =	simm.s32 $0x400000;
	s0 =	sadd.s32 $0x300, s0  }
0x2b8: {  	[hbm4b:s0+s19] =	stream.strided.scatter [tilespmem:s31], [sflag:$0x6], $0x4000, s20, s19, $0x38;
	[tilespmem:$0x1C000] =	vst v63  }
0x2b9: {  	s0 =	sld [smem:$0x7F6];
	_ =	sdelay $0x1  }
0x2ba: {  	s18 =	sld [smem:$0x7FD]  }
0x2bb: {  	s0 =	sadd.s32 $0x7, s0  }
0x2bc: {  	s21 =	sld [smem:$0x7F5];
	s1 =	sand.u32 $0x78, s0  }
.Ltmp10:
0x2bd: {  	s0 =	sand.u32 $0x7, s0;
	s1 =	sadd.s32 s18, s1;
	(pc) =	sbr.rel .LBB2_2-.Ltmp10, $4  }
0x2be: {  	s0 =	sor.u32 s0, s1  }
0x2bf: {  	s30 =	rddreg [dreg:$0x0];
	s0 =	sshll.u32 s0, $0x8  }
0x2c0: {  	s31 =	simm.s32 $0xF000;
	s21 =	sadd.s32 $0x1, s21;
	s0 =	sadd.s32 s30, s0  }
0x2c1: {  	[tilespmem:s31], [sflag:$0x4] =	stream.strided.gather [hbm4b:s0+s19], $0x5000, s20, s19, $0x38;
	[tilespmem:$0x1C000] =	vst v63  }
.LBB2_17:
0x2c2: {  	_ =	sfence.sel $0x180000  }
0x2c3: {  	[bflag:$0x0] =	sbarrier.arrive $0xFFFF  }
0x2c4: {  	_ =	strace $0x90000047  }
0x2c5: {  	s0 =	stileid.u32;
	[bflag:$0x2] =	sbarrier.arrive $0xFFFF  }
0x2c6: {  	p0 =	sne.s32 s0, $0x0;
	s0 =	rddreg [dreg:$0x2]  }
0x2c7: {  	s0 =	sadd.s32 @!p0 $0x100000, s0  }
0x2c8: {  	[sflag:s0] =	ssyncadd.tile.s32 @!p0 $0x1;
	_ =	shalt  }
.Lfunc_end2:
_tile_overlayer_lowered:
.L_overlay_start_2:
0x2c9: {  	(tag) =	ssettag $0x2  }
0x2ca: {  	s0 =	rddreg [dreg:$0x0];
	s2 =	stileid.u32  }
0x2cb: {  	s1 =	rddreg [dreg:$0x1];
	p0 =	sne.s32 s2, $0x0  }
0x2cc: {  	s3 =	rddreg [dreg:$0x2];
	[bflag:$0x3] =	sbarrier.arrive $0xFFFF;
	s2 =	simm.s32 @!p0 $0x1C07  }
0x2cd: {  	[timem:s3], [sflag:s2] =	dma.local @!p0 [hbm:s0], s1  }
0x2ce: {  	s0 =	simm.s32 @!p0 $0x7  }
0x2cf: {  	_ =	swait.ge @!p0 [sflag:s0], s1  }
0x2d0: {  	s1 =	ssub.s32 @!p0 $0x0, s1;
	[sflag:s0] =	ssyncset.done @!p0 $0x0  }
0x2d1: {  	[sflag:s0] =	ssyncadd.s32 @!p0 s1  }
0x2d2: {  	[bflag:$0x3] =	sbarrier.arrive $0xFFFF  }
0x2d3: {  	_ =	shalt  }

</sc_bundles>
